<compile_context>
chip_gen: v7x
topology: tpu7x:2x2x1
jax: 0.10.2.dev20260603
libtpu: 0.0.44.dev20260713+nightly
codegen_flags: <defaults>
</compile_context>

<pallas_src>
import functools
import math

import jax
import jax.numpy as jnp
from jax import lax
from jax.experimental import pallas as pl
from jax.experimental.pallas import tpu as pltpu
from jax.experimental.pallas import tpu_sc as plsc

_B = 2
_SEQ = 1536
_PRED = 512
_ENC_IN = 7
_DMARK = 4
_DM = 1024
_NH = 16
_DFF = 2048
_L = 2
_BUCKET = 64
_NHASH = 4
_CO = 7
_NCLS = 10
_T = _SEQ + _PRED
_DH = _DM // _NH
_BH = _B * _NH
_NB = _T // _BUCKET
_P = _BH * _NHASH
_NCG = _NHASH * _NB
_PW = 2 * _DH



def _embed_body(xin_ref, w_ref, pe_ref, o_ref):
    o_ref[...] = (
        jnp.dot(xin_ref[...], w_ref[...], preferred_element_type=jnp.float32)
        + pe_ref[...]
    )


def _embed(xcat, w_emb, pe):
    tb = 512
    return pl.pallas_call(
        _embed_body,
        grid=(_B * _T // tb,),
        in_specs=[
            pl.BlockSpec((tb, 32), lambda i: (i, 0)),
            pl.BlockSpec((32, _DM), lambda i: (0, 0)),
            pl.BlockSpec((tb, _DM), lambda i: (i % (_T // tb), 0)),
        ],
        out_specs=pl.BlockSpec((tb, _DM), lambda i: (i, 0)),
        out_shape=jax.ShapeDtypeStruct((_B * _T, _DM), jnp.float32),
    )(xcat, w_emb, pe)



def _proj_body(x_ref, wqk_ref, wv_ref, qv_ref):
    x = x_ref[0]
    qk = jnp.dot(x, wqk_ref[0].T, preferred_element_type=jnp.float32)
    v = jnp.dot(x, wv_ref[0].T, preferred_element_type=jnp.float32)
    qv_ref[0] = jnp.concatenate([qk, v], axis=1)


def _proj(x, wqk, wv):
    tb = 512
    grid = (_B, _NH, _T // tb)
    return pl.pallas_call(
        _proj_body,
        grid=grid,
        in_specs=[
            pl.BlockSpec((1, tb, _DM), lambda b, h, i: (b, i, 0)),
            pl.BlockSpec((1, _DH, _DM), lambda b, h, i: (h, 0, 0)),
            pl.BlockSpec((1, _DH, _DM), lambda b, h, i: (h, 0, 0)),
        ],
        out_specs=pl.BlockSpec((1, tb, _PW),
                               lambda b, h, i: (b * _NH + h, i, 0)),
        out_shape=jax.ShapeDtypeStruct((_BH, _T, _PW), jnp.float32),
    )(x, wqk.reshape(_NH, _DH, _DM), wv.reshape(_NH, _DH, _DM))



_LG = 128
_NG = _T // _LG


def _bucket_body(qv_ref, rot_ref, bucket_ref):
    rows = []
    for k in range(2):
        rT = jax.lax.dot_general(rot_ref[...], qv_ref[k, :, :_DH],
                                 (((0,), (1,)), ((), ())),
                                 preferred_element_type=jnp.float32)
        nh2 = _NB // 2
        for h in range(_NHASH):
            rh = rT[h * nh2:(h + 1) * nh2, :]
            s = jnp.concatenate([rh, -rh], axis=0)
            m = jnp.max(s, axis=0, keepdims=True)
            si = jax.lax.broadcasted_iota(
                jnp.int32, (_NB, _T), 0).astype(jnp.float32)
            bucket = jnp.min(jnp.where(s >= m, si, float(_NB)), axis=0,
                             keepdims=True)
            rows.append(bucket.astype(jnp.int32))
    bucket_ref[...] = jnp.concatenate(rows, axis=0)


def _dest_body(bk_ref, ones_ref, trit_ref, trigt_ref, dest_ref):
    pid = pl.program_id(0)
    rows = []
    for r in range(8):
        bucket = bk_ref[r:r + 1, :].astype(jnp.float32)
        si = jax.lax.broadcasted_iota(
            jnp.int32, (_NB, _T), 0).astype(jnp.float32)
        oh = jnp.where(si == bucket, 1.0, 0.0)
        c = jax.lax.dot_general(oh.astype(jnp.bfloat16), trit_ref[...],
                                (((1,), (0,)), ((), ())),
                                preferred_element_type=jnp.float32)
        rank = jnp.sum(oh * (c - oh), axis=0, keepdims=True)
        g = jax.lax.dot_general(
            trigt_ref[...], oh, (((1,), (0,)), ((), ())),
            preferred_element_type=jnp.float32)
        counts_sq = jax.lax.dot_general(
            oh, ones_ref[...], (((1,), (0,)), ((), ())),
            preferred_element_type=jnp.float32)
        base_mat = jax.lax.dot_general(
            counts_sq, g, (((0,), (0,)), ((), ())),
            preferred_element_type=jnp.float32)
        base = base_mat[0:1, :]
        rows.append((base + rank).astype(jnp.int32) + (pid * 8 + r) * _T)
    dest_ref[...] = jnp.concatenate(rows, axis=0)


def _dest(qv, rot64):
    bucket = pl.pallas_call(
        _bucket_body,
        grid=(_BH // 2,),
        in_specs=[
            pl.BlockSpec((2, _T, _PW), lambda i: (i, 0, 0)),
            pl.BlockSpec((_DH, _NHASH * (_NB // 2)), lambda i: (0, 0)),
        ],
        out_specs=pl.BlockSpec((8, _T), lambda i: (i, 0)),
        out_shape=jax.ShapeDtypeStruct((_P, _T), jnp.int32),
    )(qv, rot64)

    onemat = jnp.ones((_T, _NB), jnp.float32)
    trit = (jax.lax.broadcasted_iota(jnp.int32, (_T, _T), 0)
            <= jax.lax.broadcasted_iota(jnp.int32, (_T, _T), 1)
            ).astype(jnp.bfloat16)
    trigt = (jax.lax.broadcasted_iota(jnp.int32, (_NB, _NB), 1)
             > jax.lax.broadcasted_iota(jnp.int32, (_NB, _NB), 0)
             ).astype(jnp.float32)
    return pl.pallas_call(
        _dest_body,
        grid=(_P // 8,),
        in_specs=[
            pl.BlockSpec((8, _T), lambda i: (i, 0)),
            pl.BlockSpec((_T, _NB), lambda i: (0, 0)),
            pl.BlockSpec((_T, _T), lambda i: (0, 0)),
            pl.BlockSpec((_NB, _NB), lambda i: (0, 0)),
        ],
        out_specs=pl.BlockSpec((8, _T), lambda i: (i, 0)),
        out_shape=jax.ShapeDtypeStruct((_P, _T), jnp.int32),
    )(bucket, onemat, trit, trigt)



def _bmask_body(dc_ref, dp_ref, out_ref):
    b = pl.program_id(0)
    h = pl.program_id(1)
    hp = jax.lax.rem(h + _NHASH - 1, _NHASH)
    pc = b * _NHASH + h
    pp = b * _NHASH + hp
    lc = dc_ref[0] - pc * _T
    lp = dp_ref[0] - pp * _T
    ri = jax.lax.broadcasted_iota(jnp.int32, (_BUCKET, _T), 0)
    uc = (lc == ri).astype(jnp.float32)
    up = (lp == (ri + (_T - _BUCKET))).astype(jnp.float32)
    out_ref[0, 0] = jax.lax.dot_general(
        uc, up, (((1,), (1,)), ((), ())),
        preferred_element_type=jnp.float32)


def _bmask(dest_g):
    grid = (_BH, _NHASH)
    return pl.pallas_call(
        _bmask_body,
        grid=grid,
        in_specs=[
            pl.BlockSpec((1, 1, _T), lambda b, h: (b * _NHASH + h, 0, 0)),
            pl.BlockSpec((1, 1, _T),
                         lambda b, h: (b * _NHASH + (h + _NHASH - 1) % _NHASH,
                                       0, 0)),
        ],
        out_specs=pl.BlockSpec((1, 1, _BUCKET, _BUCKET),
                               lambda b, h: (b, h, 0, 0)),
        out_shape=jax.ShapeDtypeStruct((_BH, _NHASH, _BUCKET, _BUCKET),
                                       jnp.float32),
    )(dest_g.reshape(_P, 1, _T), dest_g.reshape(_P, 1, _T))



_CK = 128


def _sc_scatter_body(qv_hbm, dest_hbm, sqv_hbm, qv_v, idx_v, sem0):
    nc = 2
    bh = lax.axis_index("s") * nc + lax.axis_index("c")

    def chunk(i, carry):
        pltpu.sync_copy(qv_hbm.at[pl.ds(bh * _T + i * _CK, _CK), :], qv_v)

        def per_h(h, c2):
            pltpu.sync_copy(
                dest_hbm.at[bh * _NHASH + h, pl.ds(i * _CK, _CK)], idx_v)
            pltpu.async_copy(qv_v, sqv_hbm.at[idx_v], sem0).wait()
            return c2

        return lax.fori_loop(0, _NHASH, per_h, carry)

    lax.fori_loop(0, _T // _CK, chunk, 0)


def _sc_scatter(qv_flat, dest_g):
    mesh = plsc.VectorSubcoreMesh(core_axis_name="c", subcore_axis_name="s")
    f = pl.kernel(
        _sc_scatter_body,
        out_type=jax.ShapeDtypeStruct((_P * _T, _PW), jnp.float32),
        mesh=mesh,
        scratch_types=[
            pltpu.VMEM((_CK, _PW), jnp.float32),
            pltpu.VMEM((_CK,), jnp.int32),
            pltpu.SemaphoreType.DMA,
        ],
    )
    return f(qv_flat, dest_g)


def _sc_gather_body(sol_hbm, dest_hbm, og_hbm, buf_v, idx_v, sem0):
    nc = 2
    bh = lax.axis_index("s") * nc + lax.axis_index("c")

    def chunk(i, carry):
        def per_h(h, c2):
            p = bh * _NHASH + h
            pltpu.sync_copy(dest_hbm.at[p, pl.ds(i * _CK, _CK)], idx_v)
            pltpu.async_copy(sol_hbm.at[idx_v], buf_v, sem0).wait()
            pltpu.sync_copy(
                buf_v, og_hbm.at[pl.ds(p * _T + i * _CK, _CK), :])
            return c2

        return lax.fori_loop(0, _NHASH, per_h, carry)

    lax.fori_loop(0, _T // _CK, chunk, 0)


def _sc_gather(sol, dest_g):
    mesh = plsc.VectorSubcoreMesh(core_axis_name="c", subcore_axis_name="s")
    f = pl.kernel(
        _sc_gather_body,
        out_type=jax.ShapeDtypeStruct((_P * _T, _PW), jnp.float32),
        mesh=mesh,
        scratch_types=[
            pltpu.VMEM((_CK, _PW), jnp.float32),
            pltpu.VMEM((_CK,), jnp.int32),
            pltpu.SemaphoreType.DMA,
        ],
    )
    return f(sol, dest_g)



_ACH = 8


def _attn_body(qc_ref, qp_ref, bm_ref, sol_ref):
    scale = _DH ** -0.5
    i = pl.program_id(1)
    at_boundary = (jax.lax.rem(i, _NCG // _ACH // _NHASH) == 0
                   ).astype(jnp.float32)
    ri = jax.lax.broadcasted_iota(jnp.int32, (_BUCKET, 2 * _BUCKET), 0)
    ci = jax.lax.broadcasted_iota(jnp.int32, (_BUCKET, 2 * _BUCKET), 1)
    diag = (ci == ri + _BUCKET).astype(jnp.float32)
    for j in range(_ACH):
        cur = qc_ref[0, j]
        prev = qp_ref[0, 0] if j == 0 else qc_ref[0, j - 1]
        q = cur[:, :_DH]
        kfull = jnp.concatenate([prev[:, :_DH], q], axis=0)
        vfull = jnp.concatenate([prev[:, _DH:], cur[:, _DH:]], axis=0)
        nrm = jnp.sqrt(jnp.sum(kfull * kfull, axis=1, keepdims=True))
        kn = kfull / (nrm + 1e-12)
        dots = jax.lax.dot_general(
            q, kn, (((1,), (1,)), ((), ())),
            preferred_element_type=jnp.float32) * scale
        mask = diag
        if j == 0:
            bmask = jnp.concatenate(
                [bm_ref[0, 0] * at_boundary,
                 jnp.zeros((_BUCKET, _BUCKET), jnp.float32)], axis=1)
            mask = jnp.maximum(diag, bmask)
        dots = jnp.where(mask > 0.5, -5e4, dots)
        m = jnp.max(dots, axis=1, keepdims=True)
        e = jnp.exp(dots - m)
        s = jnp.sum(e, axis=1, keepdims=True)
        lse = m + jnp.log(s)
        o = jnp.dot(e / s, vfull,
                    preferred_element_type=jnp.float32)
        sol_ref[0, j] = jnp.concatenate(
            [o, jnp.broadcast_to(lse, (_BUCKET, _DH))], axis=1)


def _attention(sqv, bmask):
    grid = (_BH, _NCG // _ACH)
    prev = lambda b, i: (b, (i * _ACH - 1) % _NCG, 0, 0)
    return pl.pallas_call(
        _attn_body,
        grid=grid,
        in_specs=[
            pl.BlockSpec((1, _ACH, _BUCKET, _PW), lambda b, i: (b, i, 0, 0)),
            pl.BlockSpec((1, 1, _BUCKET, _PW), prev),
            pl.BlockSpec((1, 1, _BUCKET, _BUCKET),
                         lambda b, i: (b, i // (_NCG // _ACH // _NHASH),
                                       0, 0)),
        ],
        out_specs=pl.BlockSpec((1, _ACH, _BUCKET, _PW),
                               lambda b, i: (b, i, 0, 0)),
        out_shape=jax.ShapeDtypeStruct((_BH, _NCG, _BUCKET, _PW),
                                       jnp.float32),
    )(sqv, sqv, bmask)



def _combine_body(og_ref, out_ref):
    tb = og_ref.shape[2]
    halves = []
    for k in range(2):
        ls = [og_ref[k, h, :, _DH:_DH + 1] for h in range(_NHASH)]
        mx = ls[0]
        for h in range(1, _NHASH):
            mx = jnp.maximum(mx, ls[h])
        es = [jnp.exp(l - mx) for l in ls]
        tot = es[0]
        for h in range(1, _NHASH):
            tot = tot + es[h]
        acc = jnp.zeros((tb, _DH), jnp.float32)
        for h in range(_NHASH):
            acc = acc + og_ref[k, h, :, :_DH] * (es[h] / tot)
        halves.append(acc)
    out_ref[0] = jnp.concatenate(halves, axis=1)


def _combine(og):
    tb = 512
    grid = (_B, _NH // 2, _T // tb)
    return pl.pallas_call(
        _combine_body,
        grid=grid,
        in_specs=[
            pl.BlockSpec((2, _NHASH, tb, _PW),
                         lambda b, j, i: (b * (_NH // 2) + j, 0, i, 0)),
        ],
        out_specs=pl.BlockSpec((1, tb, 2 * _DH), lambda b, j, i: (b, i, j)),
        out_shape=jax.ShapeDtypeStruct((_B, _T, _DM), jnp.float32),
    )(og)



def _ln(x, g, b, eps=1e-5):
    mu = jnp.mean(x, axis=-1, keepdims=True)
    var = jnp.mean((x - mu) ** 2, axis=-1, keepdims=True)
    return (x - mu) / jnp.sqrt(var + eps) * g + b


def _wo_body(a_ref, w_ref, bo_ref, res_ref, g_ref, b_ref, o_ref):
    xo = (jax.lax.dot_general(
        a_ref[...], w_ref[...], (((1,), (1,)), ((), ())),
        preferred_element_type=jnp.float32) + bo_ref[...] + res_ref[...])
    o_ref[...] = _ln(xo, g_ref[...], b_ref[...])


def _wo_ln(attn2, wo, bo, res2, g, b):
    tb = 256
    return pl.pallas_call(
        _wo_body,
        grid=(_B * _T // tb,),
        in_specs=[
            pl.BlockSpec((tb, _DM), lambda i: (i, 0)),
            pl.BlockSpec((_DM, _DM), lambda i: (0, 0)),
            pl.BlockSpec((1, _DM), lambda i: (0, 0)),
            pl.BlockSpec((tb, _DM), lambda i: (i, 0)),
            pl.BlockSpec((1, _DM), lambda i: (0, 0)),
            pl.BlockSpec((1, _DM), lambda i: (0, 0)),
        ],
        out_specs=pl.BlockSpec((tb, _DM), lambda i: (i, 0)),
        out_shape=jax.ShapeDtypeStruct((_B * _T, _DM), jnp.float32),
    )(attn2, wo, bo.reshape(1, _DM), res2, g.reshape(1, _DM),
      b.reshape(1, _DM))


def _ffn1_body(y_ref, w_ref, b_ref, o_ref):
    h = (jax.lax.dot_general(
        y_ref[...], w_ref[...], (((1,), (1,)), ((), ())),
        preferred_element_type=jnp.float32) + b_ref[...])
    o_ref[...] = 0.5 * h * (1.0 + jax.lax.erf(h * (0.5 ** 0.5)))


def _ffn1(y2, c1w, c1b):
    tb = 256
    return pl.pallas_call(
        _ffn1_body,
        grid=(_B * _T // tb,),
        in_specs=[
            pl.BlockSpec((tb, _DM), lambda i: (i, 0)),
            pl.BlockSpec((_DFF, _DM), lambda i: (0, 0)),
            pl.BlockSpec((1, _DFF), lambda i: (0, 0)),
        ],
        out_specs=pl.BlockSpec((tb, _DFF), lambda i: (i, 0)),
        out_shape=jax.ShapeDtypeStruct((_B * _T, _DFF), jnp.float32),
    )(y2, c1w, c1b.reshape(1, _DFF))


def _ffn2_body(h_ref, w_ref, b_ref, res_ref, g_ref, bb_ref, o_ref):
    z = (jax.lax.dot_general(
        h_ref[...], w_ref[...], (((1,), (1,)), ((), ())),
        preferred_element_type=jnp.float32) + b_ref[...] + res_ref[...])
    o_ref[...] = _ln(z, g_ref[...], bb_ref[...])


def _ffn2(hh, c2w, c2b, res2, g, b):
    tb = 256
    return pl.pallas_call(
        _ffn2_body,
        grid=(_B * _T // tb,),
        in_specs=[
            pl.BlockSpec((tb, _DFF), lambda i: (i, 0)),
            pl.BlockSpec((_DM, _DFF), lambda i: (0, 0)),
            pl.BlockSpec((1, _DM), lambda i: (0, 0)),
            pl.BlockSpec((tb, _DM), lambda i: (i, 0)),
            pl.BlockSpec((1, _DM), lambda i: (0, 0)),
            pl.BlockSpec((1, _DM), lambda i: (0, 0)),
        ],
        out_specs=pl.BlockSpec((tb, _DM), lambda i: (i, 0)),
        out_shape=jax.ShapeDtypeStruct((_B * _T, _DM), jnp.float32),
    )(hh, c2w, c2b.reshape(1, _DM), res2, g.reshape(1, _DM),
      b.reshape(1, _DM))


def _head_body(x_ref, g_ref, b_ref, pw_ref, pb_ref, o_ref):
    y = _ln(x_ref[...], g_ref[...], b_ref[...])
    o_ref[...] = (jax.lax.dot_general(
        y, pw_ref[...], (((1,), (1,)), ((), ())),
        preferred_element_type=jnp.float32) + pb_ref[...])


def _head(x2, fng, fnb, pw, pb):
    tb = 256
    return pl.pallas_call(
        _head_body,
        grid=(_B * _T // tb,),
        in_specs=[
            pl.BlockSpec((tb, _DM), lambda i: (i, 0)),
            pl.BlockSpec((1, _DM), lambda i: (0, 0)),
            pl.BlockSpec((1, _DM), lambda i: (0, 0)),
            pl.BlockSpec((_CO, _DM), lambda i: (0, 0)),
            pl.BlockSpec((1, _CO), lambda i: (0, 0)),
        ],
        out_specs=pl.BlockSpec((tb, _CO), lambda i: (i, 0)),
        out_shape=jax.ShapeDtypeStruct((_B * _T, _CO), jnp.float32),
    )(x2, fng.reshape(1, _DM), fnb.reshape(1, _DM), pw, pb.reshape(1, _CO))


def _cls_body(x_ref, w_ref, b_ref, o_ref):
    z = (jax.lax.dot_general(
        x_ref[...], w_ref[...], (((1,), (1,)), ((), ())),
        preferred_element_type=jnp.float32) + b_ref[...])
    m = jnp.max(z, axis=1, keepdims=True)
    e = jnp.exp(z - m)
    o_ref[...] = e / jnp.sum(e, axis=1, keepdims=True)


def _cls(xf, fw, fb):
    return pl.pallas_call(
        _cls_body,
        grid=(1,),
        in_specs=[
            pl.BlockSpec((8, _CO * _PRED), lambda i: (0, 0)),
            pl.BlockSpec((_NCLS, _CO * _PRED), lambda i: (0, 0)),
            pl.BlockSpec((1, _NCLS), lambda i: (0, 0)),
        ],
        out_specs=pl.BlockSpec((8, _NCLS), lambda i: (0, 0)),
        out_shape=jax.ShapeDtypeStruct((8, _NCLS), jnp.float32),
    )(xf, fw, fb.reshape(1, _NCLS))



def _pos_embedding():
    position = jnp.arange(_T, dtype=jnp.float32)[:, None]
    div = jnp.exp(jnp.arange(0, _DM, 2, dtype=jnp.float32)
                  * -(math.log(10000.0) / _DM))
    pe = jnp.zeros((_T, _DM), jnp.float32)
    pe = pe.at[:, 0::2].set(jnp.sin(position * div))
    pe = pe.at[:, 1::2].set(jnp.cos(position * div))
    return pe


def kernel(x_enc, x_mark_enc, x_dec, x_mark_dec, conv_W, temp_W, Wqk, Wv,
           Wo, bo, c1W, c1b, c2W, c2b, n1g, n1b, n2g, n2b, fng, fnb, pW,
           pb, fW, fb):
    xe = jnp.concatenate([x_enc, x_dec[:, -_PRED:, :]], axis=1)
    xm = jnp.concatenate([x_mark_enc, x_mark_dec[:, -_PRED:, :]], axis=1)

    xp = jnp.concatenate([xe[:, -1:], xe, xe[:, :1]], axis=1)
    xcat = jnp.concatenate(
        [xp[:, :-2], xp[:, 1:-1], xp[:, 2:], xm], axis=-1)
    xcat = jnp.pad(xcat, ((0, 0), (0, 0), (0, 7)))
    w_emb = jnp.concatenate(
        [conv_W[:, :, 0].T, conv_W[:, :, 1].T, conv_W[:, :, 2].T, temp_W.T,
         jnp.zeros((7, _DM), jnp.float32)], axis=0)
    x2 = _embed(xcat.reshape(_B * _T, 32), w_emb, _pos_embedding())
    x = x2.reshape(_B, _T, _DM)

    for l in range(_L):
        rot = jax.random.normal(
            jax.random.fold_in(jax.random.key(42), l),
            (_DH, _NHASH, _NB // 2), dtype=jnp.float32)
        qv = _proj(x, Wqk[l], Wv[l])
        dest_g = _dest(qv, rot.reshape(_DH, _NHASH * _NB // 2))
        dest_g = dest_g.reshape(_P, _T)
        bmask = _bmask(dest_g)
        sqv = _sc_scatter(qv.reshape(_BH * _T, _PW), dest_g)
        sol = _attention(sqv.reshape(_BH, _NCG, _BUCKET, _PW), bmask)
        og = _sc_gather(sol.reshape(_P * _T, _PW), dest_g)
        attn = _combine(og.reshape(_BH, _NHASH, _T, _PW))
        x2 = _wo_ln(attn.reshape(_B * _T, _DM), Wo[l], bo[l],
                    x.reshape(_B * _T, _DM), n1g[l], n1b[l])
        hh = _ffn1(x2, c1W[l], c1b[l])
        x2 = _ffn2(hh, c2W[l], c2b[l], x2, n2g[l], n2b[l])
        x = x2.reshape(_B, _T, _DM)

    outp = _head(x.reshape(_B * _T, _DM), fng, fnb, pW, pb)
    outp = outp.reshape(_B, _T, _CO)[:, -_PRED:, :].reshape(_B, _PRED * _CO)
    outp = jnp.pad(outp, ((0, 8 - _B), (0, 0)))
    return _cls(outp, fW, fb)[:_B]

# --- scband reference (transcript-rebuilt; emitter-appended) ---
"""Pipeline reference for scband-model-15710990369146 (READ-ONLY COPY).

The authoritative reference and input builder live on the scoring server;
editing this copy changes nothing except your own understanding.
"""

import jax, jax.numpy as jnp
import numpy as np

B = 2
SEQ = 1536
PRED = 512
ENC_IN = 7
DMARK = 4
DM = 1024
NH = 16
DFF = 2048
L = 2
BUCKET = 64
NHASH = 4
CO = 7
NCLS = 10


def setup_inputs(seed: int = 0):
    key = jax.random.key(seed)
    ks = jax.random.split(key, 16)
    def nrm(k, shape, s=0.02):
        return jax.random.normal(k, shape, dtype=jnp.float32) * s
    return {
        'x_enc': jax.random.normal(ks[0], (B, SEQ, ENC_IN), dtype=jnp.float32),
        'x_mark_enc': jax.random.normal(ks[1], (B, SEQ, DMARK), dtype=jnp.float32),
        'x_dec': jax.random.normal(ks[2], (B, PRED, ENC_IN), dtype=jnp.float32),
        'x_mark_dec': jax.random.normal(ks[3], (B, PRED, DMARK), dtype=jnp.float32),
        'conv_W': nrm(ks[4], (DM, ENC_IN, 3)),
        'temp_W': nrm(ks[5], (DM, DMARK)),
        'Wqk': nrm(ks[6], (L, DM, DM)),
        'Wv': nrm(ks[7], (L, DM, DM)),
        'Wo': nrm(ks[8], (L, DM, DM)),
        'bo': jnp.zeros((L, DM), dtype=jnp.float32),
        'c1W': nrm(ks[9], (L, DFF, DM)),
        'c1b': jnp.zeros((L, DFF), dtype=jnp.float32),
        'c2W': nrm(ks[10], (L, DM, DFF)),
        'c2b': jnp.zeros((L, DM), dtype=jnp.float32),
        'n1g': jnp.ones((L, DM), dtype=jnp.float32),
        'n1b': jnp.zeros((L, DM), dtype=jnp.float32),
        'n2g': jnp.ones((L, DM), dtype=jnp.float32),
        'n2b': jnp.zeros((L, DM), dtype=jnp.float32),
        'fng': jnp.ones((DM,), dtype=jnp.float32),
        'fnb': jnp.zeros((DM,), dtype=jnp.float32),
        'pW': nrm(ks[11], (CO, DM)),
        'pb': jnp.zeros((CO,), dtype=jnp.float32),
        'fW': nrm(ks[12], (NCLS, CO * PRED)),
        'fb': jnp.zeros((NCLS,), dtype=jnp.float32),
    }


def layer_norm(x, g, b, eps=1e-5):
    mu = jnp.mean(x, axis=-1, keepdims=True)
    var = jnp.mean((x - mu) ** 2, axis=-1, keepdims=True)
    return (x - mu) / jnp.sqrt(var + eps) * g + b


def positional_embedding(T, d):
    position = jnp.arange(T, dtype=jnp.float32)[:, None]
    div_term = jnp.exp(jnp.arange(0, d, 2, dtype=jnp.float32) * -(jnp.log(10000.0) / d))
    pe = jnp.zeros((T, d), dtype=jnp.float32)
    pe = pe.at[:, 0::2].set(jnp.sin(position * div_term))
    pe = pe.at[:, 1::2].set(jnp.cos(position * div_term))
    return pe


def token_conv(x, W):
    # Conv1d(enc_in, d_model, kernel=3, padding=1, padding_mode='circular', bias=False)
    xp = jnp.concatenate([x[:, -1:], x, x[:, :1]], axis=1)
    return (jnp.einsum('btc,oc->bto', xp[:, :-2], W[:, :, 0])
            + jnp.einsum('btc,oc->bto', xp[:, 1:-1], W[:, :, 1])
            + jnp.einsum('btc,oc->bto', xp[:, 2:], W[:, :, 2]))


def look_one_back(x):
    prev = jnp.concatenate([x[:, -1:], x[:, :-1]], axis=1)
    return jnp.concatenate([prev, x], axis=2)


def lsh_attention(qk, v, rot):
    # qk, v: [B*H, T, dh] shared-QK LSH attention (reformer-style)
    Bh, T, dh = qk.shape
    n_buckets = T // BUCKET
    rotated = jnp.einsum('btf,fhi->bhti', qk, rot)
    rotated = jnp.concatenate([rotated, -rotated], axis=-1)
    buckets = jnp.argmax(rotated, axis=-1)  # [Bh, NHASH, T]
    buckets = buckets + (jnp.arange(NHASH) * n_buckets)[None, :, None]
    buckets = buckets.reshape(Bh, NHASH * T)
    ticker = jnp.broadcast_to(jnp.arange(NHASH * T)[None], (Bh, NHASH * T))
    b_t = buckets * T + (ticker % T)
    sort_idx = jnp.argsort(b_t, axis=-1)
    undo_idx = jnp.argsort(sort_idx, axis=-1)
    sticker = jnp.take_along_axis(b_t, sort_idx, axis=-1)
    st = sticker % T
    sqk = jnp.take_along_axis(qk, st[..., None], axis=1)
    sv = jnp.take_along_axis(v, st[..., None], axis=1)
    n_chunks = NHASH * n_buckets
    cs = BUCKET
    bq_t = st.reshape(Bh, n_chunks, cs)
    bqk = sqk.reshape(Bh, n_chunks, cs, dh)
    bvv = sv.reshape(Bh, n_chunks, cs, dh)
    bq = bqk
    bk = bqk / (jnp.linalg.norm(bqk, axis=-1, keepdims=True) + 1e-12)
    bk = look_one_back(bk)
    bvv = look_one_back(bvv)
    bkv_t = jnp.concatenate([jnp.concatenate([bq_t[:, -1:], bq_t[:, :-1]], axis=1), bq_t], axis=2)
    dots = jnp.einsum('bcid,bcjd->bcij', bq, bk) * (dh ** -0.5)
    self_mask = bq_t[:, :, :, None] == bkv_t[:, :, None, :]
    dots = jnp.where(self_mask, -5e4, dots)
    lse = jax.scipy.special.logsumexp(dots, axis=-1, keepdims=True)
    p = jnp.exp(dots - lse)
    bo = jnp.einsum('bcij,bcjd->bcid', p, bvv)
    so = bo.reshape(Bh, NHASH * T, dh)
    slog = lse.reshape(Bh, NHASH * T)
    o = jnp.take_along_axis(so, undo_idx[..., None], axis=1)
    logits = jnp.take_along_axis(slog, undo_idx, axis=1)
    o = o.reshape(Bh, NHASH, T, dh)
    logits = logits.reshape(Bh, NHASH, T, 1)
    probs = jnp.exp(logits - jax.scipy.special.logsumexp(logits, axis=1, keepdims=True))
    return jnp.sum(o * probs, axis=1)


def _forward(x_enc, x_mark_enc, x_dec, x_mark_dec, conv_W, temp_W, Wqk, Wv, Wo, bo, c1W, c1b, c2W, c2b, n1g, n1b, n2g, n2b, fng, fnb, pW, pb, fW, fb):
    xe = jnp.concatenate([x_enc, x_dec[:, -PRED:, :]], axis=1)
    xm = jnp.concatenate([x_mark_enc, x_mark_dec[:, -PRED:, :]], axis=1)
    Bsz, T = xe.shape[0], xe.shape[1]
    x = token_conv(xe, conv_W) + positional_embedding(T, DM)[None] + xm @ temp_W.T
    dh = DM // NH
    for l in range(L):
        rot = jax.random.normal(jax.random.fold_in(jax.random.key(42), l), (dh, NHASH, (T // BUCKET) // 2), dtype=jnp.float32)
        qk = (x @ Wqk[l].T).reshape(Bsz, T, NH, dh).transpose(0, 2, 1, 3).reshape(Bsz * NH, T, dh)
        v = (x @ Wv[l].T).reshape(Bsz, T, NH, dh).transpose(0, 2, 1, 3).reshape(Bsz * NH, T, dh)
        attn_out = lsh_attention(qk, v, rot)
        attn_out = attn_out.reshape(Bsz, NH, T, dh).transpose(0, 2, 1, 3).reshape(Bsz, T, DM)
        new_x = attn_out @ Wo[l].T + bo[l]
        x = x + new_x
        y = x = layer_norm(x, n1g[l], n1b[l])
        y = jax.nn.gelu(y @ c1W[l].T + c1b[l], approximate=False)
        y = y @ c2W[l].T + c2b[l]
        x = layer_norm(x + y, n2g[l], n2b[l])
    x = layer_norm(x, fng, fnb)
    out = x @ pW.T + pb
    out = out[:, -PRED:, :]
    out = out.reshape(Bsz, PRED * CO)
    out = out @ fW.T + fb
    return jax.nn.softmax(out, axis=1)


def reference(x_enc, x_mark_enc, x_dec, x_mark_dec, conv_W, temp_W, Wqk, Wv, Wo, bo, c1W, c1b, c2W, c2b, n1g, n1b, n2g, n2b, fng, fnb, pW, pb, fW, fb):
    return _forward(x_enc, x_mark_enc, x_dec, x_mark_dec, conv_W, temp_W, Wqk, Wv, Wo, bo, c1W, c1b, c2W, c2b, n1g, n1b, n2g, n2b, fng, fnb, pW, pb, fW, fb)

if __name__ == "__main__":
    import jax
    _d = setup_inputs()
    print(jax.jit(kernel)(*tuple(_d.values())))

</pallas_src>

<mosaic_0001>
#map = affine_map<(d0, d1) -> (0, 0)>
module attributes {stable_mosaic.version = 14 : i64} {
  func.func @_sc_scatter_body(%arg0: i32, %arg1: i32, %arg2: memref<65536x128xf32, #tpu.memory_space<hbm>>, %arg3: memref<128x2048xi32, #tpu.memory_space<hbm>>, %arg4: memref<262144x128xf32, #tpu.memory_space<hbm>>, %arg5: memref<128x128xf32, #tpu.memory_space<vmem>>, %arg6: memref<128xi32, #tpu.memory_space<vmem>>, %arg7: memref<!tpu.dma_semaphore, #tpu.memory_space<semaphore_mem>>) attributes {dimension_semantics = [#tpu.dimension_semantics<core_parallel>, #tpu.dimension_semantics<subcore_parallel>], iteration_bounds = array<i64: 2, 16>, scalar_prefetch = 0 : i64, scratch_operands = 3 : i64, tpu.core_type = #tpu.core_type<sc_vector_subcore>, window_params = [{transform_indices = #map}, {transform_indices = #map}, {transform_indices = #map}]} {
    %mul3A = arith.constant 2 : i32
    %mul3A_0 = arith.muli %arg1, %mul3A : i32
    %add3A = arith.addi %mul3A_0, %arg0 : i32
    %scan3A = arith.constant 0 : i32
    %scan3A_1 = arith.constant 0 : i32
    %scan3A_2 = arith.constant 16 : i32
    %scan3A_3 = arith.addi %scan3A_1, %scan3A_2 : i32
    %scan3A_4 = arith.constant 1 : i32
    scf.for %scan3A_6 = %scan3A_1 to %scan3A_3 step %scan3A_4  : i32 {
      %mul3A_7 = arith.constant 2048 : i32
      %mul3A_8 = arith.muli %add3A, %mul3A_7 : i32
      %mul3A_9 = arith.constant 128 : i32
      %mul3A_10 = arith.muli %scan3A_6, %mul3A_9 : i32
      %add3A_11 = arith.addi %mul3A_8, %mul3A_10 : i32
      "tpu.region"() ({
        %run_scoped3A = tpu.sem_alloc : memref<!tpu.dma_semaphore, #tpu.memory_space<semaphore_mem>>
        %dma_start3A = arith.constant 0 : i32
        %dma_start3A_17 = tpu.memref_slice %arg2[%add3A_11, %dma_start3A] : memref<65536x128xf32, #tpu.memory_space<hbm>> -> memref<128x128xf32, #tpu.memory_space<hbm>>
        %dma_start3A_18 = arith.constant 0 : i32
        %dma_start3A_19 = tpu.memref_slice %arg2[%add3A_11, %dma_start3A_18] : memref<65536x128xf32, #tpu.memory_space<hbm>> -> memref<128x128xf32, #tpu.memory_space<hbm>>
        tpu.enqueue_dma source(%dma_start3A_19 : memref<128x128xf32, #tpu.memory_space<hbm>>) target(%arg5 : memref<128x128xf32, #tpu.memory_space<vmem>>) target_semaphore(%run_scoped3A : memref<!tpu.dma_semaphore, #tpu.memory_space<semaphore_mem>>)
        %dma_wait3A = arith.constant 0 : i32
        %dma_wait3A_20 = tpu.memref_slice %arg2[%add3A_11, %dma_wait3A] : memref<65536x128xf32, #tpu.memory_space<hbm>> -> memref<128x128xf32, #tpu.memory_space<hbm>>
        %dma_wait3A_21 = arith.constant 0 : i32
        %dma_wait3A_22 = tpu.memref_slice %arg2[%add3A_11, %dma_wait3A_21] : memref<65536x128xf32, #tpu.memory_space<hbm>> -> memref<128x128xf32, #tpu.memory_space<hbm>>
        tpu.wait_dma2 semaphore(%run_scoped3A : memref<!tpu.dma_semaphore, #tpu.memory_space<semaphore_mem>>) src(%dma_wait3A_22 : memref<128x128xf32, #tpu.memory_space<hbm>>) dst(%arg5 : memref<128x128xf32, #tpu.memory_space<vmem>>)
        tpu.yield
      }) : () -> ()
      %scan3A_12 = arith.constant 0 : i32
      %scan3A_13 = arith.constant 4 : i32
      %scan3A_14 = arith.addi %scan3A_12, %scan3A_13 : i32
      %scan3A_15 = arith.constant 1 : i32
      scf.for %scan3A_17 = %scan3A_12 to %scan3A_14 step %scan3A_15  : i32 {
        %mul3A_18 = arith.constant 4 : i32
        %mul3A_19 = arith.muli %add3A, %mul3A_18 : i32
        %add3A_20 = arith.addi %mul3A_19, %scan3A_17 : i32
        %mul3A_21 = arith.constant 128 : i32
        %mul3A_22 = arith.muli %scan3A_6, %mul3A_21 : i32
        "tpu.region"() ({
          %run_scoped3A = tpu.sem_alloc : memref<!tpu.dma_semaphore, #tpu.memory_space<semaphore_mem>>
          %dma_start3A_27 = tpu.memref_slice %arg3[%add3A_20, %mul3A_22] : memref<128x2048xi32, #tpu.memory_space<hbm>> -> memref<1x128xi32, #tpu.memory_space<hbm>>
          %dma_start3A_28 = tpu.memref_squeeze %dma_start3A_27 : memref<1x128xi32, #tpu.memory_space<hbm>> -> memref<128xi32, #tpu.memory_space<hbm>>
          %dma_start3A_29 = tpu.memref_slice %arg3[%add3A_20, %mul3A_22] : memref<128x2048xi32, #tpu.memory_space<hbm>> -> memref<1x128xi32, #tpu.memory_space<hbm>>
          %dma_start3A_30 = tpu.memref_squeeze %dma_start3A_29 : memref<1x128xi32, #tpu.memory_space<hbm>> -> memref<128xi32, #tpu.memory_space<hbm>>
          tpu.enqueue_dma source(%dma_start3A_30 : memref<128xi32, #tpu.memory_space<hbm>>) target(%arg6 : memref<128xi32, #tpu.memory_space<vmem>>) target_semaphore(%run_scoped3A : memref<!tpu.dma_semaphore, #tpu.memory_space<semaphore_mem>>)
          %dma_wait3A_31 = tpu.memref_slice %arg3[%add3A_20, %mul3A_22] : memref<128x2048xi32, #tpu.memory_space<hbm>> -> memref<1x128xi32, #tpu.memory_space<hbm>>
          %dma_wait3A_32 = tpu.memref_squeeze %dma_wait3A_31 : memref<1x128xi32, #tpu.memory_space<hbm>> -> memref<128xi32, #tpu.memory_space<hbm>>
          %dma_wait3A_33 = tpu.memref_slice %arg3[%add3A_20, %mul3A_22] : memref<128x2048xi32, #tpu.memory_space<hbm>> -> memref<1x128xi32, #tpu.memory_space<hbm>>
          %dma_wait3A_34 = tpu.memref_squeeze %dma_wait3A_33 : memref<1x128xi32, #tpu.memory_space<hbm>> -> memref<128xi32, #tpu.memory_space<hbm>>
          tpu.wait_dma2 semaphore(%run_scoped3A : memref<!tpu.dma_semaphore, #tpu.memory_space<semaphore_mem>>) src(%dma_wait3A_34 : memref<128xi32, #tpu.memory_space<hbm>>) dst(%arg6 : memref<128xi32, #tpu.memory_space<vmem>>)
          tpu.yield
        }) : () -> ()
        %dma_start3A = arith.constant 0 : i32
        %dma_start3A_23 = arith.constant 0 : i32
        %dma_start3A_24 = tpu.memref_slice %arg4[%dma_start3A, %dma_start3A_23] : memref<262144x128xf32, #tpu.memory_space<hbm>> -> memref<262144x128xf32, #tpu.memory_space<hbm>>
        tpu.enqueue_indirect_dma source(%arg5 : memref<128x128xf32, #tpu.memory_space<vmem>>) target(%dma_start3A_24 : memref<262144x128xf32, #tpu.memory_space<hbm>>) offsets(%arg6 : memref<128xi32, #tpu.memory_space<vmem>>) semaphore(%arg7 : memref<!tpu.dma_semaphore, #tpu.memory_space<semaphore_mem>>)
        %dma_wait3A = arith.constant 0 : i32
        %dma_wait3A_25 = arith.constant 0 : i32
        %dma_wait3A_26 = tpu.memref_slice %arg4[%dma_wait3A, %dma_wait3A_25] : memref<262144x128xf32, #tpu.memory_space<hbm>> -> memref<262144x128xf32, #tpu.memory_space<hbm>>
        tpu.wait_indirect_dma semaphore(%arg7 : memref<!tpu.dma_semaphore, #tpu.memory_space<semaphore_mem>>) src(%arg5 : memref<128x128xf32, #tpu.memory_space<vmem>>) dst(%dma_wait3A_26 : memref<262144x128xf32, #tpu.memory_space<hbm>>)
      }
      %scan3A_16 = arith.constant 4 : i32
    }
    %scan3A_5 = arith.constant 16 : i32
    return
  }
}

#map = affine_map<(d0, d1) -> (0, 0)>
module attributes {stable_mosaic.version = 14 : i64} {
  func.func @_sc_scatter_body(%arg0: i32, %arg1: i32, %arg2: memref<65536x128xf32, #tpu.memory_space<hbm>>, %arg3: memref<128x2048xi32, #tpu.memory_space<hbm>>, %arg4: memref<262144x128xf32, #tpu.memory_space<hbm>>, %arg5: memref<128x128xf32, #tpu.memory_space<vmem>>, %arg6: memref<128xi32, #tpu.memory_space<vmem>>, %arg7: memref<!tpu.dma_semaphore, #tpu.memory_space<semaphore_mem>>) attributes {dimension_semantics = [#tpu.dimension_semantics<core_parallel>, #tpu.dimension_semantics<subcore_parallel>], iteration_bounds = array<i64: 2, 16>, scalar_prefetch = 0 : i64, scratch_operands = 3 : i64, tpu.core_type = #tpu.core_type<sc_vector_subcore>, window_params = [{transform_indices = #map}, {transform_indices = #map}, {transform_indices = #map}]} {
    %mul3A = arith.constant 2 : i32
    %mul3A_0 = arith.muli %arg1, %mul3A : i32
    %add3A = arith.addi %mul3A_0, %arg0 : i32
    %scan3A = arith.constant 0 : i32
    %scan3A_1 = arith.constant 0 : i32
    %scan3A_2 = arith.constant 16 : i32
    %scan3A_3 = arith.addi %scan3A_1, %scan3A_2 : i32
    %scan3A_4 = arith.constant 1 : i32
    scf.for %scan3A_6 = %scan3A_1 to %scan3A_3 step %scan3A_4  : i32 {
      %mul3A_7 = arith.constant 2048 : i32
      %mul3A_8 = arith.muli %add3A, %mul3A_7 : i32
      %mul3A_9 = arith.constant 128 : i32
      %mul3A_10 = arith.muli %scan3A_6, %mul3A_9 : i32
      %add3A_11 = arith.addi %mul3A_8, %mul3A_10 : i32
      "tpu.region"() ({
        %run_scoped3A = tpu.sem_alloc : memref<!tpu.dma_semaphore, #tpu.memory_space<semaphore_mem>>
        %dma_start3A = arith.constant 0 : i32
        %dma_start3A_17 = tpu.memref_slice %arg2[%add3A_11, %dma_start3A] : memref<65536x128xf32, #tpu.memory_space<hbm>> -> memref<128x128xf32, #tpu.memory_space<hbm>>
        %dma_start3A_18 = arith.constant 0 : i32
        %dma_start3A_19 = tpu.memref_slice %arg2[%add3A_11, %dma_start3A_18] : memref<65536x128xf32, #tpu.memory_space<hbm>> -> memref<128x128xf32, #tpu.memory_space<hbm>>
        tpu.enqueue_dma source(%dma_start3A_19 : memref<128x128xf32, #tpu.memory_space<hbm>>) target(%arg5 : memref<128x128xf32, #tpu.memory_space<vmem>>) target_semaphore(%run_scoped3A : memref<!tpu.dma_semaphore, #tpu.memory_space<semaphore_mem>>)
        %dma_wait3A = arith.constant 0 : i32
        %dma_wait3A_20 = tpu.memref_slice %arg2[%add3A_11, %dma_wait3A] : memref<65536x128xf32, #tpu.memory_space<hbm>> -> memref<128x128xf32, #tpu.memory_space<hbm>>
        %dma_wait3A_21 = arith.constant 0 : i32
        %dma_wait3A_22 = tpu.memref_slice %arg2[%add3A_11, %dma_wait3A_21] : memref<65536x128xf32, #tpu.memory_space<hbm>> -> memref<128x128xf32, #tpu.memory_space<hbm>>
        tpu.wait_dma2 semaphore(%run_scoped3A : memref<!tpu.dma_semaphore, #tpu.memory_space<semaphore_mem>>) src(%dma_wait3A_22 : memref<128x128xf32, #tpu.memory_space<hbm>>) dst(%arg5 : memref<128x128xf32, #tpu.memory_space<vmem>>)
        tpu.yield
      }) : () -> ()
      %scan3A_12 = arith.constant 0 : i32
      %scan3A_13 = arith.constant 4 : i32
      %scan3A_14 = arith.addi %scan3A_12, %scan3A_13 : i32
      %scan3A_15 = arith.constant 1 : i32
      scf.for %scan3A_17 = %scan3A_12 to %scan3A_14 step %scan3A_15  : i32 {
        %mul3A_18 = arith.constant 4 : i32
        %mul3A_19 = arith.muli %add3A, %mul3A_18 : i32
        %add3A_20 = arith.addi %mul3A_19, %scan3A_17 : i32
        %mul3A_21 = arith.constant 128 : i32
        %mul3A_22 = arith.muli %scan3A_6, %mul3A_21 : i32
        "tpu.region"() ({
          %run_scoped3A = tpu.sem_alloc : memref<!tpu.dma_semaphore, #tpu.memory_space<semaphore_mem>>
          %dma_start3A_27 = tpu.memref_slice %arg3[%add3A_20, %mul3A_22] : memref<128x2048xi32, #tpu.memory_space<hbm>> -> memref<1x128xi32, #tpu.memory_space<hbm>>
          %dma_start3A_28 = tpu.memref_squeeze %dma_start3A_27 : memref<1x128xi32, #tpu.memory_space<hbm>> -> memref<128xi32, #tpu.memory_space<hbm>>
          %dma_start3A_29 = tpu.memref_slice %arg3[%add3A_20, %mul3A_22] : memref<128x2048xi32, #tpu.memory_space<hbm>> -> memref<1x128xi32, #tpu.memory_space<hbm>>
          %dma_start3A_30 = tpu.memref_squeeze %dma_start3A_29 : memref<1x128xi32, #tpu.memory_space<hbm>> -> memref<128xi32, #tpu.memory_space<hbm>>
          tpu.enqueue_dma source(%dma_start3A_30 : memref<128xi32, #tpu.memory_space<hbm>>) target(%arg6 : memref<128xi32, #tpu.memory_space<vmem>>) target_semaphore(%run_scoped3A : memref<!tpu.dma_semaphore, #tpu.memory_space<semaphore_mem>>)
          %dma_wait3A_31 = tpu.memref_slice %arg3[%add3A_20, %mul3A_22] : memref<128x2048xi32, #tpu.memory_space<hbm>> -> memref<1x128xi32, #tpu.memory_space<hbm>>
          %dma_wait3A_32 = tpu.memref_squeeze %dma_wait3A_31 : memref<1x128xi32, #tpu.memory_space<hbm>> -> memref<128xi32, #tpu.memory_space<hbm>>
          %dma_wait3A_33 = tpu.memref_slice %arg3[%add3A_20, %mul3A_22] : memref<128x2048xi32, #tpu.memory_space<hbm>> -> memref<1x128xi32, #tpu.memory_space<hbm>>
          %dma_wait3A_34 = tpu.memref_squeeze %dma_wait3A_33 : memref<1x128xi32, #tpu.memory_space<hbm>> -> memref<128xi32, #tpu.memory_space<hbm>>
          tpu.wait_dma2 semaphore(%run_scoped3A : memref<!tpu.dma_semaphore, #tpu.memory_space<semaphore_mem>>) src(%dma_wait3A_34 : memref<128xi32, #tpu.memory_space<hbm>>) dst(%arg6 : memref<128xi32, #tpu.memory_space<vmem>>)
          tpu.yield
        }) : () -> ()
        %dma_start3A = arith.constant 0 : i32
        %dma_start3A_23 = arith.constant 0 : i32
        %dma_start3A_24 = tpu.memref_slice %arg4[%dma_start3A, %dma_start3A_23] : memref<262144x128xf32, #tpu.memory_space<hbm>> -> memref<262144x128xf32, #tpu.memory_space<hbm>>
        tpu.enqueue_indirect_dma source(%arg5 : memref<128x128xf32, #tpu.memory_space<vmem>>) target(%dma_start3A_24 : memref<262144x128xf32, #tpu.memory_space<hbm>>) offsets(%arg6 : memref<128xi32, #tpu.memory_space<vmem>>) semaphore(%arg7 : memref<!tpu.dma_semaphore, #tpu.memory_space<semaphore_mem>>)
        %dma_wait3A = arith.constant 0 : i32
        %dma_wait3A_25 = arith.constant 0 : i32
        %dma_wait3A_26 = tpu.memref_slice %arg4[%dma_wait3A, %dma_wait3A_25] : memref<262144x128xf32, #tpu.memory_space<hbm>> -> memref<262144x128xf32, #tpu.memory_space<hbm>>
        tpu.wait_indirect_dma semaphore(%arg7 : memref<!tpu.dma_semaphore, #tpu.memory_space<semaphore_mem>>) src(%arg5 : memref<128x128xf32, #tpu.memory_space<vmem>>) dst(%dma_wait3A_26 : memref<262144x128xf32, #tpu.memory_space<hbm>>)
      }
      %scan3A_16 = arith.constant 4 : i32
    }
    %scan3A_5 = arith.constant 16 : i32
    return
  }
}

#map = affine_map<(d0, d1) -> (0, 0)>
module attributes {stable_mosaic.version = 14 : i64} {
  func.func @_sc_gather_body(%arg0: i32, %arg1: i32, %arg2: memref<262144x128xf32, #tpu.memory_space<hbm>>, %arg3: memref<128x2048xi32, #tpu.memory_space<hbm>>, %arg4: memref<262144x128xf32, #tpu.memory_space<hbm>>, %arg5: memref<128x128xf32, #tpu.memory_space<vmem>>, %arg6: memref<128xi32, #tpu.memory_space<vmem>>, %arg7: memref<!tpu.dma_semaphore, #tpu.memory_space<semaphore_mem>>) attributes {dimension_semantics = [#tpu.dimension_semantics<core_parallel>, #tpu.dimension_semantics<subcore_parallel>], iteration_bounds = array<i64: 2, 16>, scalar_prefetch = 0 : i64, scratch_operands = 3 : i64, tpu.core_type = #tpu.core_type<sc_vector_subcore>, window_params = [{transform_indices = #map}, {transform_indices = #map}, {transform_indices = #map}]} {
    %mul3A = arith.constant 2 : i32
    %mul3A_0 = arith.muli %arg1, %mul3A : i32
    %add3A = arith.addi %mul3A_0, %arg0 : i32
    %scan3A = arith.constant 0 : i32
    %scan3A_1 = arith.constant 0 : i32
    %scan3A_2 = arith.constant 16 : i32
    %scan3A_3 = arith.addi %scan3A_1, %scan3A_2 : i32
    %scan3A_4 = arith.constant 1 : i32
    scf.for %scan3A_6 = %scan3A_1 to %scan3A_3 step %scan3A_4  : i32 {
      %scan3A_7 = arith.constant 0 : i32
      %scan3A_8 = arith.constant 4 : i32
      %scan3A_9 = arith.addi %scan3A_7, %scan3A_8 : i32
      %scan3A_10 = arith.constant 1 : i32
      scf.for %scan3A_12 = %scan3A_7 to %scan3A_9 step %scan3A_10  : i32 {
        %mul3A_13 = arith.constant 4 : i32
        %mul3A_14 = arith.muli %add3A, %mul3A_13 : i32
        %add3A_15 = arith.addi %mul3A_14, %scan3A_12 : i32
        %mul3A_16 = arith.constant 128 : i32
        %mul3A_17 = arith.muli %scan3A_6, %mul3A_16 : i32
        "tpu.region"() ({
          %run_scoped3A = tpu.sem_alloc : memref<!tpu.dma_semaphore, #tpu.memory_space<semaphore_mem>>
          %dma_start3A_27 = tpu.memref_slice %arg3[%add3A_15, %mul3A_17] : memref<128x2048xi32, #tpu.memory_space<hbm>> -> memref<1x128xi32, #tpu.memory_space<hbm>>
          %dma_start3A_28 = tpu.memref_squeeze %dma_start3A_27 : memref<1x128xi32, #tpu.memory_space<hbm>> -> memref<128xi32, #tpu.memory_space<hbm>>
          %dma_start3A_29 = tpu.memref_slice %arg3[%add3A_15, %mul3A_17] : memref<128x2048xi32, #tpu.memory_space<hbm>> -> memref<1x128xi32, #tpu.memory_space<hbm>>
          %dma_start3A_30 = tpu.memref_squeeze %dma_start3A_29 : memref<1x128xi32, #tpu.memory_space<hbm>> -> memref<128xi32, #tpu.memory_space<hbm>>
          tpu.enqueue_dma source(%dma_start3A_30 : memref<128xi32, #tpu.memory_space<hbm>>) target(%arg6 : memref<128xi32, #tpu.memory_space<vmem>>) target_semaphore(%run_scoped3A : memref<!tpu.dma_semaphore, #tpu.memory_space<semaphore_mem>>)
          %dma_wait3A_31 = tpu.memref_slice %arg3[%add3A_15, %mul3A_17] : memref<128x2048xi32, #tpu.memory_space<hbm>> -> memref<1x128xi32, #tpu.memory_space<hbm>>
          %dma_wait3A_32 = tpu.memref_squeeze %dma_wait3A_31 : memref<1x128xi32, #tpu.memory_space<hbm>> -> memref<128xi32, #tpu.memory_space<hbm>>
          %dma_wait3A_33 = tpu.memref_slice %arg3[%add3A_15, %mul3A_17] : memref<128x2048xi32, #tpu.memory_space<hbm>> -> memref<1x128xi32, #tpu.memory_space<hbm>>
          %dma_wait3A_34 = tpu.memref_squeeze %dma_wait3A_33 : memref<1x128xi32, #tpu.memory_space<hbm>> -> memref<128xi32, #tpu.memory_space<hbm>>
          tpu.wait_dma2 semaphore(%run_scoped3A : memref<!tpu.dma_semaphore, #tpu.memory_space<semaphore_mem>>) src(%dma_wait3A_34 : memref<128xi32, #tpu.memory_space<hbm>>) dst(%arg6 : memref<128xi32, #tpu.memory_space<vmem>>)
          tpu.yield
        }) : () -> ()
        %dma_start3A = arith.constant 0 : i32
        %dma_start3A_18 = arith.constant 0 : i32
        %dma_start3A_19 = tpu.memref_slice %arg2[%dma_start3A, %dma_start3A_18] : memref<262144x128xf32, #tpu.memory_space<hbm>> -> memref<262144x128xf32, #tpu.memory_space<hbm>>
        tpu.enqueue_indirect_dma source(%dma_start3A_19 : memref<262144x128xf32, #tpu.memory_space<hbm>>) target(%arg5 : memref<128x128xf32, #tpu.memory_space<vmem>>) offsets(%arg6 : memref<128xi32, #tpu.memory_space<vmem>>) semaphore(%arg7 : memref<!tpu.dma_semaphore, #tpu.memory_space<semaphore_mem>>)
        %dma_wait3A = arith.constant 0 : i32
        %dma_wait3A_20 = arith.constant 0 : i32
        %dma_wait3A_21 = tpu.memref_slice %arg2[%dma_wait3A, %dma_wait3A_20] : memref<262144x128xf32, #tpu.memory_space<hbm>> -> memref<262144x128xf32, #tpu.memory_space<hbm>>
        tpu.wait_indirect_dma semaphore(%arg7 : memref<!tpu.dma_semaphore, #tpu.memory_space<semaphore_mem>>) src(%dma_wait3A_21 : memref<262144x128xf32, #tpu.memory_space<hbm>>) dst(%arg5 : memref<128x128xf32, #tpu.memory_space<vmem>>)
        %mul3A_22 = arith.constant 2048 : i32
        %mul3A_23 = arith.muli %add3A_15, %mul3A_22 : i32
        %mul3A_24 = arith.constant 128 : i32
        %mul3A_25 = arith.muli %scan3A_6, %mul3A_24 : i32
        %add3A_26 = arith.addi %mul3A_23, %mul3A_25 : i32
        "tpu.region"() ({
          %run_scoped3A = tpu.sem_alloc : memref<!tpu.dma_semaphore, #tpu.memory_space<semaphore_mem>>
          %dma_start3A_27 = arith.constant 0 : i32
          %dma_start3A_28 = tpu.memref_slice %arg4[%add3A_26, %dma_start3A_27] : memref<262144x128xf32, #tpu.memory_space<hbm>> -> memref<128x128xf32, #tpu.memory_space<hbm>>
          %dma_start3A_29 = arith.constant 0 : i32
          %dma_start3A_30 = tpu.memref_slice %arg4[%add3A_26, %dma_start3A_29] : memref<262144x128xf32, #tpu.memory_space<hbm>> -> memref<128x128xf32, #tpu.memory_space<hbm>>
          tpu.enqueue_dma source(%arg5 : memref<128x128xf32, #tpu.memory_space<vmem>>) target(%dma_start3A_30 : memref<128x128xf32, #tpu.memory_space<hbm>>) target_semaphore(%run_scoped3A : memref<!tpu.dma_semaphore, #tpu.memory_space<semaphore_mem>>)
          %dma_wait3A_31 = arith.constant 0 : i32
          %dma_wait3A_32 = tpu.memref_slice %arg4[%add3A_26, %dma_wait3A_31] : memref<262144x128xf32, #tpu.memory_space<hbm>> -> memref<128x128xf32, #tpu.memory_space<hbm>>
          %dma_wait3A_33 = arith.constant 0 : i32
          %dma_wait3A_34 = tpu.memref_slice %arg4[%add3A_26, %dma_wait3A_33] : memref<262144x128xf32, #tpu.memory_space<hbm>> -> memref<128x128xf32, #tpu.memory_space<hbm>>
          tpu.wait_dma2 semaphore(%run_scoped3A : memref<!tpu.dma_semaphore, #tpu.memory_space<semaphore_mem>>) src(%arg5 : memref<128x128xf32, #tpu.memory_space<vmem>>) dst(%dma_wait3A_34 : memref<128x128xf32, #tpu.memory_space<hbm>>)
          tpu.yield
        }) : () -> ()
      }
      %scan3A_11 = arith.constant 4 : i32
    }
    %scan3A_5 = arith.constant 16 : i32
    return
  }
}

#map = affine_map<(d0, d1) -> (0, 0)>
module attributes {stable_mosaic.version = 14 : i64} {
  func.func @_sc_gather_body(%arg0: i32, %arg1: i32, %arg2: memref<262144x128xf32, #tpu.memory_space<hbm>>, %arg3: memref<128x2048xi32, #tpu.memory_space<hbm>>, %arg4: memref<262144x128xf32, #tpu.memory_space<hbm>>, %arg5: memref<128x128xf32, #tpu.memory_space<vmem>>, %arg6: memref<128xi32, #tpu.memory_space<vmem>>, %arg7: memref<!tpu.dma_semaphore, #tpu.memory_space<semaphore_mem>>) attributes {dimension_semantics = [#tpu.dimension_semantics<core_parallel>, #tpu.dimension_semantics<subcore_parallel>], iteration_bounds = array<i64: 2, 16>, scalar_prefetch = 0 : i64, scratch_operands = 3 : i64, tpu.core_type = #tpu.core_type<sc_vector_subcore>, window_params = [{transform_indices = #map}, {transform_indices = #map}, {transform_indices = #map}]} {
    %mul3A = arith.constant 2 : i32
    %mul3A_0 = arith.muli %arg1, %mul3A : i32
    %add3A = arith.addi %mul3A_0, %arg0 : i32
    %scan3A = arith.constant 0 : i32
    %scan3A_1 = arith.constant 0 : i32
    %scan3A_2 = arith.constant 16 : i32
    %scan3A_3 = arith.addi %scan3A_1, %scan3A_2 : i32
    %scan3A_4 = arith.constant 1 : i32
    scf.for %scan3A_6 = %scan3A_1 to %scan3A_3 step %scan3A_4  : i32 {
      %scan3A_7 = arith.constant 0 : i32
      %scan3A_8 = arith.constant 4 : i32
      %scan3A_9 = arith.addi %scan3A_7, %scan3A_8 : i32
      %scan3A_10 = arith.constant 1 : i32
      scf.for %scan3A_12 = %scan3A_7 to %scan3A_9 step %scan3A_10  : i32 {
        %mul3A_13 = arith.constant 4 : i32
        %mul3A_14 = arith.muli %add3A, %mul3A_13 : i32
        %add3A_15 = arith.addi %mul3A_14, %scan3A_12 : i32
        %mul3A_16 = arith.constant 128 : i32
        %mul3A_17 = arith.muli %scan3A_6, %mul3A_16 : i32
        "tpu.region"() ({
          %run_scoped3A = tpu.sem_alloc : memref<!tpu.dma_semaphore, #tpu.memory_space<semaphore_mem>>
          %dma_start3A_27 = tpu.memref_slice %arg3[%add3A_15, %mul3A_17] : memref<128x2048xi32, #tpu.memory_space<hbm>> -> memref<1x128xi32, #tpu.memory_space<hbm>>
          %dma_start3A_28 = tpu.memref_squeeze %dma_start3A_27 : memref<1x128xi32, #tpu.memory_space<hbm>> -> memref<128xi32, #tpu.memory_space<hbm>>
          %dma_start3A_29 = tpu.memref_slice %arg3[%add3A_15, %mul3A_17] : memref<128x2048xi32, #tpu.memory_space<hbm>> -> memref<1x128xi32, #tpu.memory_space<hbm>>
          %dma_start3A_30 = tpu.memref_squeeze %dma_start3A_29 : memref<1x128xi32, #tpu.memory_space<hbm>> -> memref<128xi32, #tpu.memory_space<hbm>>
          tpu.enqueue_dma source(%dma_start3A_30 : memref<128xi32, #tpu.memory_space<hbm>>) target(%arg6 : memref<128xi32, #tpu.memory_space<vmem>>) target_semaphore(%run_scoped3A : memref<!tpu.dma_semaphore, #tpu.memory_space<semaphore_mem>>)
          %dma_wait3A_31 = tpu.memref_slice %arg3[%add3A_15, %mul3A_17] : memref<128x2048xi32, #tpu.memory_space<hbm>> -> memref<1x128xi32, #tpu.memory_space<hbm>>
          %dma_wait3A_32 = tpu.memref_squeeze %dma_wait3A_31 : memref<1x128xi32, #tpu.memory_space<hbm>> -> memref<128xi32, #tpu.memory_space<hbm>>
          %dma_wait3A_33 = tpu.memref_slice %arg3[%add3A_15, %mul3A_17] : memref<128x2048xi32, #tpu.memory_space<hbm>> -> memref<1x128xi32, #tpu.memory_space<hbm>>
          %dma_wait3A_34 = tpu.memref_squeeze %dma_wait3A_33 : memref<1x128xi32, #tpu.memory_space<hbm>> -> memref<128xi32, #tpu.memory_space<hbm>>
          tpu.wait_dma2 semaphore(%run_scoped3A : memref<!tpu.dma_semaphore, #tpu.memory_space<semaphore_mem>>) src(%dma_wait3A_34 : memref<128xi32, #tpu.memory_space<hbm>>) dst(%arg6 : memref<128xi32, #tpu.memory_space<vmem>>)
          tpu.yield
        }) : () -> ()
        %dma_start3A = arith.constant 0 : i32
        %dma_start3A_18 = arith.constant 0 : i32
        %dma_start3A_19 = tpu.memref_slice %arg2[%dma_start3A, %dma_start3A_18] : memref<262144x128xf32, #tpu.memory_space<hbm>> -> memref<262144x128xf32, #tpu.memory_space<hbm>>
        tpu.enqueue_indirect_dma source(%dma_start3A_19 : memref<262144x128xf32, #tpu.memory_space<hbm>>) target(%arg5 : memref<128x128xf32, #tpu.memory_space<vmem>>) offsets(%arg6 : memref<128xi32, #tpu.memory_space<vmem>>) semaphore(%arg7 : memref<!tpu.dma_semaphore, #tpu.memory_space<semaphore_mem>>)
        %dma_wait3A = arith.constant 0 : i32
        %dma_wait3A_20 = arith.constant 0 : i32
        %dma_wait3A_21 = tpu.memref_slice %arg2[%dma_wait3A, %dma_wait3A_20] : memref<262144x128xf32, #tpu.memory_space<hbm>> -> memref<262144x128xf32, #tpu.memory_space<hbm>>
        tpu.wait_indirect_dma semaphore(%arg7 : memref<!tpu.dma_semaphore, #tpu.memory_space<semaphore_mem>>) src(%dma_wait3A_21 : memref<262144x128xf32, #tpu.memory_space<hbm>>) dst(%arg5 : memref<128x128xf32, #tpu.memory_space<vmem>>)
        %mul3A_22 = arith.constant 2048 : i32
        %mul3A_23 = arith.muli %add3A_15, %mul3A_22 : i32
        %mul3A_24 = arith.constant 128 : i32
        %mul3A_25 = arith.muli %scan3A_6, %mul3A_24 : i32
        %add3A_26 = arith.addi %mul3A_23, %mul3A_25 : i32
        "tpu.region"() ({
          %run_scoped3A = tpu.sem_alloc : memref<!tpu.dma_semaphore, #tpu.memory_space<semaphore_mem>>
          %dma_start3A_27 = arith.constant 0 : i32
          %dma_start3A_28 = tpu.memref_slice %arg4[%add3A_26, %dma_start3A_27] : memref<262144x128xf32, #tpu.memory_space<hbm>> -> memref<128x128xf32, #tpu.memory_space<hbm>>
          %dma_start3A_29 = arith.constant 0 : i32
          %dma_start3A_30 = tpu.memref_slice %arg4[%add3A_26, %dma_start3A_29] : memref<262144x128xf32, #tpu.memory_space<hbm>> -> memref<128x128xf32, #tpu.memory_space<hbm>>
          tpu.enqueue_dma source(%arg5 : memref<128x128xf32, #tpu.memory_space<vmem>>) target(%dma_start3A_30 : memref<128x128xf32, #tpu.memory_space<hbm>>) target_semaphore(%run_scoped3A : memref<!tpu.dma_semaphore, #tpu.memory_space<semaphore_mem>>)
          %dma_wait3A_31 = arith.constant 0 : i32
          %dma_wait3A_32 = tpu.memref_slice %arg4[%add3A_26, %dma_wait3A_31] : memref<262144x128xf32, #tpu.memory_space<hbm>> -> memref<128x128xf32, #tpu.memory_space<hbm>>
          %dma_wait3A_33 = arith.constant 0 : i32
          %dma_wait3A_34 = tpu.memref_slice %arg4[%add3A_26, %dma_wait3A_33] : memref<262144x128xf32, #tpu.memory_space<hbm>> -> memref<128x128xf32, #tpu.memory_space<hbm>>
          tpu.wait_dma2 semaphore(%run_scoped3A : memref<!tpu.dma_semaphore, #tpu.memory_space<semaphore_mem>>) src(%arg5 : memref<128x128xf32, #tpu.memory_space<vmem>>) dst(%dma_wait3A_34 : memref<128x128xf32, #tpu.memory_space<hbm>>)
          tpu.yield
        }) : () -> ()
      }
      %scan3A_11 = arith.constant 4 : i32
    }
    %scan3A_5 = arith.constant 16 : i32
    return
  }
}

module attributes {stable_mosaic.version = 14 : i64} {
  func.func @_embed_body(%arg0: i32, %arg1: memref<512x32xf32, #tpu.memory_space<vmem>>, %arg2: memref<32x1024xf32, #tpu.memory_space<vmem>>, %arg3: memref<512x1024xf32, #tpu.memory_space<vmem>>, %arg4: memref<512x1024xf32, #tpu.memory_space<vmem>>) attributes {dimension_semantics = [#tpu.dimension_semantics<arbitrary>], iteration_bounds = array<i64: 8>, scalar_prefetch = 0 : i64, scratch_operands = 0 : i64, tpu.core_type = #tpu.core_type<tc>, window_params = [{transform_indices = @transform_0, window_bounds = array<i64: 512, 32>}, {pipeline_mode = #tpu.pipeline_mode<synchronous>, transform_indices = @transform_1, window_bounds = array<i64: 32, 1024>}, {transform_indices = @transform_2, window_bounds = array<i64: 512, 1024>}, {transform_indices = @transform_3, window_bounds = array<i64: 512, 1024>}]} {
    %get3A = arith.constant 0 : index
    %get3A_0 = arith.constant 0 : index
    %get3A_1 = vector.load %arg1[%get3A, %get3A_0] : memref<512x32xf32, #tpu.memory_space<vmem>>, vector<512x32xf32>
    %get3A_2 = arith.constant 0 : index
    %get3A_3 = arith.constant 0 : index
    %get3A_4 = vector.load %arg2[%get3A_2, %get3A_3] : memref<32x1024xf32, #tpu.memory_space<vmem>>, vector<32x1024xf32>
    %dot_general3A = arith.constant dense<0.000000e+00> : vector<512x1024xf32>
    %dot_general3A_5 = tpu.matmul %get3A_1, %get3A_4, %dot_general3A {dimension_numbers = #tpu.dot_dimension_numbers<[1], [0], [0], [1], [0, 0, 1, 1], [], []>, transpose_lhs_hint = false} : vector<512x32xf32>, vector<32x1024xf32>, vector<512x1024xf32> -> vector<512x1024xf32>
    %get3A_6 = arith.constant 0 : index
    %get3A_7 = arith.constant 0 : index
    %get3A_8 = vector.load %arg3[%get3A_6, %get3A_7] : memref<512x1024xf32, #tpu.memory_space<vmem>>, vector<512x1024xf32>
    %add3A = arith.addf %dot_general3A_5, %get3A_8 : vector<512x1024xf32>
    %swap3A = arith.constant 0 : index
    %swap3A_9 = arith.constant 0 : index
    %swap3A_10 = vector.load %arg4[%swap3A, %swap3A_9] : memref<512x1024xf32, #tpu.memory_space<vmem>>, vector<512x1024xf32>
    tpu.vector_store %arg4[%swap3A, %swap3A_9], %add3A {strides = array<i32>} : memref<512x1024xf32, #tpu.memory_space<vmem>>, vector<512x1024xf32>,
    return
  }
  func.func @transform_0(%arg0: i32) -> (i32, i32) {
    %c0_i32 = arith.constant 0 : i32
    %c0_i32_0 = arith.constant 0 : i32
    return %arg0, %c0_i32 : i32, i32
  }
  func.func @transform_1(%arg0: i32) -> (i32, i32) {
    %c0_i32 = arith.constant 0 : i32
    %c0_i32_0 = arith.constant 0 : i32
    %c0_i32_1 = arith.constant 0 : i32
    return %c0_i32, %c0_i32_0 : i32, i32
  }
  func.func @transform_2(%arg0: i32) -> (i32, i32) {
    %jit3A = arith.constant 4 : i32
    %eq3A = arith.constant 0 : i32
    %eq3A_0 = arith.cmpi eq, %jit3A, %eq3A : i32
    %jit3A_1 = arith.constant 1 : i32
    %select_n3A = arith.select %eq3A_0, %jit3A_1, %jit3A : i32
    %rem3A = arith.remsi %arg0, %select_n3A : i32
    %ne3A = arith.constant 0 : i32
    %ne3A_2 = arith.cmpi ne, %rem3A, %ne3A : i32
    %lt3A = arith.constant 0 : i32
    %lt3A_3 = arith.cmpi slt, %rem3A, %lt3A : i32
    %lt3A_4 = arith.constant 0 : i32
    %lt3A_5 = arith.cmpi slt, %select_n3A, %lt3A_4 : i32
    %ne3A_6 = arith.xori %lt3A_3, %lt3A_5 : i1
    %and3A = arith.andi %ne3A_6, %ne3A_2 : i1
    %add3A = arith.addi %rem3A, %select_n3A : i32
    %select_n3A_7 = arith.select %and3A, %add3A, %rem3A : i32
    %c0_i32 = arith.constant 0 : i32
    %c0_i32_8 = arith.constant 0 : i32
    return %select_n3A_7, %c0_i32 : i32, i32
  }
  func.func @transform_3(%arg0: i32) -> (i32, i32) {
    %c0_i32 = arith.constant 0 : i32
    %c0_i32_0 = arith.constant 0 : i32
    return %arg0, %c0_i32 : i32, i32
  }
}

module attributes {stable_mosaic.version = 14 : i64} {
  func.func @_proj_body(%arg0: i32, %arg1: i32, %arg2: i32, %arg3: memref<1x512x1024xf32, #tpu.memory_space<vmem>>, %arg4: memref<1x64x1024xf32, #tpu.memory_space<vmem>>, %arg5: memref<1x64x1024xf32, #tpu.memory_space<vmem>>, %arg6: memref<1x512x128xf32, #tpu.memory_space<vmem>>) attributes {dimension_semantics = [#tpu.dimension_semantics<arbitrary>, #tpu.dimension_semantics<arbitrary>, #tpu.dimension_semantics<arbitrary>], iteration_bounds = array<i64: 2, 16, 4>, scalar_prefetch = 0 : i64, scratch_operands = 0 : i64, tpu.core_type = #tpu.core_type<tc>, window_params = [{transform_indices = @transform_0, window_bounds = array<i64: 1, 512, 1024>}, {transform_indices = @transform_1, window_bounds = array<i64: 1, 64, 1024>}, {transform_indices = @transform_2, window_bounds = array<i64: 1, 64, 1024>}, {transform_indices = @transform_3, window_bounds = array<i64: 1, 512, 128>}]} {
    %get3A = arith.constant 0 : index
    %get3A_0 = arith.constant 0 : index
    %get3A_1 = arith.constant 0 : index
    %get3A_2 = vector.load %arg3[%get3A, %get3A_0, %get3A_1] : memref<1x512x1024xf32, #tpu.memory_space<vmem>>, vector<1x512x1024xf32>
    %get3A_3 = vector.shape_cast %get3A_2 : vector<1x512x1024xf32> to vector<512x1024xf32>
    %get3A_4 = arith.constant 0 : index
    %get3A_5 = arith.constant 0 : index
    %get3A_6 = arith.constant 0 : index
    %get3A_7 = vector.load %arg4[%get3A_4, %get3A_5, %get3A_6] : memref<1x64x1024xf32, #tpu.memory_space<vmem>>, vector<1x64x1024xf32>
    %get3A_8 = vector.shape_cast %get3A_7 : vector<1x64x1024xf32> to vector<64x1024xf32>
    %transpose3A = tpu.transpose %get3A_8, [1, 0] : vector<64x1024xf32> -> vector<1024x64xf32>
    %dot_general3A = arith.constant dense<0.000000e+00> : vector<512x64xf32>
    %dot_general3A_9 = tpu.matmul %get3A_3, %transpose3A, %dot_general3A {dimension_numbers = #tpu.dot_dimension_numbers<[1], [0], [0], [1], [0, 0, 1, 1], [], []>, transpose_lhs_hint = false} : vector<512x1024xf32>, vector<1024x64xf32>, vector<512x64xf32> -> vector<512x64xf32>
    %get3A_10 = arith.constant 0 : index
    %get3A_11 = arith.constant 0 : index
    %get3A_12 = arith.constant 0 : index
    %get3A_13 = vector.load %arg5[%get3A_10, %get3A_11, %get3A_12] : memref<1x64x1024xf32, #tpu.memory_space<vmem>>, vector<1x64x1024xf32>
    %get3A_14 = vector.shape_cast %get3A_13 : vector<1x64x1024xf32> to vector<64x1024xf32>
    %transpose3A_15 = tpu.transpose %get3A_14, [1, 0] : vector<64x1024xf32> -> vector<1024x64xf32>
    %dot_general3A_16 = arith.constant dense<0.000000e+00> : vector<512x64xf32>
    %dot_general3A_17 = tpu.matmul %get3A_3, %transpose3A_15, %dot_general3A_16 {dimension_numbers = #tpu.dot_dimension_numbers<[1], [0], [0], [1], [0, 0, 1, 1], [], []>, transpose_lhs_hint = false} : vector<512x1024xf32>, vector<1024x64xf32>, vector<512x64xf32> -> vector<512x64xf32>
    %concatenate3A = tpu.concatenate %dot_general3A_9, %dot_general3A_17 in 1 : vector<512x64xf32>, vector<512x64xf32> -> vector<512x128xf32>
    %swap3A = arith.constant 0 : index
    %swap3A_18 = arith.constant 0 : index
    %swap3A_19 = arith.constant 0 : index
    %swap3A_20 = vector.load %arg6[%swap3A, %swap3A_18, %swap3A_19] : memref<1x512x128xf32, #tpu.memory_space<vmem>>, vector<1x512x128xf32>
    %swap3A_21 = vector.shape_cast %swap3A_20 : vector<1x512x128xf32> to vector<512x128xf32>
    %swap3A_22 = vector.shape_cast %concatenate3A : vector<512x128xf32> to vector<1x512x128xf32>
    tpu.vector_store %arg6[%swap3A, %swap3A_18, %swap3A_19], %swap3A_22 {strides = array<i32>} : memref<1x512x128xf32, #tpu.memory_space<vmem>>, vector<1x512x128xf32>,
    return
  }
  func.func @transform_0(%arg0: i32, %arg1: i32, %arg2: i32) -> (i32, i32, i32) {
    %c0_i32 = arith.constant 0 : i32
    %c0_i32_0 = arith.constant 0 : i32
    return %arg0, %arg2, %c0_i32 : i32, i32, i32
  }
  func.func @transform_1(%arg0: i32, %arg1: i32, %arg2: i32) -> (i32, i32, i32) {
    %c0_i32 = arith.constant 0 : i32
    %c0_i32_0 = arith.constant 0 : i32
    %c0_i32_1 = arith.constant 0 : i32
    return %arg1, %c0_i32, %c0_i32_0 : i32, i32, i32
  }
  func.func @transform_2(%arg0: i32, %arg1: i32, %arg2: i32) -> (i32, i32, i32) {
    %c0_i32 = arith.constant 0 : i32
    %c0_i32_0 = arith.constant 0 : i32
    %c0_i32_1 = arith.constant 0 : i32
    return %arg1, %c0_i32, %c0_i32_0 : i32, i32, i32
  }
  func.func @transform_3(%arg0: i32, %arg1: i32, %arg2: i32) -> (i32, i32, i32) {
    %mul3A = arith.constant 16 : i32
    %mul3A_0 = arith.muli %arg0, %mul3A : i32
    %add3A = arith.addi %mul3A_0, %arg1 : i32
    %c0_i32 = arith.constant 0 : i32
    %c0_i32_1 = arith.constant 0 : i32
    return %add3A, %arg2, %c0_i32 : i32, i32, i32
  }
}

module attributes {stable_mosaic.version = 14 : i64} {
  func.func @_bucket_body(%arg0: i32, %arg1: memref<2x2048x128xf32, #tpu.memory_space<vmem>>, %arg2: memref<64x64xf32, #tpu.memory_space<vmem>>, %arg3: memref<8x2048xi32, #tpu.memory_space<vmem>>) attributes {dimension_semantics = [#tpu.dimension_semantics<arbitrary>], iteration_bounds = array<i64: 16>, scalar_prefetch = 0 : i64, scratch_operands = 0 : i64, tpu.core_type = #tpu.core_type<tc>, window_params = [{transform_indices = @transform_0, window_bounds = array<i64: 2, 2048, 128>}, {pipeline_mode = #tpu.pipeline_mode<synchronous>, transform_indices = @transform_1, window_bounds = array<i64: 64, 64>}, {transform_indices = @transform_2, window_bounds = array<i64: 8, 2048>}]} {
    %get3A = arith.constant 0 : index
    %get3A_0 = arith.constant 0 : index
    %get3A_1 = vector.load %arg2[%get3A, %get3A_0] : memref<64x64xf32, #tpu.memory_space<vmem>>, vector<64x64xf32>
    %get3A_2 = arith.constant 0 : index
    %get3A_3 = arith.constant 0 : index
    %get3A_4 = arith.constant 0 : index
    %get3A_5 = vector.load %arg1[%get3A_2, %get3A_3, %get3A_4] : memref<2x2048x128xf32, #tpu.memory_space<vmem>>, vector<1x2048x64xf32>
    %get3A_6 = vector.shape_cast %get3A_5 : vector<1x2048x64xf32> to vector<2048x64xf32>
    %dot_general3A = arith.constant dense<0.000000e+00> : vector<64x2048xf32>
    %dot_general3A_7 = tpu.matmul %get3A_1, %get3A_6, %dot_general3A {dimension_numbers = #tpu.dot_dimension_numbers<[0], [1], [1], [0], [0, 1, 1, 0], [], []>, transpose_lhs_hint = false} : vector<64x64xf32>, vector<2048x64xf32>, vector<64x2048xf32> -> vector<64x2048xf32>
    %slice3A = vector.extract_strided_slice %dot_general3A_7 {offsets = [0, 0], sizes = [16, 2048], strides = [1, 1]} : vector<64x2048xf32> to vector<16x2048xf32>
    %neg3A = arith.constant 0.000000e+00 : f32
    %neg3A_8 = vector.broadcast %neg3A : f32 to vector<16x2048xf32>
    %neg3A_9 = arith.subf %neg3A_8, %slice3A : vector<16x2048xf32>
    %concatenate3A = tpu.concatenate %slice3A, %neg3A_9 in 0 : vector<16x2048xf32>, vector<16x2048xf32> -> vector<32x2048xf32>
    %reduce_max3A = arith.constant dense<0xFF800000> : vector<2048xf32>
    %reduce_max3A_10 = vector.multi_reduction <maximumf>, %concatenate3A, %reduce_max3A [0] : vector<32x2048xf32> to vector<2048xf32>
    %broadcast_in_dim3A = vector.shape_cast %reduce_max3A_10 : vector<2048xf32> to vector<1x2048xf32>
    %iota3A = tpu.iota {dimensions = array<i32: 0>} : vector<32x2048xi32>
    %convert_element_type3A = arith.sitofp %iota3A : vector<32x2048xi32> to vector<32x2048xf32>
    %ge3A = vector.broadcast %broadcast_in_dim3A : vector<1x2048xf32> to vector<32x2048xf32>
    %ge3A_11 = arith.cmpf oge, %concatenate3A, %ge3A : vector<32x2048xf32>
    %jit3A = arith.constant 3.200000e+01 : f32
    %broadcast_in_dim3A_12 = vector.broadcast %jit3A : f32 to vector<32x2048xf32>
    %select_n3A = arith.select %ge3A_11, %convert_element_type3A, %broadcast_in_dim3A_12 : vector<32x2048xi1>, vector<32x2048xf32>
    %reduce_min3A = arith.constant dense<0x7F800000> : vector<2048xf32>
    %reduce_min3A_13 = vector.multi_reduction <minimumf>, %select_n3A, %reduce_min3A [0] : vector<32x2048xf32> to vector<2048xf32>
    %broadcast_in_dim3A_14 = vector.shape_cast %reduce_min3A_13 : vector<2048xf32> to vector<1x2048xf32>
    %convert_element_type3A_15 = arith.fptosi %broadcast_in_dim3A_14 : vector<1x2048xf32> to vector<1x2048xi32>
    %slice3A_16 = vector.extract_strided_slice %dot_general3A_7 {offsets = [16, 0], sizes = [16, 2048], strides = [1, 1]} : vector<64x2048xf32> to vector<16x2048xf32>
    %neg3A_17 = arith.constant 0.000000e+00 : f32
    %neg3A_18 = vector.broadcast %neg3A_17 : f32 to vector<16x2048xf32>
    %neg3A_19 = arith.subf %neg3A_18, %slice3A_16 : vector<16x2048xf32>
    %concatenate3A_20 = tpu.concatenate %slice3A_16, %neg3A_19 in 0 : vector<16x2048xf32>, vector<16x2048xf32> -> vector<32x2048xf32>
    %reduce_max3A_21 = arith.constant dense<0xFF800000> : vector<2048xf32>
    %reduce_max3A_22 = vector.multi_reduction <maximumf>, %concatenate3A_20, %reduce_max3A_21 [0] : vector<32x2048xf32> to vector<2048xf32>
    %broadcast_in_dim3A_23 = vector.shape_cast %reduce_max3A_22 : vector<2048xf32> to vector<1x2048xf32>
    %iota3A_24 = tpu.iota {dimensions = array<i32: 0>} : vector<32x2048xi32>
    %convert_element_type3A_25 = arith.sitofp %iota3A_24 : vector<32x2048xi32> to vector<32x2048xf32>
    %ge3A_26 = vector.broadcast %broadcast_in_dim3A_23 : vector<1x2048xf32> to vector<32x2048xf32>
    %ge3A_27 = arith.cmpf oge, %concatenate3A_20, %ge3A_26 : vector<32x2048xf32>
    %jit3A_28 = arith.constant 3.200000e+01 : f32
    %broadcast_in_dim3A_29 = vector.broadcast %jit3A_28 : f32 to vector<32x2048xf32>
    %select_n3A_30 = arith.select %ge3A_27, %convert_element_type3A_25, %broadcast_in_dim3A_29 : vector<32x2048xi1>, vector<32x2048xf32>
    %reduce_min3A_31 = arith.constant dense<0x7F800000> : vector<2048xf32>
    %reduce_min3A_32 = vector.multi_reduction <minimumf>, %select_n3A_30, %reduce_min3A_31 [0] : vector<32x2048xf32> to vector<2048xf32>
    %broadcast_in_dim3A_33 = vector.shape_cast %reduce_min3A_32 : vector<2048xf32> to vector<1x2048xf32>
    %convert_element_type3A_34 = arith.fptosi %broadcast_in_dim3A_33 : vector<1x2048xf32> to vector<1x2048xi32>
    %slice3A_35 = vector.extract_strided_slice %dot_general3A_7 {offsets = [32, 0], sizes = [16, 2048], strides = [1, 1]} : vector<64x2048xf32> to vector<16x2048xf32>
    %neg3A_36 = arith.constant 0.000000e+00 : f32
    %neg3A_37 = vector.broadcast %neg3A_36 : f32 to vector<16x2048xf32>
    %neg3A_38 = arith.subf %neg3A_37, %slice3A_35 : vector<16x2048xf32>
    %concatenate3A_39 = tpu.concatenate %slice3A_35, %neg3A_38 in 0 : vector<16x2048xf32>, vector<16x2048xf32> -> vector<32x2048xf32>
    %reduce_max3A_40 = arith.constant dense<0xFF800000> : vector<2048xf32>
    %reduce_max3A_41 = vector.multi_reduction <maximumf>, %concatenate3A_39, %reduce_max3A_40 [0] : vector<32x2048xf32> to vector<2048xf32>
    %broadcast_in_dim3A_42 = vector.shape_cast %reduce_max3A_41 : vector<2048xf32> to vector<1x2048xf32>
    %iota3A_43 = tpu.iota {dimensions = array<i32: 0>} : vector<32x2048xi32>
    %convert_element_type3A_44 = arith.sitofp %iota3A_43 : vector<32x2048xi32> to vector<32x2048xf32>
    %ge3A_45 = vector.broadcast %broadcast_in_dim3A_42 : vector<1x2048xf32> to vector<32x2048xf32>
    %ge3A_46 = arith.cmpf oge, %concatenate3A_39, %ge3A_45 : vector<32x2048xf32>
    %jit3A_47 = arith.constant 3.200000e+01 : f32
    %broadcast_in_dim3A_48 = vector.broadcast %jit3A_47 : f32 to vector<32x2048xf32>
    %select_n3A_49 = arith.select %ge3A_46, %convert_element_type3A_44, %broadcast_in_dim3A_48 : vector<32x2048xi1>, vector<32x2048xf32>
    %reduce_min3A_50 = arith.constant dense<0x7F800000> : vector<2048xf32>
    %reduce_min3A_51 = vector.multi_reduction <minimumf>, %select_n3A_49, %reduce_min3A_50 [0] : vector<32x2048xf32> to vector<2048xf32>
    %broadcast_in_dim3A_52 = vector.shape_cast %reduce_min3A_51 : vector<2048xf32> to vector<1x2048xf32>
    %convert_element_type3A_53 = arith.fptosi %broadcast_in_dim3A_52 : vector<1x2048xf32> to vector<1x2048xi32>
    %slice3A_54 = vector.extract_strided_slice %dot_general3A_7 {offsets = [48, 0], sizes = [16, 2048], strides = [1, 1]} : vector<64x2048xf32> to vector<16x2048xf32>
    %neg3A_55 = arith.constant 0.000000e+00 : f32
    %neg3A_56 = vector.broadcast %neg3A_55 : f32 to vector<16x2048xf32>
    %neg3A_57 = arith.subf %neg3A_56, %slice3A_54 : vector<16x2048xf32>
    %concatenate3A_58 = tpu.concatenate %slice3A_54, %neg3A_57 in 0 : vector<16x2048xf32>, vector<16x2048xf32> -> vector<32x2048xf32>
    %reduce_max3A_59 = arith.constant dense<0xFF800000> : vector<2048xf32>
    %reduce_max3A_60 = vector.multi_reduction <maximumf>, %concatenate3A_58, %reduce_max3A_59 [0] : vector<32x2048xf32> to vector<2048xf32>
    %broadcast_in_dim3A_61 = vector.shape_cast %reduce_max3A_60 : vector<2048xf32> to vector<1x2048xf32>
    %iota3A_62 = tpu.iota {dimensions = array<i32: 0>} : vector<32x2048xi32>
    %convert_element_type3A_63 = arith.sitofp %iota3A_62 : vector<32x2048xi32> to vector<32x2048xf32>
    %ge3A_64 = vector.broadcast %broadcast_in_dim3A_61 : vector<1x2048xf32> to vector<32x2048xf32>
    %ge3A_65 = arith.cmpf oge, %concatenate3A_58, %ge3A_64 : vector<32x2048xf32>
    %jit3A_66 = arith.constant 3.200000e+01 : f32
    %broadcast_in_dim3A_67 = vector.broadcast %jit3A_66 : f32 to vector<32x2048xf32>
    %select_n3A_68 = arith.select %ge3A_65, %convert_element_type3A_63, %broadcast_in_dim3A_67 : vector<32x2048xi1>, vector<32x2048xf32>
    %reduce_min3A_69 = arith.constant dense<0x7F800000> : vector<2048xf32>
    %reduce_min3A_70 = vector.multi_reduction <minimumf>, %select_n3A_68, %reduce_min3A_69 [0] : vector<32x2048xf32> to vector<2048xf32>
    %broadcast_in_dim3A_71 = vector.shape_cast %reduce_min3A_70 : vector<2048xf32> to vector<1x2048xf32>
    %convert_element_type3A_72 = arith.fptosi %broadcast_in_dim3A_71 : vector<1x2048xf32> to vector<1x2048xi32>
    %get3A_73 = arith.constant 0 : index
    %get3A_74 = arith.constant 0 : index
    %get3A_75 = vector.load %arg2[%get3A_73, %get3A_74] : memref<64x64xf32, #tpu.memory_space<vmem>>, vector<64x64xf32>
    %get3A_76 = arith.constant 1 : index
    %get3A_77 = arith.constant 0 : index
    %get3A_78 = arith.constant 0 : index
    %get3A_79 = vector.load %arg1[%get3A_76, %get3A_77, %get3A_78] : memref<2x2048x128xf32, #tpu.memory_space<vmem>>, vector<1x2048x64xf32>
    %get3A_80 = vector.shape_cast %get3A_79 : vector<1x2048x64xf32> to vector<2048x64xf32>
    %dot_general3A_81 = arith.constant dense<0.000000e+00> : vector<64x2048xf32>
    %dot_general3A_82 = tpu.matmul %get3A_75, %get3A_80, %dot_general3A_81 {dimension_numbers = #tpu.dot_dimension_numbers<[0], [1], [1], [0], [0, 1, 1, 0], [], []>, transpose_lhs_hint = false} : vector<64x64xf32>, vector<2048x64xf32>, vector<64x2048xf32> -> vector<64x2048xf32>
    %slice3A_83 = vector.extract_strided_slice %dot_general3A_82 {offsets = [0, 0], sizes = [16, 2048], strides = [1, 1]} : vector<64x2048xf32> to vector<16x2048xf32>
    %neg3A_84 = arith.constant 0.000000e+00 : f32
    %neg3A_85 = vector.broadcast %neg3A_84 : f32 to vector<16x2048xf32>
    %neg3A_86 = arith.subf %neg3A_85, %slice3A_83 : vector<16x2048xf32>
    %concatenate3A_87 = tpu.concatenate %slice3A_83, %neg3A_86 in 0 : vector<16x2048xf32>, vector<16x2048xf32> -> vector<32x2048xf32>
    %reduce_max3A_88 = arith.constant dense<0xFF800000> : vector<2048xf32>
    %reduce_max3A_89 = vector.multi_reduction <maximumf>, %concatenate3A_87, %reduce_max3A_88 [0] : vector<32x2048xf32> to vector<2048xf32>
    %broadcast_in_dim3A_90 = vector.shape_cast %reduce_max3A_89 : vector<2048xf32> to vector<1x2048xf32>
    %iota3A_91 = tpu.iota {dimensions = array<i32: 0>} : vector<32x2048xi32>
    %convert_element_type3A_92 = arith.sitofp %iota3A_91 : vector<32x2048xi32> to vector<32x2048xf32>
    %ge3A_93 = vector.broadcast %broadcast_in_dim3A_90 : vector<1x2048xf32> to vector<32x2048xf32>
    %ge3A_94 = arith.cmpf oge, %concatenate3A_87, %ge3A_93 : vector<32x2048xf32>
    %jit3A_95 = arith.constant 3.200000e+01 : f32
    %broadcast_in_dim3A_96 = vector.broadcast %jit3A_95 : f32 to vector<32x2048xf32>
    %select_n3A_97 = arith.select %ge3A_94, %convert_element_type3A_92, %broadcast_in_dim3A_96 : vector<32x2048xi1>, vector<32x2048xf32>
    %reduce_min3A_98 = arith.constant dense<0x7F800000> : vector<2048xf32>
    %reduce_min3A_99 = vector.multi_reduction <minimumf>, %select_n3A_97, %reduce_min3A_98 [0] : vector<32x2048xf32> to vector<2048xf32>
    %broadcast_in_dim3A_100 = vector.shape_cast %reduce_min3A_99 : vector<2048xf32> to vector<1x2048xf32>
    %convert_element_type3A_101 = arith.fptosi %broadcast_in_dim3A_100 : vector<1x2048xf32> to vector<1x2048xi32>
    %slice3A_102 = vector.extract_strided_slice %dot_general3A_82 {offsets = [16, 0], sizes = [16, 2048], strides = [1, 1]} : vector<64x2048xf32> to vector<16x2048xf32>
    %neg3A_103 = arith.constant 0.000000e+00 : f32
    %neg3A_104 = vector.broadcast %neg3A_103 : f32 to vector<16x2048xf32>
    %neg3A_105 = arith.subf %neg3A_104, %slice3A_102 : vector<16x2048xf32>
    %concatenate3A_106 = tpu.concatenate %slice3A_102, %neg3A_105 in 0 : vector<16x2048xf32>, vector<16x2048xf32> -> vector<32x2048xf32>
    %reduce_max3A_107 = arith.constant dense<0xFF800000> : vector<2048xf32>
    %reduce_max3A_108 = vector.multi_reduction <maximumf>, %concatenate3A_106, %reduce_max3A_107 [0] : vector<32x2048xf32> to vector<2048xf32>
    %broadcast_in_dim3A_109 = vector.shape_cast %reduce_max3A_108 : vector<2048xf32> to vector<1x2048xf32>
    %iota3A_110 = tpu.iota {dimensions = array<i32: 0>} : vector<32x2048xi32>
    %convert_element_type3A_111 = arith.sitofp %iota3A_110 : vector<32x2048xi32> to vector<32x2048xf32>
    %ge3A_112 = vector.broadcast %broadcast_in_dim3A_109 : vector<1x2048xf32> to vector<32x2048xf32>
    %ge3A_113 = arith.cmpf oge, %concatenate3A_106, %ge3A_112 : vector<32x2048xf32>
    %jit3A_114 = arith.constant 3.200000e+01 : f32
    %broadcast_in_dim3A_115 = vector.broadcast %jit3A_114 : f32 to vector<32x2048xf32>
    %select_n3A_116 = arith.select %ge3A_113, %convert_element_type3A_111, %broadcast_in_dim3A_115 : vector<32x2048xi1>, vector<32x2048xf32>
    %reduce_min3A_117 = arith.constant dense<0x7F800000> : vector<2048xf32>
    %reduce_min3A_118 = vector.multi_reduction <minimumf>, %select_n3A_116, %reduce_min3A_117 [0] : vector<32x2048xf32> to vector<2048xf32>
    %broadcast_in_dim3A_119 = vector.shape_cast %reduce_min3A_118 : vector<2048xf32> to vector<1x2048xf32>
    %convert_element_type3A_120 = arith.fptosi %broadcast_in_dim3A_119 : vector<1x2048xf32> to vector<1x2048xi32>
    %slice3A_121 = vector.extract_strided_slice %dot_general3A_82 {offsets = [32, 0], sizes = [16, 2048], strides = [1, 1]} : vector<64x2048xf32> to vector<16x2048xf32>
    %neg3A_122 = arith.constant 0.000000e+00 : f32
    %neg3A_123 = vector.broadcast %neg3A_122 : f32 to vector<16x2048xf32>
    %neg3A_124 = arith.subf %neg3A_123, %slice3A_121 : vector<16x2048xf32>
    %concatenate3A_125 = tpu.concatenate %slice3A_121, %neg3A_124 in 0 : vector<16x2048xf32>, vector<16x2048xf32> -> vector<32x2048xf32>
    %reduce_max3A_126 = arith.constant dense<0xFF800000> : vector<2048xf32>
    %reduce_max3A_127 = vector.multi_reduction <maximumf>, %concatenate3A_125, %reduce_max3A_126 [0] : vector<32x2048xf32> to vector<2048xf32>
    %broadcast_in_dim3A_128 = vector.shape_cast %reduce_max3A_127 : vector<2048xf32> to vector<1x2048xf32>
    %iota3A_129 = tpu.iota {dimensions = array<i32: 0>} : vector<32x2048xi32>
    %convert_element_type3A_130 = arith.sitofp %iota3A_129 : vector<32x2048xi32> to vector<32x2048xf32>
    %ge3A_131 = vector.broadcast %broadcast_in_dim3A_128 : vector<1x2048xf32> to vector<32x2048xf32>
    %ge3A_132 = arith.cmpf oge, %concatenate3A_125, %ge3A_131 : vector<32x2048xf32>
    %jit3A_133 = arith.constant 3.200000e+01 : f32
    %broadcast_in_dim3A_134 = vector.broadcast %jit3A_133 : f32 to vector<32x2048xf32>
    %select_n3A_135 = arith.select %ge3A_132, %convert_element_type3A_130, %broadcast_in_dim3A_134 : vector<32x2048xi1>, vector<32x2048xf32>
    %reduce_min3A_136 = arith.constant dense<0x7F800000> : vector<2048xf32>
    %reduce_min3A_137 = vector.multi_reduction <minimumf>, %select_n3A_135, %reduce_min3A_136 [0] : vector<32x2048xf32> to vector<2048xf32>
    %broadcast_in_dim3A_138 = vector.shape_cast %reduce_min3A_137 : vector<2048xf32> to vector<1x2048xf32>
    %convert_element_type3A_139 = arith.fptosi %broadcast_in_dim3A_138 : vector<1x2048xf32> to vector<1x2048xi32>
    %slice3A_140 = vector.extract_strided_slice %dot_general3A_82 {offsets = [48, 0], sizes = [16, 2048], strides = [1, 1]} : vector<64x2048xf32> to vector<16x2048xf32>
    %neg3A_141 = arith.constant 0.000000e+00 : f32
    %neg3A_142 = vector.broadcast %neg3A_141 : f32 to vector<16x2048xf32>
    %neg3A_143 = arith.subf %neg3A_142, %slice3A_140 : vector<16x2048xf32>
    %concatenate3A_144 = tpu.concatenate %slice3A_140, %neg3A_143 in 0 : vector<16x2048xf32>, vector<16x2048xf32> -> vector<32x2048xf32>
    %reduce_max3A_145 = arith.constant dense<0xFF800000> : vector<2048xf32>
    %reduce_max3A_146 = vector.multi_reduction <maximumf>, %concatenate3A_144, %reduce_max3A_145 [0] : vector<32x2048xf32> to vector<2048xf32>
    %broadcast_in_dim3A_147 = vector.shape_cast %reduce_max3A_146 : vector<2048xf32> to vector<1x2048xf32>
    %iota3A_148 = tpu.iota {dimensions = array<i32: 0>} : vector<32x2048xi32>
    %convert_element_type3A_149 = arith.sitofp %iota3A_148 : vector<32x2048xi32> to vector<32x2048xf32>
    %ge3A_150 = vector.broadcast %broadcast_in_dim3A_147 : vector<1x2048xf32> to vector<32x2048xf32>
    %ge3A_151 = arith.cmpf oge, %concatenate3A_144, %ge3A_150 : vector<32x2048xf32>
    %jit3A_152 = arith.constant 3.200000e+01 : f32
    %broadcast_in_dim3A_153 = vector.broadcast %jit3A_152 : f32 to vector<32x2048xf32>
    %select_n3A_154 = arith.select %ge3A_151, %convert_element_type3A_149, %broadcast_in_dim3A_153 : vector<32x2048xi1>, vector<32x2048xf32>
    %reduce_min3A_155 = arith.constant dense<0x7F800000> : vector<2048xf32>
    %reduce_min3A_156 = vector.multi_reduction <minimumf>, %select_n3A_154, %reduce_min3A_155 [0] : vector<32x2048xf32> to vector<2048xf32>
    %broadcast_in_dim3A_157 = vector.shape_cast %reduce_min3A_156 : vector<2048xf32> to vector<1x2048xf32>
    %convert_element_type3A_158 = arith.fptosi %broadcast_in_dim3A_157 : vector<1x2048xf32> to vector<1x2048xi32>
    %concatenate3A_159 = tpu.concatenate %convert_element_type3A_15, %convert_element_type3A_34, %convert_element_type3A_53, %convert_element_type3A_72, %convert_element_type3A_101, %convert_element_type3A_120, %convert_element_type3A_139, %convert_element_type3A_158 in 0 : vector<1x2048xi32>, vector<1x2048xi32>, vector<1x2048xi32>, vector<1x2048xi32>, vector<1x2048xi32>, vector<1x2048xi32>, vector<1x2048xi32>, vector<1x2048xi32> -> vector<8x2048xi32>
    %swap3A = arith.constant 0 : index
    %swap3A_160 = arith.constant 0 : index
    %swap3A_161 = vector.load %arg3[%swap3A, %swap3A_160] : memref<8x2048xi32, #tpu.memory_space<vmem>>, vector<8x2048xi32>
    tpu.vector_store %arg3[%swap3A, %swap3A_160], %concatenate3A_159 {strides = array<i32>} : memref<8x2048xi32, #tpu.memory_space<vmem>>, vector<8x2048xi32>,
    return
  }
  func.func @transform_0(%arg0: i32) -> (i32, i32, i32) {
    %c0_i32 = arith.constant 0 : i32
    %c0_i32_0 = arith.constant 0 : i32
    %c0_i32_1 = arith.constant 0 : i32
    return %arg0, %c0_i32, %c0_i32_0 : i32, i32, i32
  }
  func.func @transform_1(%arg0: i32) -> (i32, i32) {
    %c0_i32 = arith.constant 0 : i32
    %c0_i32_0 = arith.constant 0 : i32
    %c0_i32_1 = arith.constant 0 : i32
    return %c0_i32, %c0_i32_0 : i32, i32
  }
  func.func @transform_2(%arg0: i32) -> (i32, i32) {
    %c0_i32 = arith.constant 0 : i32
    %c0_i32_0 = arith.constant 0 : i32
    return %arg0, %c0_i32 : i32, i32
  }
}

module attributes {stable_mosaic.version = 14 : i64} {
  func.func @_dest_body(%arg0: i32, %arg1: memref<8x2048xi32, #tpu.memory_space<vmem>>, %arg2: memref<2048x32xf32, #tpu.memory_space<vmem>>, %arg3: memref<2048x2048xbf16, #tpu.memory_space<vmem>>, %arg4: memref<32x32xf32, #tpu.memory_space<vmem>>, %arg5: memref<8x2048xi32, #tpu.memory_space<vmem>>) attributes {dimension_semantics = [#tpu.dimension_semantics<arbitrary>], iteration_bounds = array<i64: 16>, scalar_prefetch = 0 : i64, scratch_operands = 0 : i64, tpu.core_type = #tpu.core_type<tc>, window_params = [{transform_indices = @transform_0, window_bounds = array<i64: 8, 2048>}, {pipeline_mode = #tpu.pipeline_mode<synchronous>, transform_indices = @transform_1, window_bounds = array<i64: 2048, 32>}, {pipeline_mode = #tpu.pipeline_mode<synchronous>, transform_indices = @transform_2, window_bounds = array<i64: 2048, 2048>}, {pipeline_mode = #tpu.pipeline_mode<synchronous>, transform_indices = @transform_3, window_bounds = array<i64: 32, 32>}, {transform_indices = @transform_4, window_bounds = array<i64: 8, 2048>}]} {
    %get3A = arith.constant 0 : index
    %get3A_0 = arith.constant 0 : index
    %get3A_1 = vector.load %arg1[%get3A, %get3A_0] : memref<8x2048xi32, #tpu.memory_space<vmem>>, vector<1x2048xi32>
    %convert_element_type3A = arith.sitofp %get3A_1 : vector<1x2048xi32> to vector<1x2048xf32>
    %iota3A = tpu.iota {dimensions = array<i32: 0>} : vector<32x2048xi32>
    %convert_element_type3A_2 = arith.sitofp %iota3A : vector<32x2048xi32> to vector<32x2048xf32>
    %eq3A = vector.broadcast %convert_element_type3A : vector<1x2048xf32> to vector<32x2048xf32>
    %eq3A_3 = arith.cmpf oeq, %convert_element_type3A_2, %eq3A : vector<32x2048xf32>
    %jit3A = arith.constant 1.000000e+00 : f32
    %jit3A_4 = arith.constant 0.000000e+00 : f32
    %broadcast_in_dim3A = vector.broadcast %jit3A : f32 to vector<32x2048xf32>
    %broadcast_in_dim3A_5 = vector.broadcast %jit3A_4 : f32 to vector<32x2048xf32>
    %select_n3A = arith.select %eq3A_3, %broadcast_in_dim3A, %broadcast_in_dim3A_5 : vector<32x2048xi1>, vector<32x2048xf32>
    %convert_element_type3A_6 = arith.truncf %select_n3A : vector<32x2048xf32> to vector<32x2048xbf16>
    %get3A_7 = arith.constant 0 : index
    %get3A_8 = arith.constant 0 : index
    %get3A_9 = vector.load %arg3[%get3A_7, %get3A_8] : memref<2048x2048xbf16, #tpu.memory_space<vmem>>, vector<2048x2048xbf16>
    %dot_general3A = arith.constant dense<0.000000e+00> : vector<32x2048xf32>
    %dot_general3A_10 = tpu.matmul %convert_element_type3A_6, %get3A_9, %dot_general3A {dimension_numbers = #tpu.dot_dimension_numbers<[1], [0], [0], [1], [0, 0, 1, 1], [], []>, transpose_lhs_hint = false} : vector<32x2048xbf16>, vector<2048x2048xbf16>, vector<32x2048xf32> -> vector<32x2048xf32>
    %sub3A = arith.subf %dot_general3A_10, %select_n3A : vector<32x2048xf32>
    %mul3A = arith.mulf %select_n3A, %sub3A : vector<32x2048xf32>
    %reduce_sum3A = arith.constant dense<0.000000e+00> : vector<2048xf32>
    %reduce_sum3A_11 = vector.multi_reduction <add>, %mul3A, %reduce_sum3A [0] : vector<32x2048xf32> to vector<2048xf32>
    %broadcast_in_dim3A_12 = vector.shape_cast %reduce_sum3A_11 : vector<2048xf32> to vector<1x2048xf32>
    %get3A_13 = arith.constant 0 : index
    %get3A_14 = arith.constant 0 : index
    %get3A_15 = vector.load %arg4[%get3A_13, %get3A_14] : memref<32x32xf32, #tpu.memory_space<vmem>>, vector<32x32xf32>
    %dot_general3A_16 = arith.constant dense<0.000000e+00> : vector<32x2048xf32>
    %dot_general3A_17 = tpu.matmul %get3A_15, %select_n3A, %dot_general3A_16 {dimension_numbers = #tpu.dot_dimension_numbers<[1], [0], [0], [1], [0, 0, 1, 1], [], []>, transpose_lhs_hint = false} : vector<32x32xf32>, vector<32x2048xf32>, vector<32x2048xf32> -> vector<32x2048xf32>
    %get3A_18 = arith.constant 0 : index
    %get3A_19 = arith.constant 0 : index
    %get3A_20 = vector.load %arg2[%get3A_18, %get3A_19] : memref<2048x32xf32, #tpu.memory_space<vmem>>, vector<2048x32xf32>
    %dot_general3A_21 = arith.constant dense<0.000000e+00> : vector<32x32xf32>
    %dot_general3A_22 = tpu.matmul %select_n3A, %get3A_20, %dot_general3A_21 {dimension_numbers = #tpu.dot_dimension_numbers<[1], [0], [0], [1], [0, 0, 1, 1], [], []>, transpose_lhs_hint = false} : vector<32x2048xf32>, vector<2048x32xf32>, vector<32x32xf32> -> vector<32x32xf32>
    %dot_general3A_23 = arith.constant dense<0.000000e+00> : vector<32x2048xf32>
    %dot_general3A_24 = tpu.matmul %dot_general3A_22, %dot_general3A_17, %dot_general3A_23 {dimension_numbers = #tpu.dot_dimension_numbers<[0], [0], [1], [1], [0, 1, 1, 1], [], []>, transpose_lhs_hint = false} : vector<32x32xf32>, vector<32x2048xf32>, vector<32x2048xf32> -> vector<32x2048xf32>
    %slice3A = vector.extract_strided_slice %dot_general3A_24 {offsets = [0, 0], sizes = [1, 2048], strides = [1, 1]} : vector<32x2048xf32> to vector<1x2048xf32>
    %add3A = arith.addf %slice3A, %broadcast_in_dim3A_12 : vector<1x2048xf32>
    %convert_element_type3A_25 = arith.fptosi %add3A : vector<1x2048xf32> to vector<1x2048xi32>
    %mul3A_26 = arith.constant 8 : i32
    %mul3A_27 = arith.muli %arg0, %mul3A_26 : i32
    %add3A_28 = arith.constant 0 : i32
    %add3A_29 = arith.addi %mul3A_27, %add3A_28 : i32
    %mul3A_30 = arith.constant 2048 : i32
    %mul3A_31 = arith.muli %add3A_29, %mul3A_30 : i32
    %add3A_32 = vector.broadcast %mul3A_31 : i32 to vector<1x2048xi32>
    %add3A_33 = arith.addi %convert_element_type3A_25, %add3A_32 : vector<1x2048xi32>
    %get3A_34 = arith.constant 1 : index
    %get3A_35 = arith.constant 0 : index
    %get3A_36 = vector.load %arg1[%get3A_34, %get3A_35] : memref<8x2048xi32, #tpu.memory_space<vmem>>, vector<1x2048xi32>
    %convert_element_type3A_37 = arith.sitofp %get3A_36 : vector<1x2048xi32> to vector<1x2048xf32>
    %iota3A_38 = tpu.iota {dimensions = array<i32: 0>} : vector<32x2048xi32>
    %convert_element_type3A_39 = arith.sitofp %iota3A_38 : vector<32x2048xi32> to vector<32x2048xf32>
    %eq3A_40 = vector.broadcast %convert_element_type3A_37 : vector<1x2048xf32> to vector<32x2048xf32>
    %eq3A_41 = arith.cmpf oeq, %convert_element_type3A_39, %eq3A_40 : vector<32x2048xf32>
    %jit3A_42 = arith.constant 1.000000e+00 : f32
    %jit3A_43 = arith.constant 0.000000e+00 : f32
    %broadcast_in_dim3A_44 = vector.broadcast %jit3A_42 : f32 to vector<32x2048xf32>
    %broadcast_in_dim3A_45 = vector.broadcast %jit3A_43 : f32 to vector<32x2048xf32>
    %select_n3A_46 = arith.select %eq3A_41, %broadcast_in_dim3A_44, %broadcast_in_dim3A_45 : vector<32x2048xi1>, vector<32x2048xf32>
    %convert_element_type3A_47 = arith.truncf %select_n3A_46 : vector<32x2048xf32> to vector<32x2048xbf16>
    %get3A_48 = arith.constant 0 : index
    %get3A_49 = arith.constant 0 : index
    %get3A_50 = vector.load %arg3[%get3A_48, %get3A_49] : memref<2048x2048xbf16, #tpu.memory_space<vmem>>, vector<2048x2048xbf16>
    %dot_general3A_51 = arith.constant dense<0.000000e+00> : vector<32x2048xf32>
    %dot_general3A_52 = tpu.matmul %convert_element_type3A_47, %get3A_50, %dot_general3A_51 {dimension_numbers = #tpu.dot_dimension_numbers<[1], [0], [0], [1], [0, 0, 1, 1], [], []>, transpose_lhs_hint = false} : vector<32x2048xbf16>, vector<2048x2048xbf16>, vector<32x2048xf32> -> vector<32x2048xf32>
    %sub3A_53 = arith.subf %dot_general3A_52, %select_n3A_46 : vector<32x2048xf32>
    %mul3A_54 = arith.mulf %select_n3A_46, %sub3A_53 : vector<32x2048xf32>
    %reduce_sum3A_55 = arith.constant dense<0.000000e+00> : vector<2048xf32>
    %reduce_sum3A_56 = vector.multi_reduction <add>, %mul3A_54, %reduce_sum3A_55 [0] : vector<32x2048xf32> to vector<2048xf32>
    %broadcast_in_dim3A_57 = vector.shape_cast %reduce_sum3A_56 : vector<2048xf32> to vector<1x2048xf32>
    %get3A_58 = arith.constant 0 : index
    %get3A_59 = arith.constant 0 : index
    %get3A_60 = vector.load %arg4[%get3A_58, %get3A_59] : memref<32x32xf32, #tpu.memory_space<vmem>>, vector<32x32xf32>
    %dot_general3A_61 = arith.constant dense<0.000000e+00> : vector<32x2048xf32>
    %dot_general3A_62 = tpu.matmul %get3A_60, %select_n3A_46, %dot_general3A_61 {dimension_numbers = #tpu.dot_dimension_numbers<[1], [0], [0], [1], [0, 0, 1, 1], [], []>, transpose_lhs_hint = false} : vector<32x32xf32>, vector<32x2048xf32>, vector<32x2048xf32> -> vector<32x2048xf32>
    %get3A_63 = arith.constant 0 : index
    %get3A_64 = arith.constant 0 : index
    %get3A_65 = vector.load %arg2[%get3A_63, %get3A_64] : memref<2048x32xf32, #tpu.memory_space<vmem>>, vector<2048x32xf32>
    %dot_general3A_66 = arith.constant dense<0.000000e+00> : vector<32x32xf32>
    %dot_general3A_67 = tpu.matmul %select_n3A_46, %get3A_65, %dot_general3A_66 {dimension_numbers = #tpu.dot_dimension_numbers<[1], [0], [0], [1], [0, 0, 1, 1], [], []>, transpose_lhs_hint = false} : vector<32x2048xf32>, vector<2048x32xf32>, vector<32x32xf32> -> vector<32x32xf32>
    %dot_general3A_68 = arith.constant dense<0.000000e+00> : vector<32x2048xf32>
    %dot_general3A_69 = tpu.matmul %dot_general3A_67, %dot_general3A_62, %dot_general3A_68 {dimension_numbers = #tpu.dot_dimension_numbers<[0], [0], [1], [1], [0, 1, 1, 1], [], []>, transpose_lhs_hint = false} : vector<32x32xf32>, vector<32x2048xf32>, vector<32x2048xf32> -> vector<32x2048xf32>
    %slice3A_70 = vector.extract_strided_slice %dot_general3A_69 {offsets = [0, 0], sizes = [1, 2048], strides = [1, 1]} : vector<32x2048xf32> to vector<1x2048xf32>
    %add3A_71 = arith.addf %slice3A_70, %broadcast_in_dim3A_57 : vector<1x2048xf32>
    %convert_element_type3A_72 = arith.fptosi %add3A_71 : vector<1x2048xf32> to vector<1x2048xi32>
    %mul3A_73 = arith.constant 8 : i32
    %mul3A_74 = arith.muli %arg0, %mul3A_73 : i32
    %add3A_75 = arith.constant 1 : i32
    %add3A_76 = arith.addi %mul3A_74, %add3A_75 : i32
    %mul3A_77 = arith.constant 2048 : i32
    %mul3A_78 = arith.muli %add3A_76, %mul3A_77 : i32
    %add3A_79 = vector.broadcast %mul3A_78 : i32 to vector<1x2048xi32>
    %add3A_80 = arith.addi %convert_element_type3A_72, %add3A_79 : vector<1x2048xi32>
    %get3A_81 = arith.constant 2 : index
    %get3A_82 = arith.constant 0 : index
    %get3A_83 = vector.load %arg1[%get3A_81, %get3A_82] : memref<8x2048xi32, #tpu.memory_space<vmem>>, vector<1x2048xi32>
    %convert_element_type3A_84 = arith.sitofp %get3A_83 : vector<1x2048xi32> to vector<1x2048xf32>
    %iota3A_85 = tpu.iota {dimensions = array<i32: 0>} : vector<32x2048xi32>
    %convert_element_type3A_86 = arith.sitofp %iota3A_85 : vector<32x2048xi32> to vector<32x2048xf32>
    %eq3A_87 = vector.broadcast %convert_element_type3A_84 : vector<1x2048xf32> to vector<32x2048xf32>
    %eq3A_88 = arith.cmpf oeq, %convert_element_type3A_86, %eq3A_87 : vector<32x2048xf32>
    %jit3A_89 = arith.constant 1.000000e+00 : f32
    %jit3A_90 = arith.constant 0.000000e+00 : f32
    %broadcast_in_dim3A_91 = vector.broadcast %jit3A_89 : f32 to vector<32x2048xf32>
    %broadcast_in_dim3A_92 = vector.broadcast %jit3A_90 : f32 to vector<32x2048xf32>
    %select_n3A_93 = arith.select %eq3A_88, %broadcast_in_dim3A_91, %broadcast_in_dim3A_92 : vector<32x2048xi1>, vector<32x2048xf32>
    %convert_element_type3A_94 = arith.truncf %select_n3A_93 : vector<32x2048xf32> to vector<32x2048xbf16>
    %get3A_95 = arith.constant 0 : index
    %get3A_96 = arith.constant 0 : index
    %get3A_97 = vector.load %arg3[%get3A_95, %get3A_96] : memref<2048x2048xbf16, #tpu.memory_space<vmem>>, vector<2048x2048xbf16>
    %dot_general3A_98 = arith.constant dense<0.000000e+00> : vector<32x2048xf32>
    %dot_general3A_99 = tpu.matmul %convert_element_type3A_94, %get3A_97, %dot_general3A_98 {dimension_numbers = #tpu.dot_dimension_numbers<[1], [0], [0], [1], [0, 0, 1, 1], [], []>, transpose_lhs_hint = false} : vector<32x2048xbf16>, vector<2048x2048xbf16>, vector<32x2048xf32> -> vector<32x2048xf32>
    %sub3A_100 = arith.subf %dot_general3A_99, %select_n3A_93 : vector<32x2048xf32>
    %mul3A_101 = arith.mulf %select_n3A_93, %sub3A_100 : vector<32x2048xf32>
    %reduce_sum3A_102 = arith.constant dense<0.000000e+00> : vector<2048xf32>
    %reduce_sum3A_103 = vector.multi_reduction <add>, %mul3A_101, %reduce_sum3A_102 [0] : vector<32x2048xf32> to vector<2048xf32>
    %broadcast_in_dim3A_104 = vector.shape_cast %reduce_sum3A_103 : vector<2048xf32> to vector<1x2048xf32>
    %get3A_105 = arith.constant 0 : index
    %get3A_106 = arith.constant 0 : index
    %get3A_107 = vector.load %arg4[%get3A_105, %get3A_106] : memref<32x32xf32, #tpu.memory_space<vmem>>, vector<32x32xf32>
    %dot_general3A_108 = arith.constant dense<0.000000e+00> : vector<32x2048xf32>
    %dot_general3A_109 = tpu.matmul %get3A_107, %select_n3A_93, %dot_general3A_108 {dimension_numbers = #tpu.dot_dimension_numbers<[1], [0], [0], [1], [0, 0, 1, 1], [], []>, transpose_lhs_hint = false} : vector<32x32xf32>, vector<32x2048xf32>, vector<32x2048xf32> -> vector<32x2048xf32>
    %get3A_110 = arith.constant 0 : index
    %get3A_111 = arith.constant 0 : index
    %get3A_112 = vector.load %arg2[%get3A_110, %get3A_111] : memref<2048x32xf32, #tpu.memory_space<vmem>>, vector<2048x32xf32>
    %dot_general3A_113 = arith.constant dense<0.000000e+00> : vector<32x32xf32>
    %dot_general3A_114 = tpu.matmul %select_n3A_93, %get3A_112, %dot_general3A_113 {dimension_numbers = #tpu.dot_dimension_numbers<[1], [0], [0], [1], [0, 0, 1, 1], [], []>, transpose_lhs_hint = false} : vector<32x2048xf32>, vector<2048x32xf32>, vector<32x32xf32> -> vector<32x32xf32>
    %dot_general3A_115 = arith.constant dense<0.000000e+00> : vector<32x2048xf32>
    %dot_general3A_116 = tpu.matmul %dot_general3A_114, %dot_general3A_109, %dot_general3A_115 {dimension_numbers = #tpu.dot_dimension_numbers<[0], [0], [1], [1], [0, 1, 1, 1], [], []>, transpose_lhs_hint = false} : vector<32x32xf32>, vector<32x2048xf32>, vector<32x2048xf32> -> vector<32x2048xf32>
    %slice3A_117 = vector.extract_strided_slice %dot_general3A_116 {offsets = [0, 0], sizes = [1, 2048], strides = [1, 1]} : vector<32x2048xf32> to vector<1x2048xf32>
    %add3A_118 = arith.addf %slice3A_117, %broadcast_in_dim3A_104 : vector<1x2048xf32>
    %convert_element_type3A_119 = arith.fptosi %add3A_118 : vector<1x2048xf32> to vector<1x2048xi32>
    %mul3A_120 = arith.constant 8 : i32
    %mul3A_121 = arith.muli %arg0, %mul3A_120 : i32
    %add3A_122 = arith.constant 2 : i32
    %add3A_123 = arith.addi %mul3A_121, %add3A_122 : i32
    %mul3A_124 = arith.constant 2048 : i32
    %mul3A_125 = arith.muli %add3A_123, %mul3A_124 : i32
    %add3A_126 = vector.broadcast %mul3A_125 : i32 to vector<1x2048xi32>
    %add3A_127 = arith.addi %convert_element_type3A_119, %add3A_126 : vector<1x2048xi32>
    %get3A_128 = arith.constant 3 : index
    %get3A_129 = arith.constant 0 : index
    %get3A_130 = vector.load %arg1[%get3A_128, %get3A_129] : memref<8x2048xi32, #tpu.memory_space<vmem>>, vector<1x2048xi32>
    %convert_element_type3A_131 = arith.sitofp %get3A_130 : vector<1x2048xi32> to vector<1x2048xf32>
    %iota3A_132 = tpu.iota {dimensions = array<i32: 0>} : vector<32x2048xi32>
    %convert_element_type3A_133 = arith.sitofp %iota3A_132 : vector<32x2048xi32> to vector<32x2048xf32>
    %eq3A_134 = vector.broadcast %convert_element_type3A_131 : vector<1x2048xf32> to vector<32x2048xf32>
    %eq3A_135 = arith.cmpf oeq, %convert_element_type3A_133, %eq3A_134 : vector<32x2048xf32>
    %jit3A_136 = arith.constant 1.000000e+00 : f32
    %jit3A_137 = arith.constant 0.000000e+00 : f32
    %broadcast_in_dim3A_138 = vector.broadcast %jit3A_136 : f32 to vector<32x2048xf32>
    %broadcast_in_dim3A_139 = vector.broadcast %jit3A_137 : f32 to vector<32x2048xf32>
    %select_n3A_140 = arith.select %eq3A_135, %broadcast_in_dim3A_138, %broadcast_in_dim3A_139 : vector<32x2048xi1>, vector<32x2048xf32>
    %convert_element_type3A_141 = arith.truncf %select_n3A_140 : vector<32x2048xf32> to vector<32x2048xbf16>
    %get3A_142 = arith.constant 0 : index
    %get3A_143 = arith.constant 0 : index
    %get3A_144 = vector.load %arg3[%get3A_142, %get3A_143] : memref<2048x2048xbf16, #tpu.memory_space<vmem>>, vector<2048x2048xbf16>
    %dot_general3A_145 = arith.constant dense<0.000000e+00> : vector<32x2048xf32>
    %dot_general3A_146 = tpu.matmul %convert_element_type3A_141, %get3A_144, %dot_general3A_145 {dimension_numbers = #tpu.dot_dimension_numbers<[1], [0], [0], [1], [0, 0, 1, 1], [], []>, transpose_lhs_hint = false} : vector<32x2048xbf16>, vector<2048x2048xbf16>, vector<32x2048xf32> -> vector<32x2048xf32>
    %sub3A_147 = arith.subf %dot_general3A_146, %select_n3A_140 : vector<32x2048xf32>
    %mul3A_148 = arith.mulf %select_n3A_140, %sub3A_147 : vector<32x2048xf32>
    %reduce_sum3A_149 = arith.constant dense<0.000000e+00> : vector<2048xf32>
    %reduce_sum3A_150 = vector.multi_reduction <add>, %mul3A_148, %reduce_sum3A_149 [0] : vector<32x2048xf32> to vector<2048xf32>
    %broadcast_in_dim3A_151 = vector.shape_cast %reduce_sum3A_150 : vector<2048xf32> to vector<1x2048xf32>
    %get3A_152 = arith.constant 0 : index
    %get3A_153 = arith.constant 0 : index
    %get3A_154 = vector.load %arg4[%get3A_152, %get3A_153] : memref<32x32xf32, #tpu.memory_space<vmem>>, vector<32x32xf32>
    %dot_general3A_155 = arith.constant dense<0.000000e+00> : vector<32x2048xf32>
    %dot_general3A_156 = tpu.matmul %get3A_154, %select_n3A_140, %dot_general3A_155 {dimension_numbers = #tpu.dot_dimension_numbers<[1], [0], [0], [1], [0, 0, 1, 1], [], []>, transpose_lhs_hint = false} : vector<32x32xf32>, vector<32x2048xf32>, vector<32x2048xf32> -> vector<32x2048xf32>
    %get3A_157 = arith.constant 0 : index
    %get3A_158 = arith.constant 0 : index
    %get3A_159 = vector.load %arg2[%get3A_157, %get3A_158] : memref<2048x32xf32, #tpu.memory_space<vmem>>, vector<2048x32xf32>
    %dot_general3A_160 = arith.constant dense<0.000000e+00> : vector<32x32xf32>
    %dot_general3A_161 = tpu.matmul %select_n3A_140, %get3A_159, %dot_general3A_160 {dimension_numbers = #tpu.dot_dimension_numbers<[1], [0], [0], [1], [0, 0, 1, 1], [], []>, transpose_lhs_hint = false} : vector<32x2048xf32>, vector<2048x32xf32>, vector<32x32xf32> -> vector<32x32xf32>
    %dot_general3A_162 = arith.constant dense<0.000000e+00> : vector<32x2048xf32>
    %dot_general3A_163 = tpu.matmul %dot_general3A_161, %dot_general3A_156, %dot_general3A_162 {dimension_numbers = #tpu.dot_dimension_numbers<[0], [0], [1], [1], [0, 1, 1, 1], [], []>, transpose_lhs_hint = false} : vector<32x32xf32>, vector<32x2048xf32>, vector<32x2048xf32> -> vector<32x2048xf32>
    %slice3A_164 = vector.extract_strided_slice %dot_general3A_163 {offsets = [0, 0], sizes = [1, 2048], strides = [1, 1]} : vector<32x2048xf32> to vector<1x2048xf32>
    %add3A_165 = arith.addf %slice3A_164, %broadcast_in_dim3A_151 : vector<1x2048xf32>
    %convert_element_type3A_166 = arith.fptosi %add3A_165 : vector<1x2048xf32> to vector<1x2048xi32>
    %mul3A_167 = arith.constant 8 : i32
    %mul3A_168 = arith.muli %arg0, %mul3A_167 : i32
    %add3A_169 = arith.constant 3 : i32
    %add3A_170 = arith.addi %mul3A_168, %add3A_169 : i32
    %mul3A_171 = arith.constant 2048 : i32
    %mul3A_172 = arith.muli %add3A_170, %mul3A_171 : i32
    %add3A_173 = vector.broadcast %mul3A_172 : i32 to vector<1x2048xi32>
    %add3A_174 = arith.addi %convert_element_type3A_166, %add3A_173 : vector<1x2048xi32>
    %get3A_175 = arith.constant 4 : index
    %get3A_176 = arith.constant 0 : index
    %get3A_177 = vector.load %arg1[%get3A_175, %get3A_176] : memref<8x2048xi32, #tpu.memory_space<vmem>>, vector<1x2048xi32>
    %convert_element_type3A_178 = arith.sitofp %get3A_177 : vector<1x2048xi32> to vector<1x2048xf32>
    %iota3A_179 = tpu.iota {dimensions = array<i32: 0>} : vector<32x2048xi32>
    %convert_element_type3A_180 = arith.sitofp %iota3A_179 : vector<32x2048xi32> to vector<32x2048xf32>
    %eq3A_181 = vector.broadcast %convert_element_type3A_178 : vector<1x2048xf32> to vector<32x2048xf32>
    %eq3A_182 = arith.cmpf oeq, %convert_element_type3A_180, %eq3A_181 : vector<32x2048xf32>
    %jit3A_183 = arith.constant 1.000000e+00 : f32
    %jit3A_184 = arith.constant 0.000000e+00 : f32
    %broadcast_in_dim3A_185 = vector.broadcast %jit3A_183 : f32 to vector<32x2048xf32>
    %broadcast_in_dim3A_186 = vector.broadcast %jit3A_184 : f32 to vector<32x2048xf32>
    %select_n3A_187 = arith.select %eq3A_182, %broadcast_in_dim3A_185, %broadcast_in_dim3A_186 : vector<32x2048xi1>, vector<32x2048xf32>
    %convert_element_type3A_188 = arith.truncf %select_n3A_187 : vector<32x2048xf32> to vector<32x2048xbf16>
    %get3A_189 = arith.constant 0 : index
    %get3A_190 = arith.constant 0 : index
    %get3A_191 = vector.load %arg3[%get3A_189, %get3A_190] : memref<2048x2048xbf16, #tpu.memory_space<vmem>>, vector<2048x2048xbf16>
    %dot_general3A_192 = arith.constant dense<0.000000e+00> : vector<32x2048xf32>
    %dot_general3A_193 = tpu.matmul %convert_element_type3A_188, %get3A_191, %dot_general3A_192 {dimension_numbers = #tpu.dot_dimension_numbers<[1], [0], [0], [1], [0, 0, 1, 1], [], []>, transpose_lhs_hint = false} : vector<32x2048xbf16>, vector<2048x2048xbf16>, vector<32x2048xf32> -> vector<32x2048xf32>
    %sub3A_194 = arith.subf %dot_general3A_193, %select_n3A_187 : vector<32x2048xf32>
    %mul3A_195 = arith.mulf %select_n3A_187, %sub3A_194 : vector<32x2048xf32>
    %reduce_sum3A_196 = arith.constant dense<0.000000e+00> : vector<2048xf32>
    %reduce_sum3A_197 = vector.multi_reduction <add>, %mul3A_195, %reduce_sum3A_196 [0] : vector<32x2048xf32> to vector<2048xf32>
    %broadcast_in_dim3A_198 = vector.shape_cast %reduce_sum3A_197 : vector<2048xf32> to vector<1x2048xf32>
    %get3A_199 = arith.constant 0 : index
    %get3A_200 = arith.constant 0 : index
    %get3A_201 = vector.load %arg4[%get3A_199, %get3A_200] : memref<32x32xf32, #tpu.memory_space<vmem>>, vector<32x32xf32>
    %dot_general3A_202 = arith.constant dense<0.000000e+00> : vector<32x2048xf32>
    %dot_general3A_203 = tpu.matmul %get3A_201, %select_n3A_187, %dot_general3A_202 {dimension_numbers = #tpu.dot_dimension_numbers<[1], [0], [0], [1], [0, 0, 1, 1], [], []>, transpose_lhs_hint = false} : vector<32x32xf32>, vector<32x2048xf32>, vector<32x2048xf32> -> vector<32x2048xf32>
    %get3A_204 = arith.constant 0 : index
    %get3A_205 = arith.constant 0 : index
    %get3A_206 = vector.load %arg2[%get3A_204, %get3A_205] : memref<2048x32xf32, #tpu.memory_space<vmem>>, vector<2048x32xf32>
    %dot_general3A_207 = arith.constant dense<0.000000e+00> : vector<32x32xf32>
    %dot_general3A_208 = tpu.matmul %select_n3A_187, %get3A_206, %dot_general3A_207 {dimension_numbers = #tpu.dot_dimension_numbers<[1], [0], [0], [1], [0, 0, 1, 1], [], []>, transpose_lhs_hint = false} : vector<32x2048xf32>, vector<2048x32xf32>, vector<32x32xf32> -> vector<32x32xf32>
    %dot_general3A_209 = arith.constant dense<0.000000e+00> : vector<32x2048xf32>
    %dot_general3A_210 = tpu.matmul %dot_general3A_208, %dot_general3A_203, %dot_general3A_209 {dimension_numbers = #tpu.dot_dimension_numbers<[0], [0], [1], [1], [0, 1, 1, 1], [], []>, transpose_lhs_hint = false} : vector<32x32xf32>, vector<32x2048xf32>, vector<32x2048xf32> -> vector<32x2048xf32>
    %slice3A_211 = vector.extract_strided_slice %dot_general3A_210 {offsets = [0, 0], sizes = [1, 2048], strides = [1, 1]} : vector<32x2048xf32> to vector<1x2048xf32>
    %add3A_212 = arith.addf %slice3A_211, %broadcast_in_dim3A_198 : vector<1x2048xf32>
    %convert_element_type3A_213 = arith.fptosi %add3A_212 : vector<1x2048xf32> to vector<1x2048xi32>
    %mul3A_214 = arith.constant 8 : i32
    %mul3A_215 = arith.muli %arg0, %mul3A_214 : i32
    %add3A_216 = arith.constant 4 : i32
    %add3A_217 = arith.addi %mul3A_215, %add3A_216 : i32
    %mul3A_218 = arith.constant 2048 : i32
    %mul3A_219 = arith.muli %add3A_217, %mul3A_218 : i32
    %add3A_220 = vector.broadcast %mul3A_219 : i32 to vector<1x2048xi32>
    %add3A_221 = arith.addi %convert_element_type3A_213, %add3A_220 : vector<1x2048xi32>
    %get3A_222 = arith.constant 5 : index
    %get3A_223 = arith.constant 0 : index
    %get3A_224 = vector.load %arg1[%get3A_222, %get3A_223] : memref<8x2048xi32, #tpu.memory_space<vmem>>, vector<1x2048xi32>
    %convert_element_type3A_225 = arith.sitofp %get3A_224 : vector<1x2048xi32> to vector<1x2048xf32>
    %iota3A_226 = tpu.iota {dimensions = array<i32: 0>} : vector<32x2048xi32>
    %convert_element_type3A_227 = arith.sitofp %iota3A_226 : vector<32x2048xi32> to vector<32x2048xf32>
    %eq3A_228 = vector.broadcast %convert_element_type3A_225 : vector<1x2048xf32> to vector<32x2048xf32>
    %eq3A_229 = arith.cmpf oeq, %convert_element_type3A_227, %eq3A_228 : vector<32x2048xf32>
    %jit3A_230 = arith.constant 1.000000e+00 : f32
    %jit3A_231 = arith.constant 0.000000e+00 : f32
    %broadcast_in_dim3A_232 = vector.broadcast %jit3A_230 : f32 to vector<32x2048xf32>
    %broadcast_in_dim3A_233 = vector.broadcast %jit3A_231 : f32 to vector<32x2048xf32>
    %select_n3A_234 = arith.select %eq3A_229, %broadcast_in_dim3A_232, %broadcast_in_dim3A_233 : vector<32x2048xi1>, vector<32x2048xf32>
    %convert_element_type3A_235 = arith.truncf %select_n3A_234 : vector<32x2048xf32> to vector<32x2048xbf16>
    %get3A_236 = arith.constant 0 : index
    %get3A_237 = arith.constant 0 : index
    %get3A_238 = vector.load %arg3[%get3A_236, %get3A_237] : memref<2048x2048xbf16, #tpu.memory_space<vmem>>, vector<2048x2048xbf16>
    %dot_general3A_239 = arith.constant dense<0.000000e+00> : vector<32x2048xf32>
    %dot_general3A_240 = tpu.matmul %convert_element_type3A_235, %get3A_238, %dot_general3A_239 {dimension_numbers = #tpu.dot_dimension_numbers<[1], [0], [0], [1], [0, 0, 1, 1], [], []>, transpose_lhs_hint = false} : vector<32x2048xbf16>, vector<2048x2048xbf16>, vector<32x2048xf32> -> vector<32x2048xf32>
    %sub3A_241 = arith.subf %dot_general3A_240, %select_n3A_234 : vector<32x2048xf32>
    %mul3A_242 = arith.mulf %select_n3A_234, %sub3A_241 : vector<32x2048xf32>
    %reduce_sum3A_243 = arith.constant dense<0.000000e+00> : vector<2048xf32>
    %reduce_sum3A_244 = vector.multi_reduction <add>, %mul3A_242, %reduce_sum3A_243 [0] : vector<32x2048xf32> to vector<2048xf32>
    %broadcast_in_dim3A_245 = vector.shape_cast %reduce_sum3A_244 : vector<2048xf32> to vector<1x2048xf32>
    %get3A_246 = arith.constant 0 : index
    %get3A_247 = arith.constant 0 : index
    %get3A_248 = vector.load %arg4[%get3A_246, %get3A_247] : memref<32x32xf32, #tpu.memory_space<vmem>>, vector<32x32xf32>
    %dot_general3A_249 = arith.constant dense<0.000000e+00> : vector<32x2048xf32>
    %dot_general3A_250 = tpu.matmul %get3A_248, %select_n3A_234, %dot_general3A_249 {dimension_numbers = #tpu.dot_dimension_numbers<[1], [0], [0], [1], [0, 0, 1, 1], [], []>, transpose_lhs_hint = false} : vector<32x32xf32>, vector<32x2048xf32>, vector<32x2048xf32> -> vector<32x2048xf32>
    %get3A_251 = arith.constant 0 : index
    %get3A_252 = arith.constant 0 : index
    %get3A_253 = vector.load %arg2[%get3A_251, %get3A_252] : memref<2048x32xf32, #tpu.memory_space<vmem>>, vector<2048x32xf32>
    %dot_general3A_254 = arith.constant dense<0.000000e+00> : vector<32x32xf32>
    %dot_general3A_255 = tpu.matmul %select_n3A_234, %get3A_253, %dot_general3A_254 {dimension_numbers = #tpu.dot_dimension_numbers<[1], [0], [0], [1], [0, 0, 1, 1], [], []>, transpose_lhs_hint = false} : vector<32x2048xf32>, vector<2048x32xf32>, vector<32x32xf32> -> vector<32x32xf32>
    %dot_general3A_256 = arith.constant dense<0.000000e+00> : vector<32x2048xf32>
    %dot_general3A_257 = tpu.matmul %dot_general3A_255, %dot_general3A_250, %dot_general3A_256 {dimension_numbers = #tpu.dot_dimension_numbers<[0], [0], [1], [1], [0, 1, 1, 1], [], []>, transpose_lhs_hint = false} : vector<32x32xf32>, vector<32x2048xf32>, vector<32x2048xf32> -> vector<32x2048xf32>
    %slice3A_258 = vector.extract_strided_slice %dot_general3A_257 {offsets = [0, 0], sizes = [1, 2048], strides = [1, 1]} : vector<32x2048xf32> to vector<1x2048xf32>
    %add3A_259 = arith.addf %slice3A_258, %broadcast_in_dim3A_245 : vector<1x2048xf32>
    %convert_element_type3A_260 = arith.fptosi %add3A_259 : vector<1x2048xf32> to vector<1x2048xi32>
    %mul3A_261 = arith.constant 8 : i32
    %mul3A_262 = arith.muli %arg0, %mul3A_261 : i32
    %add3A_263 = arith.constant 5 : i32
    %add3A_264 = arith.addi %mul3A_262, %add3A_263 : i32
    %mul3A_265 = arith.constant 2048 : i32
    %mul3A_266 = arith.muli %add3A_264, %mul3A_265 : i32
    %add3A_267 = vector.broadcast %mul3A_266 : i32 to vector<1x2048xi32>
    %add3A_268 = arith.addi %convert_element_type3A_260, %add3A_267 : vector<1x2048xi32>
    %get3A_269 = arith.constant 6 : index
    %get3A_270 = arith.constant 0 : index
    %get3A_271 = vector.load %arg1[%get3A_269, %get3A_270] : memref<8x2048xi32, #tpu.memory_space<vmem>>, vector<1x2048xi32>
    %convert_element_type3A_272 = arith.sitofp %get3A_271 : vector<1x2048xi32> to vector<1x2048xf32>
    %iota3A_273 = tpu.iota {dimensions = array<i32: 0>} : vector<32x2048xi32>
    %convert_element_type3A_274 = arith.sitofp %iota3A_273 : vector<32x2048xi32> to vector<32x2048xf32>
    %eq3A_275 = vector.broadcast %convert_element_type3A_272 : vector<1x2048xf32> to vector<32x2048xf32>
    %eq3A_276 = arith.cmpf oeq, %convert_element_type3A_274, %eq3A_275 : vector<32x2048xf32>
    %jit3A_277 = arith.constant 1.000000e+00 : f32
    %jit3A_278 = arith.constant 0.000000e+00 : f32
    %broadcast_in_dim3A_279 = vector.broadcast %jit3A_277 : f32 to vector<32x2048xf32>
    %broadcast_in_dim3A_280 = vector.broadcast %jit3A_278 : f32 to vector<32x2048xf32>
    %select_n3A_281 = arith.select %eq3A_276, %broadcast_in_dim3A_279, %broadcast_in_dim3A_280 : vector<32x2048xi1>, vector<32x2048xf32>
    %convert_element_type3A_282 = arith.truncf %select_n3A_281 : vector<32x2048xf32> to vector<32x2048xbf16>
    %get3A_283 = arith.constant 0 : index
    %get3A_284 = arith.constant 0 : index
    %get3A_285 = vector.load %arg3[%get3A_283, %get3A_284] : memref<2048x2048xbf16, #tpu.memory_space<vmem>>, vector<2048x2048xbf16>
    %dot_general3A_286 = arith.constant dense<0.000000e+00> : vector<32x2048xf32>
    %dot_general3A_287 = tpu.matmul %convert_element_type3A_282, %get3A_285, %dot_general3A_286 {dimension_numbers = #tpu.dot_dimension_numbers<[1], [0], [0], [1], [0, 0, 1, 1], [], []>, transpose_lhs_hint = false} : vector<32x2048xbf16>, vector<2048x2048xbf16>, vector<32x2048xf32> -> vector<32x2048xf32>
    %sub3A_288 = arith.subf %dot_general3A_287, %select_n3A_281 : vector<32x2048xf32>
    %mul3A_289 = arith.mulf %select_n3A_281, %sub3A_288 : vector<32x2048xf32>
    %reduce_sum3A_290 = arith.constant dense<0.000000e+00> : vector<2048xf32>
    %reduce_sum3A_291 = vector.multi_reduction <add>, %mul3A_289, %reduce_sum3A_290 [0] : vector<32x2048xf32> to vector<2048xf32>
    %broadcast_in_dim3A_292 = vector.shape_cast %reduce_sum3A_291 : vector<2048xf32> to vector<1x2048xf32>
    %get3A_293 = arith.constant 0 : index
    %get3A_294 = arith.constant 0 : index
    %get3A_295 = vector.load %arg4[%get3A_293, %get3A_294] : memref<32x32xf32, #tpu.memory_space<vmem>>, vector<32x32xf32>
    %dot_general3A_296 = arith.constant dense<0.000000e+00> : vector<32x2048xf32>
    %dot_general3A_297 = tpu.matmul %get3A_295, %select_n3A_281, %dot_general3A_296 {dimension_numbers = #tpu.dot_dimension_numbers<[1], [0], [0], [1], [0, 0, 1, 1], [], []>, transpose_lhs_hint = false} : vector<32x32xf32>, vector<32x2048xf32>, vector<32x2048xf32> -> vector<32x2048xf32>
    %get3A_298 = arith.constant 0 : index
    %get3A_299 = arith.constant 0 : index
    %get3A_300 = vector.load %arg2[%get3A_298, %get3A_299] : memref<2048x32xf32, #tpu.memory_space<vmem>>, vector<2048x32xf32>
    %dot_general3A_301 = arith.constant dense<0.000000e+00> : vector<32x32xf32>
    %dot_general3A_302 = tpu.matmul %select_n3A_281, %get3A_300, %dot_general3A_301 {dimension_numbers = #tpu.dot_dimension_numbers<[1], [0], [0], [1], [0, 0, 1, 1], [], []>, transpose_lhs_hint = false} : vector<32x2048xf32>, vector<2048x32xf32>, vector<32x32xf32> -> vector<32x32xf32>
    %dot_general3A_303 = arith.constant dense<0.000000e+00> : vector<32x2048xf32>
    %dot_general3A_304 = tpu.matmul %dot_general3A_302, %dot_general3A_297, %dot_general3A_303 {dimension_numbers = #tpu.dot_dimension_numbers<[0], [0], [1], [1], [0, 1, 1, 1], [], []>, transpose_lhs_hint = false} : vector<32x32xf32>, vector<32x2048xf32>, vector<32x2048xf32> -> vector<32x2048xf32>
    %slice3A_305 = vector.extract_strided_slice %dot_general3A_304 {offsets = [0, 0], sizes = [1, 2048], strides = [1, 1]} : vector<32x2048xf32> to vector<1x2048xf32>
    %add3A_306 = arith.addf %slice3A_305, %broadcast_in_dim3A_292 : vector<1x2048xf32>
    %convert_element_type3A_307 = arith.fptosi %add3A_306 : vector<1x2048xf32> to vector<1x2048xi32>
    %mul3A_308 = arith.constant 8 : i32
    %mul3A_309 = arith.muli %arg0, %mul3A_308 : i32
    %add3A_310 = arith.constant 6 : i32
    %add3A_311 = arith.addi %mul3A_309, %add3A_310 : i32
    %mul3A_312 = arith.constant 2048 : i32
    %mul3A_313 = arith.muli %add3A_311, %mul3A_312 : i32
    %add3A_314 = vector.broadcast %mul3A_313 : i32 to vector<1x2048xi32>
    %add3A_315 = arith.addi %convert_element_type3A_307, %add3A_314 : vector<1x2048xi32>
    %get3A_316 = arith.constant 7 : index
    %get3A_317 = arith.constant 0 : index
    %get3A_318 = vector.load %arg1[%get3A_316, %get3A_317] : memref<8x2048xi32, #tpu.memory_space<vmem>>, vector<1x2048xi32>
    %convert_element_type3A_319 = arith.sitofp %get3A_318 : vector<1x2048xi32> to vector<1x2048xf32>
    %iota3A_320 = tpu.iota {dimensions = array<i32: 0>} : vector<32x2048xi32>
    %convert_element_type3A_321 = arith.sitofp %iota3A_320 : vector<32x2048xi32> to vector<32x2048xf32>
    %eq3A_322 = vector.broadcast %convert_element_type3A_319 : vector<1x2048xf32> to vector<32x2048xf32>
    %eq3A_323 = arith.cmpf oeq, %convert_element_type3A_321, %eq3A_322 : vector<32x2048xf32>
    %jit3A_324 = arith.constant 1.000000e+00 : f32
    %jit3A_325 = arith.constant 0.000000e+00 : f32
    %broadcast_in_dim3A_326 = vector.broadcast %jit3A_324 : f32 to vector<32x2048xf32>
    %broadcast_in_dim3A_327 = vector.broadcast %jit3A_325 : f32 to vector<32x2048xf32>
    %select_n3A_328 = arith.select %eq3A_323, %broadcast_in_dim3A_326, %broadcast_in_dim3A_327 : vector<32x2048xi1>, vector<32x2048xf32>
    %convert_element_type3A_329 = arith.truncf %select_n3A_328 : vector<32x2048xf32> to vector<32x2048xbf16>
    %get3A_330 = arith.constant 0 : index
    %get3A_331 = arith.constant 0 : index
    %get3A_332 = vector.load %arg3[%get3A_330, %get3A_331] : memref<2048x2048xbf16, #tpu.memory_space<vmem>>, vector<2048x2048xbf16>
    %dot_general3A_333 = arith.constant dense<0.000000e+00> : vector<32x2048xf32>
    %dot_general3A_334 = tpu.matmul %convert_element_type3A_329, %get3A_332, %dot_general3A_333 {dimension_numbers = #tpu.dot_dimension_numbers<[1], [0], [0], [1], [0, 0, 1, 1], [], []>, transpose_lhs_hint = false} : vector<32x2048xbf16>, vector<2048x2048xbf16>, vector<32x2048xf32> -> vector<32x2048xf32>
    %sub3A_335 = arith.subf %dot_general3A_334, %select_n3A_328 : vector<32x2048xf32>
    %mul3A_336 = arith.mulf %select_n3A_328, %sub3A_335 : vector<32x2048xf32>
    %reduce_sum3A_337 = arith.constant dense<0.000000e+00> : vector<2048xf32>
    %reduce_sum3A_338 = vector.multi_reduction <add>, %mul3A_336, %reduce_sum3A_337 [0] : vector<32x2048xf32> to vector<2048xf32>
    %broadcast_in_dim3A_339 = vector.shape_cast %reduce_sum3A_338 : vector<2048xf32> to vector<1x2048xf32>
    %get3A_340 = arith.constant 0 : index
    %get3A_341 = arith.constant 0 : index
    %get3A_342 = vector.load %arg4[%get3A_340, %get3A_341] : memref<32x32xf32, #tpu.memory_space<vmem>>, vector<32x32xf32>
    %dot_general3A_343 = arith.constant dense<0.000000e+00> : vector<32x2048xf32>
    %dot_general3A_344 = tpu.matmul %get3A_342, %select_n3A_328, %dot_general3A_343 {dimension_numbers = #tpu.dot_dimension_numbers<[1], [0], [0], [1], [0, 0, 1, 1], [], []>, transpose_lhs_hint = false} : vector<32x32xf32>, vector<32x2048xf32>, vector<32x2048xf32> -> vector<32x2048xf32>
    %get3A_345 = arith.constant 0 : index
    %get3A_346 = arith.constant 0 : index
    %get3A_347 = vector.load %arg2[%get3A_345, %get3A_346] : memref<2048x32xf32, #tpu.memory_space<vmem>>, vector<2048x32xf32>
    %dot_general3A_348 = arith.constant dense<0.000000e+00> : vector<32x32xf32>
    %dot_general3A_349 = tpu.matmul %select_n3A_328, %get3A_347, %dot_general3A_348 {dimension_numbers = #tpu.dot_dimension_numbers<[1], [0], [0], [1], [0, 0, 1, 1], [], []>, transpose_lhs_hint = false} : vector<32x2048xf32>, vector<2048x32xf32>, vector<32x32xf32> -> vector<32x32xf32>
    %dot_general3A_350 = arith.constant dense<0.000000e+00> : vector<32x2048xf32>
    %dot_general3A_351 = tpu.matmul %dot_general3A_349, %dot_general3A_344, %dot_general3A_350 {dimension_numbers = #tpu.dot_dimension_numbers<[0], [0], [1], [1], [0, 1, 1, 1], [], []>, transpose_lhs_hint = false} : vector<32x32xf32>, vector<32x2048xf32>, vector<32x2048xf32> -> vector<32x2048xf32>
    %slice3A_352 = vector.extract_strided_slice %dot_general3A_351 {offsets = [0, 0], sizes = [1, 2048], strides = [1, 1]} : vector<32x2048xf32> to vector<1x2048xf32>
    %add3A_353 = arith.addf %slice3A_352, %broadcast_in_dim3A_339 : vector<1x2048xf32>
    %convert_element_type3A_354 = arith.fptosi %add3A_353 : vector<1x2048xf32> to vector<1x2048xi32>
    %mul3A_355 = arith.constant 8 : i32
    %mul3A_356 = arith.muli %arg0, %mul3A_355 : i32
    %add3A_357 = arith.constant 7 : i32
    %add3A_358 = arith.addi %mul3A_356, %add3A_357 : i32
    %mul3A_359 = arith.constant 2048 : i32
    %mul3A_360 = arith.muli %add3A_358, %mul3A_359 : i32
    %add3A_361 = vector.broadcast %mul3A_360 : i32 to vector<1x2048xi32>
    %add3A_362 = arith.addi %convert_element_type3A_354, %add3A_361 : vector<1x2048xi32>
    %concatenate3A = tpu.concatenate %add3A_33, %add3A_80, %add3A_127, %add3A_174, %add3A_221, %add3A_268, %add3A_315, %add3A_362 in 0 : vector<1x2048xi32>, vector<1x2048xi32>, vector<1x2048xi32>, vector<1x2048xi32>, vector<1x2048xi32>, vector<1x2048xi32>, vector<1x2048xi32>, vector<1x2048xi32> -> vector<8x2048xi32>
    %swap3A = arith.constant 0 : index
    %swap3A_363 = arith.constant 0 : index
    %swap3A_364 = vector.load %arg5[%swap3A, %swap3A_363] : memref<8x2048xi32, #tpu.memory_space<vmem>>, vector<8x2048xi32>
    tpu.vector_store %arg5[%swap3A, %swap3A_363], %concatenate3A {strides = array<i32>} : memref<8x2048xi32, #tpu.memory_space<vmem>>, vector<8x2048xi32>,
    return
  }
  func.func @transform_0(%arg0: i32) -> (i32, i32) {
    %c0_i32 = arith.constant 0 : i32
    %c0_i32_0 = arith.constant 0 : i32
    return %arg0, %c0_i32 : i32, i32
  }
  func.func @transform_1(%arg0: i32) -> (i32, i32) {
    %c0_i32 = arith.constant 0 : i32
    %c0_i32_0 = arith.constant 0 : i32
    %c0_i32_1 = arith.constant 0 : i32
    return %c0_i32, %c0_i32_0 : i32, i32
  }
  func.func @transform_2(%arg0: i32) -> (i32, i32) {
    %c0_i32 = arith.constant 0 : i32
    %c0_i32_0 = arith.constant 0 : i32
    %c0_i32_1 = arith.constant 0 : i32
    return %c0_i32, %c0_i32_0 : i32, i32
  }
  func.func @transform_3(%arg0: i32) -> (i32, i32) {
    %c0_i32 = arith.constant 0 : i32
    %c0_i32_0 = arith.constant 0 : i32
    %c0_i32_1 = arith.constant 0 : i32
    return %c0_i32, %c0_i32_0 : i32, i32
  }
  func.func @transform_4(%arg0: i32) -> (i32, i32) {
    %c0_i32 = arith.constant 0 : i32
    %c0_i32_0 = arith.constant 0 : i32
    return %arg0, %c0_i32 : i32, i32
  }
}

module attributes {stable_mosaic.version = 14 : i64} {
  func.func @_bmask_body(%arg0: i32, %arg1: i32, %arg2: memref<1x1x2048xi32, #tpu.memory_space<vmem>>, %arg3: memref<1x1x2048xi32, #tpu.memory_space<vmem>>, %arg4: memref<1x1x64x64xf32, #tpu.memory_space<vmem>>) attributes {dimension_semantics = [#tpu.dimension_semantics<arbitrary>, #tpu.dimension_semantics<arbitrary>], iteration_bounds = array<i64: 32, 4>, scalar_prefetch = 0 : i64, scratch_operands = 0 : i64, tpu.core_type = #tpu.core_type<tc>, window_params = [{transform_indices = @transform_0, window_bounds = array<i64: 1, 1, 2048>}, {transform_indices = @transform_1, window_bounds = array<i64: 1, 1, 2048>}, {transform_indices = @transform_2, window_bounds = array<i64: 1, 1, 64, 64>}]} {
    %add3A = arith.constant 4 : i32
    %add3A_0 = arith.addi %arg1, %add3A : i32
    %sub3A = arith.constant 1 : i32
    %sub3A_1 = arith.subi %add3A_0, %sub3A : i32
    %rem3A = arith.constant 4 : i32
    %rem3A_2 = arith.remsi %sub3A_1, %rem3A : i32
    %mul3A = arith.constant 4 : i32
    %mul3A_3 = arith.muli %arg0, %mul3A : i32
    %add3A_4 = arith.addi %mul3A_3, %arg1 : i32
    %mul3A_5 = arith.constant 4 : i32
    %mul3A_6 = arith.muli %arg0, %mul3A_5 : i32
    %add3A_7 = arith.addi %mul3A_6, %rem3A_2 : i32
    %get3A = arith.constant 0 : index
    %get3A_8 = arith.constant 0 : index
    %get3A_9 = arith.constant 0 : index
    %get3A_10 = vector.load %arg2[%get3A, %get3A_8, %get3A_9] : memref<1x1x2048xi32, #tpu.memory_space<vmem>>, vector<1x1x2048xi32>
    %get3A_11 = vector.shape_cast %get3A_10 : vector<1x1x2048xi32> to vector<1x2048xi32>
    %mul3A_12 = arith.constant 2048 : i32
    %mul3A_13 = arith.muli %add3A_4, %mul3A_12 : i32
    %sub3A_14 = vector.broadcast %mul3A_13 : i32 to vector<1x2048xi32>
    %sub3A_15 = arith.subi %get3A_11, %sub3A_14 : vector<1x2048xi32>
    %get3A_16 = arith.constant 0 : index
    %get3A_17 = arith.constant 0 : index
    %get3A_18 = arith.constant 0 : index
    %get3A_19 = vector.load %arg3[%get3A_16, %get3A_17, %get3A_18] : memref<1x1x2048xi32, #tpu.memory_space<vmem>>, vector<1x1x2048xi32>
    %get3A_20 = vector.shape_cast %get3A_19 : vector<1x1x2048xi32> to vector<1x2048xi32>
    %mul3A_21 = arith.constant 2048 : i32
    %mul3A_22 = arith.muli %add3A_7, %mul3A_21 : i32
    %sub3A_23 = vector.broadcast %mul3A_22 : i32 to vector<1x2048xi32>
    %sub3A_24 = arith.subi %get3A_20, %sub3A_23 : vector<1x2048xi32>
    %iota3A = tpu.iota {dimensions = array<i32: 0>} : vector<64x2048xi32>
    %eq3A = vector.broadcast %sub3A_15 : vector<1x2048xi32> to vector<64x2048xi32>
    %eq3A_25 = arith.cmpi eq, %eq3A, %iota3A : vector<64x2048xi32>
    %convert_element_type3A = arith.extui %eq3A_25 : vector<64x2048xi1> to vector<64x2048xi32>
    %convert_element_type3A_26 = arith.sitofp %convert_element_type3A : vector<64x2048xi32> to vector<64x2048xf32>
    %add3A_27 = arith.constant 1984 : i32
    %add3A_28 = vector.broadcast %add3A_27 : i32 to vector<64x2048xi32>
    %add3A_29 = arith.addi %iota3A, %add3A_28 : vector<64x2048xi32>
    %eq3A_30 = vector.broadcast %sub3A_24 : vector<1x2048xi32> to vector<64x2048xi32>
    %eq3A_31 = arith.cmpi eq, %eq3A_30, %add3A_29 : vector<64x2048xi32>
    %convert_element_type3A_32 = arith.extui %eq3A_31 : vector<64x2048xi1> to vector<64x2048xi32>
    %convert_element_type3A_33 = arith.sitofp %convert_element_type3A_32 : vector<64x2048xi32> to vector<64x2048xf32>
    %dot_general3A = arith.constant dense<0.000000e+00> : vector<64x64xf32>
    %dot_general3A_34 = tpu.matmul %convert_element_type3A_26, %convert_element_type3A_33, %dot_general3A {dimension_numbers = #tpu.dot_dimension_numbers<[1], [1], [0], [0], [0, 0, 1, 0], [], []>, transpose_lhs_hint = false} : vector<64x2048xf32>, vector<64x2048xf32>, vector<64x64xf32> -> vector<64x64xf32>
    %swap3A = arith.constant 0 : index
    %swap3A_35 = arith.constant 0 : index
    %swap3A_36 = arith.constant 0 : index
    %swap3A_37 = arith.constant 0 : index
    %swap3A_38 = vector.load %arg4[%swap3A, %swap3A_35, %swap3A_36, %swap3A_37] : memref<1x1x64x64xf32, #tpu.memory_space<vmem>>, vector<1x1x64x64xf32>
    %swap3A_39 = vector.shape_cast %swap3A_38 : vector<1x1x64x64xf32> to vector<64x64xf32>
    %swap3A_40 = vector.shape_cast %dot_general3A_34 : vector<64x64xf32> to vector<1x1x64x64xf32>
    tpu.vector_store %arg4[%swap3A, %swap3A_35, %swap3A_36, %swap3A_37], %swap3A_40 {strides = array<i32>} : memref<1x1x64x64xf32, #tpu.memory_space<vmem>>, vector<1x1x64x64xf32>,
    return
  }
  func.func @transform_0(%arg0: i32, %arg1: i32) -> (i32, i32, i32) {
    %mul3A = arith.constant 4 : i32
    %mul3A_0 = arith.muli %arg0, %mul3A : i32
    %add3A = arith.addi %mul3A_0, %arg1 : i32
    %c0_i32 = arith.constant 0 : i32
    %c0_i32_1 = arith.constant 0 : i32
    %c0_i32_2 = arith.constant 0 : i32
    return %add3A, %c0_i32, %c0_i32_1 : i32, i32, i32
  }
  func.func @transform_1(%arg0: i32, %arg1: i32) -> (i32, i32, i32) {
    %mul3A = arith.constant 4 : i32
    %mul3A_0 = arith.muli %arg0, %mul3A : i32
    %add3A = arith.constant 4 : i32
    %add3A_1 = arith.addi %arg1, %add3A : i32
    %sub3A = arith.constant 1 : i32
    %sub3A_2 = arith.subi %add3A_1, %sub3A : i32
    %jit3A = arith.constant 4 : i32
    %eq3A = arith.constant 0 : i32
    %eq3A_3 = arith.cmpi eq, %jit3A, %eq3A : i32
    %jit3A_4 = arith.constant 1 : i32
    %select_n3A = arith.select %eq3A_3, %jit3A_4, %jit3A : i32
    %rem3A = arith.remsi %sub3A_2, %select_n3A : i32
    %ne3A = arith.constant 0 : i32
    %ne3A_5 = arith.cmpi ne, %rem3A, %ne3A : i32
    %lt3A = arith.constant 0 : i32
    %lt3A_6 = arith.cmpi slt, %rem3A, %lt3A : i32
    %lt3A_7 = arith.constant 0 : i32
    %lt3A_8 = arith.cmpi slt, %select_n3A, %lt3A_7 : i32
    %ne3A_9 = arith.xori %lt3A_6, %lt3A_8 : i1
    %and3A = arith.andi %ne3A_9, %ne3A_5 : i1
    %add3A_10 = arith.addi %rem3A, %select_n3A : i32
    %select_n3A_11 = arith.select %and3A, %add3A_10, %rem3A : i32
    %add3A_12 = arith.addi %mul3A_0, %select_n3A_11 : i32
    %c0_i32 = arith.constant 0 : i32
    %c0_i32_13 = arith.constant 0 : i32
    %c0_i32_14 = arith.constant 0 : i32
    return %add3A_12, %c0_i32, %c0_i32_13 : i32, i32, i32
  }
  func.func @transform_2(%arg0: i32, %arg1: i32) -> (i32, i32, i32, i32) {
    %c0_i32 = arith.constant 0 : i32
    %c0_i32_0 = arith.constant 0 : i32
    %c0_i32_1 = arith.constant 0 : i32
    return %arg0, %arg1, %c0_i32, %c0_i32_0 : i32, i32, i32, i32
  }
}

module attributes {stable_mosaic.version = 14 : i64} {
  func.func @_attn_body(%arg0: i32, %arg1: i32, %arg2: memref<1x8x64x128xf32, #tpu.memory_space<vmem>>, %arg3: memref<1x1x64x128xf32, #tpu.memory_space<vmem>>, %arg4: memref<1x1x64x64xf32, #tpu.memory_space<vmem>>, %arg5: memref<1x8x64x128xf32, #tpu.memory_space<vmem>>) attributes {dimension_semantics = [#tpu.dimension_semantics<arbitrary>, #tpu.dimension_semantics<arbitrary>], iteration_bounds = array<i64: 32, 16>, scalar_prefetch = 0 : i64, scratch_operands = 0 : i64, tpu.core_type = #tpu.core_type<tc>, window_params = [{transform_indices = @transform_0, window_bounds = array<i64: 1, 8, 64, 128>}, {transform_indices = @transform_1, window_bounds = array<i64: 1, 1, 64, 128>}, {transform_indices = @transform_2, window_bounds = array<i64: 1, 1, 64, 64>}, {transform_indices = @transform_3, window_bounds = array<i64: 1, 8, 64, 128>}]} {
    %rem3A = arith.constant 4 : i32
    %rem3A_0 = arith.remsi %arg1, %rem3A : i32
    %eq3A = arith.constant 0 : i32
    %eq3A_1 = arith.cmpi eq, %rem3A_0, %eq3A : i32
    %convert_element_type3A = arith.extui %eq3A_1 : i1 to i32
    %convert_element_type3A_2 = arith.sitofp %convert_element_type3A : i32 to f32
    %iota3A = tpu.iota {dimensions = array<i32: 0>} : vector<64x128xi32>
    %iota3A_3 = tpu.iota {dimensions = array<i32: 1>} : vector<64x128xi32>
    %add3A = arith.constant 64 : i32
    %add3A_4 = vector.broadcast %add3A : i32 to vector<64x128xi32>
    %add3A_5 = arith.addi %iota3A, %add3A_4 : vector<64x128xi32>
    %eq3A_6 = arith.cmpi eq, %iota3A_3, %add3A_5 : vector<64x128xi32>
    %convert_element_type3A_7 = arith.extui %eq3A_6 : vector<64x128xi1> to vector<64x128xi32>
    %convert_element_type3A_8 = arith.sitofp %convert_element_type3A_7 : vector<64x128xi32> to vector<64x128xf32>
    %get3A = arith.constant 0 : index
    %get3A_9 = arith.constant 0 : index
    %get3A_10 = arith.constant 0 : index
    %get3A_11 = arith.constant 0 : index
    %get3A_12 = vector.load %arg2[%get3A, %get3A_9, %get3A_10, %get3A_11] : memref<1x8x64x128xf32, #tpu.memory_space<vmem>>, vector<1x1x64x128xf32>
    %get3A_13 = vector.shape_cast %get3A_12 : vector<1x1x64x128xf32> to vector<64x128xf32>
    %get3A_14 = arith.constant 0 : index
    %get3A_15 = arith.constant 0 : index
    %get3A_16 = arith.constant 0 : index
    %get3A_17 = arith.constant 0 : index
    %get3A_18 = vector.load %arg3[%get3A_14, %get3A_15, %get3A_16, %get3A_17] : memref<1x1x64x128xf32, #tpu.memory_space<vmem>>, vector<1x1x64x128xf32>
    %get3A_19 = vector.shape_cast %get3A_18 : vector<1x1x64x128xf32> to vector<64x128xf32>
    %slice3A = vector.extract_strided_slice %get3A_13 {offsets = [0, 0], sizes = [64, 64], strides = [1, 1]} : vector<64x128xf32> to vector<64x64xf32>
    %slice3A_20 = vector.extract_strided_slice %get3A_19 {offsets = [0, 0], sizes = [64, 64], strides = [1, 1]} : vector<64x128xf32> to vector<64x64xf32>
    %concatenate3A = tpu.concatenate %slice3A_20, %slice3A in 0 : vector<64x64xf32>, vector<64x64xf32> -> vector<128x64xf32>
    %slice3A_21 = vector.extract_strided_slice %get3A_19 {offsets = [0, 64], sizes = [64, 64], strides = [1, 1]} : vector<64x128xf32> to vector<64x64xf32>
    %slice3A_22 = vector.extract_strided_slice %get3A_13 {offsets = [0, 64], sizes = [64, 64], strides = [1, 1]} : vector<64x128xf32> to vector<64x64xf32>
    %concatenate3A_23 = tpu.concatenate %slice3A_21, %slice3A_22 in 0 : vector<64x64xf32>, vector<64x64xf32> -> vector<128x64xf32>
    %mul3A = arith.mulf %concatenate3A, %concatenate3A : vector<128x64xf32>
    %reduce_sum3A = arith.constant dense<0.000000e+00> : vector<128xf32>
    %reduce_sum3A_24 = vector.multi_reduction <add>, %mul3A, %reduce_sum3A [1] : vector<128x64xf32> to vector<128xf32>
    %broadcast_in_dim3A = vector.shape_cast %reduce_sum3A_24 : vector<128xf32> to vector<128x1xf32>
    %sqrt3A = math.sqrt %broadcast_in_dim3A : vector<128x1xf32>
    %add3A_25 = arith.constant 9.99999996E-13 : f32
    %add3A_26 = vector.broadcast %add3A_25 : f32 to vector<128x1xf32>
    %add3A_27 = arith.addf %sqrt3A, %add3A_26 : vector<128x1xf32>
    %div3A = vector.broadcast %add3A_27 : vector<128x1xf32> to vector<128x64xf32>
    %div3A_28 = arith.divf %concatenate3A, %div3A : vector<128x64xf32>
    %dot_general3A = arith.constant dense<0.000000e+00> : vector<64x128xf32>
    %dot_general3A_29 = tpu.matmul %slice3A, %div3A_28, %dot_general3A {dimension_numbers = #tpu.dot_dimension_numbers<[1], [1], [0], [0], [0, 0, 1, 0], [], []>, transpose_lhs_hint = false} : vector<64x64xf32>, vector<128x64xf32>, vector<64x128xf32> -> vector<64x128xf32>
    %mul3A_30 = arith.constant 1.250000e-01 : f32
    %mul3A_31 = vector.broadcast %mul3A_30 : f32 to vector<64x128xf32>
    %mul3A_32 = arith.mulf %dot_general3A_29, %mul3A_31 : vector<64x128xf32>
    %get3A_33 = arith.constant 0 : index
    %get3A_34 = arith.constant 0 : index
    %get3A_35 = arith.constant 0 : index
    %get3A_36 = arith.constant 0 : index
    %get3A_37 = vector.load %arg4[%get3A_33, %get3A_34, %get3A_35, %get3A_36] : memref<1x1x64x64xf32, #tpu.memory_space<vmem>>, vector<1x1x64x64xf32>
    %get3A_38 = vector.shape_cast %get3A_37 : vector<1x1x64x64xf32> to vector<64x64xf32>
    %mul3A_39 = vector.broadcast %convert_element_type3A_2 : f32 to vector<64x64xf32>
    %mul3A_40 = arith.mulf %get3A_38, %mul3A_39 : vector<64x64xf32>
    %broadcast_in_dim3A_41 = arith.constant 0.000000e+00 : f32
    %broadcast_in_dim3A_42 = vector.broadcast %broadcast_in_dim3A_41 : f32 to vector<64x64xf32>
    %concatenate3A_43 = tpu.concatenate %mul3A_40, %broadcast_in_dim3A_42 in 1 : vector<64x64xf32>, vector<64x64xf32> -> vector<64x128xf32>
    %max3A = arith.maximumf %convert_element_type3A_8, %concatenate3A_43 : vector<64x128xf32>
    %gt3A = arith.constant 5.000000e-01 : f32
    %gt3A_44 = vector.broadcast %gt3A : f32 to vector<64x128xf32>
    %gt3A_45 = arith.cmpf ogt, %max3A, %gt3A_44 : vector<64x128xf32>
    %jit3A = arith.constant -5.000000e+04 : f32
    %broadcast_in_dim3A_46 = vector.broadcast %jit3A : f32 to vector<64x128xf32>
    %select_n3A = arith.select %gt3A_45, %broadcast_in_dim3A_46, %mul3A_32 : vector<64x128xi1>, vector<64x128xf32>
    %reduce_max3A = arith.constant dense<0xFF800000> : vector<64xf32>
    %reduce_max3A_47 = vector.multi_reduction <maximumf>, %select_n3A, %reduce_max3A [1] : vector<64x128xf32> to vector<64xf32>
    %broadcast_in_dim3A_48 = vector.shape_cast %reduce_max3A_47 : vector<64xf32> to vector<64x1xf32>
    %sub3A = vector.broadcast %broadcast_in_dim3A_48 : vector<64x1xf32> to vector<64x128xf32>
    %sub3A_49 = arith.subf %select_n3A, %sub3A : vector<64x128xf32>
    %exp3A = math.exp %sub3A_49 : vector<64x128xf32>
    %reduce_sum3A_50 = arith.constant dense<0.000000e+00> : vector<64xf32>
    %reduce_sum3A_51 = vector.multi_reduction <add>, %exp3A, %reduce_sum3A_50 [1] : vector<64x128xf32> to vector<64xf32>
    %broadcast_in_dim3A_52 = vector.shape_cast %reduce_sum3A_51 : vector<64xf32> to vector<64x1xf32>
    %log3A = math.log %broadcast_in_dim3A_52 : vector<64x1xf32>
    %add3A_53 = arith.addf %broadcast_in_dim3A_48, %log3A : vector<64x1xf32>
    %div3A_54 = vector.broadcast %broadcast_in_dim3A_52 : vector<64x1xf32> to vector<64x128xf32>
    %div3A_55 = arith.divf %exp3A, %div3A_54 : vector<64x128xf32>
    %dot_general3A_56 = arith.constant dense<0.000000e+00> : vector<64x64xf32>
    %dot_general3A_57 = tpu.matmul %div3A_55, %concatenate3A_23, %dot_general3A_56 {dimension_numbers = #tpu.dot_dimension_numbers<[1], [0], [0], [1], [0, 0, 1, 1], [], []>, transpose_lhs_hint = false} : vector<64x128xf32>, vector<128x64xf32>, vector<64x64xf32> -> vector<64x64xf32>
    %broadcast_in_dim3A_58 = vector.shape_cast %add3A_53 : vector<64x1xf32> to vector<64x1xf32>
    %broadcast_in_dim3A_59 = vector.broadcast %broadcast_in_dim3A_58 : vector<64x1xf32> to vector<64x64xf32>
    %concatenate3A_60 = tpu.concatenate %dot_general3A_57, %broadcast_in_dim3A_59 in 1 : vector<64x64xf32>, vector<64x64xf32> -> vector<64x128xf32>
    %swap3A = arith.constant 0 : index
    %swap3A_61 = arith.constant 0 : index
    %swap3A_62 = arith.constant 0 : index
    %swap3A_63 = arith.constant 0 : index
    %swap3A_64 = vector.load %arg5[%swap3A, %swap3A_61, %swap3A_62, %swap3A_63] : memref<1x8x64x128xf32, #tpu.memory_space<vmem>>, vector<1x1x64x128xf32>
    %swap3A_65 = vector.shape_cast %swap3A_64 : vector<1x1x64x128xf32> to vector<64x128xf32>
    %swap3A_66 = vector.shape_cast %concatenate3A_60 : vector<64x128xf32> to vector<1x1x64x128xf32>
    tpu.vector_store %arg5[%swap3A, %swap3A_61, %swap3A_62, %swap3A_63], %swap3A_66 {strides = array<i32>} : memref<1x8x64x128xf32, #tpu.memory_space<vmem>>, vector<1x1x64x128xf32>,
    %get3A_67 = arith.constant 0 : index
    %get3A_68 = arith.constant 1 : index
    %get3A_69 = arith.constant 0 : index
    %get3A_70 = arith.constant 0 : index
    %get3A_71 = vector.load %arg2[%get3A_67, %get3A_68, %get3A_69, %get3A_70] : memref<1x8x64x128xf32, #tpu.memory_space<vmem>>, vector<1x1x64x128xf32>
    %get3A_72 = vector.shape_cast %get3A_71 : vector<1x1x64x128xf32> to vector<64x128xf32>
    %get3A_73 = arith.constant 0 : index
    %get3A_74 = arith.constant 0 : index
    %get3A_75 = arith.constant 0 : index
    %get3A_76 = arith.constant 0 : index
    %get3A_77 = vector.load %arg2[%get3A_73, %get3A_74, %get3A_75, %get3A_76] : memref<1x8x64x128xf32, #tpu.memory_space<vmem>>, vector<1x1x64x128xf32>
    %get3A_78 = vector.shape_cast %get3A_77 : vector<1x1x64x128xf32> to vector<64x128xf32>
    %slice3A_79 = vector.extract_strided_slice %get3A_72 {offsets = [0, 0], sizes = [64, 64], strides = [1, 1]} : vector<64x128xf32> to vector<64x64xf32>
    %slice3A_80 = vector.extract_strided_slice %get3A_78 {offsets = [0, 0], sizes = [64, 64], strides = [1, 1]} : vector<64x128xf32> to vector<64x64xf32>
    %concatenate3A_81 = tpu.concatenate %slice3A_80, %slice3A_79 in 0 : vector<64x64xf32>, vector<64x64xf32> -> vector<128x64xf32>
    %slice3A_82 = vector.extract_strided_slice %get3A_78 {offsets = [0, 64], sizes = [64, 64], strides = [1, 1]} : vector<64x128xf32> to vector<64x64xf32>
    %slice3A_83 = vector.extract_strided_slice %get3A_72 {offsets = [0, 64], sizes = [64, 64], strides = [1, 1]} : vector<64x128xf32> to vector<64x64xf32>
    %concatenate3A_84 = tpu.concatenate %slice3A_82, %slice3A_83 in 0 : vector<64x64xf32>, vector<64x64xf32> -> vector<128x64xf32>
    %mul3A_85 = arith.mulf %concatenate3A_81, %concatenate3A_81 : vector<128x64xf32>
    %reduce_sum3A_86 = arith.constant dense<0.000000e+00> : vector<128xf32>
    %reduce_sum3A_87 = vector.multi_reduction <add>, %mul3A_85, %reduce_sum3A_86 [1] : vector<128x64xf32> to vector<128xf32>
    %broadcast_in_dim3A_88 = vector.shape_cast %reduce_sum3A_87 : vector<128xf32> to vector<128x1xf32>
    %sqrt3A_89 = math.sqrt %broadcast_in_dim3A_88 : vector<128x1xf32>
    %add3A_90 = arith.constant 9.99999996E-13 : f32
    %add3A_91 = vector.broadcast %add3A_90 : f32 to vector<128x1xf32>
    %add3A_92 = arith.addf %sqrt3A_89, %add3A_91 : vector<128x1xf32>
    %div3A_93 = vector.broadcast %add3A_92 : vector<128x1xf32> to vector<128x64xf32>
    %div3A_94 = arith.divf %concatenate3A_81, %div3A_93 : vector<128x64xf32>
    %dot_general3A_95 = arith.constant dense<0.000000e+00> : vector<64x128xf32>
    %dot_general3A_96 = tpu.matmul %slice3A_79, %div3A_94, %dot_general3A_95 {dimension_numbers = #tpu.dot_dimension_numbers<[1], [1], [0], [0], [0, 0, 1, 0], [], []>, transpose_lhs_hint = false} : vector<64x64xf32>, vector<128x64xf32>, vector<64x128xf32> -> vector<64x128xf32>
    %mul3A_97 = arith.constant 1.250000e-01 : f32
    %mul3A_98 = vector.broadcast %mul3A_97 : f32 to vector<64x128xf32>
    %mul3A_99 = arith.mulf %dot_general3A_96, %mul3A_98 : vector<64x128xf32>
    %gt3A_100 = arith.constant 5.000000e-01 : f32
    %gt3A_101 = vector.broadcast %gt3A_100 : f32 to vector<64x128xf32>
    %gt3A_102 = arith.cmpf ogt, %convert_element_type3A_8, %gt3A_101 : vector<64x128xf32>
    %jit3A_103 = arith.constant -5.000000e+04 : f32
    %broadcast_in_dim3A_104 = vector.broadcast %jit3A_103 : f32 to vector<64x128xf32>
    %select_n3A_105 = arith.select %gt3A_102, %broadcast_in_dim3A_104, %mul3A_99 : vector<64x128xi1>, vector<64x128xf32>
    %reduce_max3A_106 = arith.constant dense<0xFF800000> : vector<64xf32>
    %reduce_max3A_107 = vector.multi_reduction <maximumf>, %select_n3A_105, %reduce_max3A_106 [1] : vector<64x128xf32> to vector<64xf32>
    %broadcast_in_dim3A_108 = vector.shape_cast %reduce_max3A_107 : vector<64xf32> to vector<64x1xf32>
    %sub3A_109 = vector.broadcast %broadcast_in_dim3A_108 : vector<64x1xf32> to vector<64x128xf32>
    %sub3A_110 = arith.subf %select_n3A_105, %sub3A_109 : vector<64x128xf32>
    %exp3A_111 = math.exp %sub3A_110 : vector<64x128xf32>
    %reduce_sum3A_112 = arith.constant dense<0.000000e+00> : vector<64xf32>
    %reduce_sum3A_113 = vector.multi_reduction <add>, %exp3A_111, %reduce_sum3A_112 [1] : vector<64x128xf32> to vector<64xf32>
    %broadcast_in_dim3A_114 = vector.shape_cast %reduce_sum3A_113 : vector<64xf32> to vector<64x1xf32>
    %log3A_115 = math.log %broadcast_in_dim3A_114 : vector<64x1xf32>
    %add3A_116 = arith.addf %broadcast_in_dim3A_108, %log3A_115 : vector<64x1xf32>
    %div3A_117 = vector.broadcast %broadcast_in_dim3A_114 : vector<64x1xf32> to vector<64x128xf32>
    %div3A_118 = arith.divf %exp3A_111, %div3A_117 : vector<64x128xf32>
    %dot_general3A_119 = arith.constant dense<0.000000e+00> : vector<64x64xf32>
    %dot_general3A_120 = tpu.matmul %div3A_118, %concatenate3A_84, %dot_general3A_119 {dimension_numbers = #tpu.dot_dimension_numbers<[1], [0], [0], [1], [0, 0, 1, 1], [], []>, transpose_lhs_hint = false} : vector<64x128xf32>, vector<128x64xf32>, vector<64x64xf32> -> vector<64x64xf32>
    %broadcast_in_dim3A_121 = vector.shape_cast %add3A_116 : vector<64x1xf32> to vector<64x1xf32>
    %broadcast_in_dim3A_122 = vector.broadcast %broadcast_in_dim3A_121 : vector<64x1xf32> to vector<64x64xf32>
    %concatenate3A_123 = tpu.concatenate %dot_general3A_120, %broadcast_in_dim3A_122 in 1 : vector<64x64xf32>, vector<64x64xf32> -> vector<64x128xf32>
    %swap3A_124 = arith.constant 0 : index
    %swap3A_125 = arith.constant 1 : index
    %swap3A_126 = arith.constant 0 : index
    %swap3A_127 = arith.constant 0 : index
    %swap3A_128 = vector.load %arg5[%swap3A_124, %swap3A_125, %swap3A_126, %swap3A_127] : memref<1x8x64x128xf32, #tpu.memory_space<vmem>>, vector<1x1x64x128xf32>
    %swap3A_129 = vector.shape_cast %swap3A_128 : vector<1x1x64x128xf32> to vector<64x128xf32>
    %swap3A_130 = vector.shape_cast %concatenate3A_123 : vector<64x128xf32> to vector<1x1x64x128xf32>
    tpu.vector_store %arg5[%swap3A_124, %swap3A_125, %swap3A_126, %swap3A_127], %swap3A_130 {strides = array<i32>} : memref<1x8x64x128xf32, #tpu.memory_space<vmem>>, vector<1x1x64x128xf32>,
    %get3A_131 = arith.constant 0 : index
    %get3A_132 = arith.constant 2 : index
    %get3A_133 = arith.constant 0 : index
    %get3A_134 = arith.constant 0 : index
    %get3A_135 = vector.load %arg2[%get3A_131, %get3A_132, %get3A_133, %get3A_134] : memref<1x8x64x128xf32, #tpu.memory_space<vmem>>, vector<1x1x64x128xf32>
    %get3A_136 = vector.shape_cast %get3A_135 : vector<1x1x64x128xf32> to vector<64x128xf32>
    %get3A_137 = arith.constant 0 : index
    %get3A_138 = arith.constant 1 : index
    %get3A_139 = arith.constant 0 : index
    %get3A_140 = arith.constant 0 : index
    %get3A_141 = vector.load %arg2[%get3A_137, %get3A_138, %get3A_139, %get3A_140] : memref<1x8x64x128xf32, #tpu.memory_space<vmem>>, vector<1x1x64x128xf32>
    %get3A_142 = vector.shape_cast %get3A_141 : vector<1x1x64x128xf32> to vector<64x128xf32>
    %slice3A_143 = vector.extract_strided_slice %get3A_136 {offsets = [0, 0], sizes = [64, 64], strides = [1, 1]} : vector<64x128xf32> to vector<64x64xf32>
    %slice3A_144 = vector.extract_strided_slice %get3A_142 {offsets = [0, 0], sizes = [64, 64], strides = [1, 1]} : vector<64x128xf32> to vector<64x64xf32>
    %concatenate3A_145 = tpu.concatenate %slice3A_144, %slice3A_143 in 0 : vector<64x64xf32>, vector<64x64xf32> -> vector<128x64xf32>
    %slice3A_146 = vector.extract_strided_slice %get3A_142 {offsets = [0, 64], sizes = [64, 64], strides = [1, 1]} : vector<64x128xf32> to vector<64x64xf32>
    %slice3A_147 = vector.extract_strided_slice %get3A_136 {offsets = [0, 64], sizes = [64, 64], strides = [1, 1]} : vector<64x128xf32> to vector<64x64xf32>
    %concatenate3A_148 = tpu.concatenate %slice3A_146, %slice3A_147 in 0 : vector<64x64xf32>, vector<64x64xf32> -> vector<128x64xf32>
    %mul3A_149 = arith.mulf %concatenate3A_145, %concatenate3A_145 : vector<128x64xf32>
    %reduce_sum3A_150 = arith.constant dense<0.000000e+00> : vector<128xf32>
    %reduce_sum3A_151 = vector.multi_reduction <add>, %mul3A_149, %reduce_sum3A_150 [1] : vector<128x64xf32> to vector<128xf32>
    %broadcast_in_dim3A_152 = vector.shape_cast %reduce_sum3A_151 : vector<128xf32> to vector<128x1xf32>
    %sqrt3A_153 = math.sqrt %broadcast_in_dim3A_152 : vector<128x1xf32>
    %add3A_154 = arith.constant 9.99999996E-13 : f32
    %add3A_155 = vector.broadcast %add3A_154 : f32 to vector<128x1xf32>
    %add3A_156 = arith.addf %sqrt3A_153, %add3A_155 : vector<128x1xf32>
    %div3A_157 = vector.broadcast %add3A_156 : vector<128x1xf32> to vector<128x64xf32>
    %div3A_158 = arith.divf %concatenate3A_145, %div3A_157 : vector<128x64xf32>
    %dot_general3A_159 = arith.constant dense<0.000000e+00> : vector<64x128xf32>
    %dot_general3A_160 = tpu.matmul %slice3A_143, %div3A_158, %dot_general3A_159 {dimension_numbers = #tpu.dot_dimension_numbers<[1], [1], [0], [0], [0, 0, 1, 0], [], []>, transpose_lhs_hint = false} : vector<64x64xf32>, vector<128x64xf32>, vector<64x128xf32> -> vector<64x128xf32>
    %mul3A_161 = arith.constant 1.250000e-01 : f32
    %mul3A_162 = vector.broadcast %mul3A_161 : f32 to vector<64x128xf32>
    %mul3A_163 = arith.mulf %dot_general3A_160, %mul3A_162 : vector<64x128xf32>
    %gt3A_164 = arith.constant 5.000000e-01 : f32
    %gt3A_165 = vector.broadcast %gt3A_164 : f32 to vector<64x128xf32>
    %gt3A_166 = arith.cmpf ogt, %convert_element_type3A_8, %gt3A_165 : vector<64x128xf32>
    %jit3A_167 = arith.constant -5.000000e+04 : f32
    %broadcast_in_dim3A_168 = vector.broadcast %jit3A_167 : f32 to vector<64x128xf32>
    %select_n3A_169 = arith.select %gt3A_166, %broadcast_in_dim3A_168, %mul3A_163 : vector<64x128xi1>, vector<64x128xf32>
    %reduce_max3A_170 = arith.constant dense<0xFF800000> : vector<64xf32>
    %reduce_max3A_171 = vector.multi_reduction <maximumf>, %select_n3A_169, %reduce_max3A_170 [1] : vector<64x128xf32> to vector<64xf32>
    %broadcast_in_dim3A_172 = vector.shape_cast %reduce_max3A_171 : vector<64xf32> to vector<64x1xf32>
    %sub3A_173 = vector.broadcast %broadcast_in_dim3A_172 : vector<64x1xf32> to vector<64x128xf32>
    %sub3A_174 = arith.subf %select_n3A_169, %sub3A_173 : vector<64x128xf32>
    %exp3A_175 = math.exp %sub3A_174 : vector<64x128xf32>
    %reduce_sum3A_176 = arith.constant dense<0.000000e+00> : vector<64xf32>
    %reduce_sum3A_177 = vector.multi_reduction <add>, %exp3A_175, %reduce_sum3A_176 [1] : vector<64x128xf32> to vector<64xf32>
    %broadcast_in_dim3A_178 = vector.shape_cast %reduce_sum3A_177 : vector<64xf32> to vector<64x1xf32>
    %log3A_179 = math.log %broadcast_in_dim3A_178 : vector<64x1xf32>
    %add3A_180 = arith.addf %broadcast_in_dim3A_172, %log3A_179 : vector<64x1xf32>
    %div3A_181 = vector.broadcast %broadcast_in_dim3A_178 : vector<64x1xf32> to vector<64x128xf32>
    %div3A_182 = arith.divf %exp3A_175, %div3A_181 : vector<64x128xf32>
    %dot_general3A_183 = arith.constant dense<0.000000e+00> : vector<64x64xf32>
    %dot_general3A_184 = tpu.matmul %div3A_182, %concatenate3A_148, %dot_general3A_183 {dimension_numbers = #tpu.dot_dimension_numbers<[1], [0], [0], [1], [0, 0, 1, 1], [], []>, transpose_lhs_hint = false} : vector<64x128xf32>, vector<128x64xf32>, vector<64x64xf32> -> vector<64x64xf32>
    %broadcast_in_dim3A_185 = vector.shape_cast %add3A_180 : vector<64x1xf32> to vector<64x1xf32>
    %broadcast_in_dim3A_186 = vector.broadcast %broadcast_in_dim3A_185 : vector<64x1xf32> to vector<64x64xf32>
    %concatenate3A_187 = tpu.concatenate %dot_general3A_184, %broadcast_in_dim3A_186 in 1 : vector<64x64xf32>, vector<64x64xf32> -> vector<64x128xf32>
    %swap3A_188 = arith.constant 0 : index
    %swap3A_189 = arith.constant 2 : index
    %swap3A_190 = arith.constant 0 : index
    %swap3A_191 = arith.constant 0 : index
    %swap3A_192 = vector.load %arg5[%swap3A_188, %swap3A_189, %swap3A_190, %swap3A_191] : memref<1x8x64x128xf32, #tpu.memory_space<vmem>>, vector<1x1x64x128xf32>
    %swap3A_193 = vector.shape_cast %swap3A_192 : vector<1x1x64x128xf32> to vector<64x128xf32>
    %swap3A_194 = vector.shape_cast %concatenate3A_187 : vector<64x128xf32> to vector<1x1x64x128xf32>
    tpu.vector_store %arg5[%swap3A_188, %swap3A_189, %swap3A_190, %swap3A_191], %swap3A_194 {strides = array<i32>} : memref<1x8x64x128xf32, #tpu.memory_space<vmem>>, vector<1x1x64x128xf32>,
    %get3A_195 = arith.constant 0 : index
    %get3A_196 = arith.constant 3 : index
    %get3A_197 = arith.constant 0 : index
    %get3A_198 = arith.constant 0 : index
    %get3A_199 = vector.load %arg2[%get3A_195, %get3A_196, %get3A_197, %get3A_198] : memref<1x8x64x128xf32, #tpu.memory_space<vmem>>, vector<1x1x64x128xf32>
    %get3A_200 = vector.shape_cast %get3A_199 : vector<1x1x64x128xf32> to vector<64x128xf32>
    %get3A_201 = arith.constant 0 : index
    %get3A_202 = arith.constant 2 : index
    %get3A_203 = arith.constant 0 : index
    %get3A_204 = arith.constant 0 : index
    %get3A_205 = vector.load %arg2[%get3A_201, %get3A_202, %get3A_203, %get3A_204] : memref<1x8x64x128xf32, #tpu.memory_space<vmem>>, vector<1x1x64x128xf32>
    %get3A_206 = vector.shape_cast %get3A_205 : vector<1x1x64x128xf32> to vector<64x128xf32>
    %slice3A_207 = vector.extract_strided_slice %get3A_200 {offsets = [0, 0], sizes = [64, 64], strides = [1, 1]} : vector<64x128xf32> to vector<64x64xf32>
    %slice3A_208 = vector.extract_strided_slice %get3A_206 {offsets = [0, 0], sizes = [64, 64], strides = [1, 1]} : vector<64x128xf32> to vector<64x64xf32>
    %concatenate3A_209 = tpu.concatenate %slice3A_208, %slice3A_207 in 0 : vector<64x64xf32>, vector<64x64xf32> -> vector<128x64xf32>
    %slice3A_210 = vector.extract_strided_slice %get3A_206 {offsets = [0, 64], sizes = [64, 64], strides = [1, 1]} : vector<64x128xf32> to vector<64x64xf32>
    %slice3A_211 = vector.extract_strided_slice %get3A_200 {offsets = [0, 64], sizes = [64, 64], strides = [1, 1]} : vector<64x128xf32> to vector<64x64xf32>
    %concatenate3A_212 = tpu.concatenate %slice3A_210, %slice3A_211 in 0 : vector<64x64xf32>, vector<64x64xf32> -> vector<128x64xf32>
    %mul3A_213 = arith.mulf %concatenate3A_209, %concatenate3A_209 : vector<128x64xf32>
    %reduce_sum3A_214 = arith.constant dense<0.000000e+00> : vector<128xf32>
    %reduce_sum3A_215 = vector.multi_reduction <add>, %mul3A_213, %reduce_sum3A_214 [1] : vector<128x64xf32> to vector<128xf32>
    %broadcast_in_dim3A_216 = vector.shape_cast %reduce_sum3A_215 : vector<128xf32> to vector<128x1xf32>
    %sqrt3A_217 = math.sqrt %broadcast_in_dim3A_216 : vector<128x1xf32>
    %add3A_218 = arith.constant 9.99999996E-13 : f32
    %add3A_219 = vector.broadcast %add3A_218 : f32 to vector<128x1xf32>
    %add3A_220 = arith.addf %sqrt3A_217, %add3A_219 : vector<128x1xf32>
    %div3A_221 = vector.broadcast %add3A_220 : vector<128x1xf32> to vector<128x64xf32>
    %div3A_222 = arith.divf %concatenate3A_209, %div3A_221 : vector<128x64xf32>
    %dot_general3A_223 = arith.constant dense<0.000000e+00> : vector<64x128xf32>
    %dot_general3A_224 = tpu.matmul %slice3A_207, %div3A_222, %dot_general3A_223 {dimension_numbers = #tpu.dot_dimension_numbers<[1], [1], [0], [0], [0, 0, 1, 0], [], []>, transpose_lhs_hint = false} : vector<64x64xf32>, vector<128x64xf32>, vector<64x128xf32> -> vector<64x128xf32>
    %mul3A_225 = arith.constant 1.250000e-01 : f32
    %mul3A_226 = vector.broadcast %mul3A_225 : f32 to vector<64x128xf32>
    %mul3A_227 = arith.mulf %dot_general3A_224, %mul3A_226 : vector<64x128xf32>
    %gt3A_228 = arith.constant 5.000000e-01 : f32
    %gt3A_229 = vector.broadcast %gt3A_228 : f32 to vector<64x128xf32>
    %gt3A_230 = arith.cmpf ogt, %convert_element_type3A_8, %gt3A_229 : vector<64x128xf32>
    %jit3A_231 = arith.constant -5.000000e+04 : f32
    %broadcast_in_dim3A_232 = vector.broadcast %jit3A_231 : f32 to vector<64x128xf32>
    %select_n3A_233 = arith.select %gt3A_230, %broadcast_in_dim3A_232, %mul3A_227 : vector<64x128xi1>, vector<64x128xf32>
    %reduce_max3A_234 = arith.constant dense<0xFF800000> : vector<64xf32>
    %reduce_max3A_235 = vector.multi_reduction <maximumf>, %select_n3A_233, %reduce_max3A_234 [1] : vector<64x128xf32> to vector<64xf32>
    %broadcast_in_dim3A_236 = vector.shape_cast %reduce_max3A_235 : vector<64xf32> to vector<64x1xf32>
    %sub3A_237 = vector.broadcast %broadcast_in_dim3A_236 : vector<64x1xf32> to vector<64x128xf32>
    %sub3A_238 = arith.subf %select_n3A_233, %sub3A_237 : vector<64x128xf32>
    %exp3A_239 = math.exp %sub3A_238 : vector<64x128xf32>
    %reduce_sum3A_240 = arith.constant dense<0.000000e+00> : vector<64xf32>
    %reduce_sum3A_241 = vector.multi_reduction <add>, %exp3A_239, %reduce_sum3A_240 [1] : vector<64x128xf32> to vector<64xf32>
    %broadcast_in_dim3A_242 = vector.shape_cast %reduce_sum3A_241 : vector<64xf32> to vector<64x1xf32>
    %log3A_243 = math.log %broadcast_in_dim3A_242 : vector<64x1xf32>
    %add3A_244 = arith.addf %broadcast_in_dim3A_236, %log3A_243 : vector<64x1xf32>
    %div3A_245 = vector.broadcast %broadcast_in_dim3A_242 : vector<64x1xf32> to vector<64x128xf32>
    %div3A_246 = arith.divf %exp3A_239, %div3A_245 : vector<64x128xf32>
    %dot_general3A_247 = arith.constant dense<0.000000e+00> : vector<64x64xf32>
    %dot_general3A_248 = tpu.matmul %div3A_246, %concatenate3A_212, %dot_general3A_247 {dimension_numbers = #tpu.dot_dimension_numbers<[1], [0], [0], [1], [0, 0, 1, 1], [], []>, transpose_lhs_hint = false} : vector<64x128xf32>, vector<128x64xf32>, vector<64x64xf32> -> vector<64x64xf32>
    %broadcast_in_dim3A_249 = vector.shape_cast %add3A_244 : vector<64x1xf32> to vector<64x1xf32>
    %broadcast_in_dim3A_250 = vector.broadcast %broadcast_in_dim3A_249 : vector<64x1xf32> to vector<64x64xf32>
    %concatenate3A_251 = tpu.concatenate %dot_general3A_248, %broadcast_in_dim3A_250 in 1 : vector<64x64xf32>, vector<64x64xf32> -> vector<64x128xf32>
    %swap3A_252 = arith.constant 0 : index
    %swap3A_253 = arith.constant 3 : index
    %swap3A_254 = arith.constant 0 : index
    %swap3A_255 = arith.constant 0 : index
    %swap3A_256 = vector.load %arg5[%swap3A_252, %swap3A_253, %swap3A_254, %swap3A_255] : memref<1x8x64x128xf32, #tpu.memory_space<vmem>>, vector<1x1x64x128xf32>
    %swap3A_257 = vector.shape_cast %swap3A_256 : vector<1x1x64x128xf32> to vector<64x128xf32>
    %swap3A_258 = vector.shape_cast %concatenate3A_251 : vector<64x128xf32> to vector<1x1x64x128xf32>
    tpu.vector_store %arg5[%swap3A_252, %swap3A_253, %swap3A_254, %swap3A_255], %swap3A_258 {strides = array<i32>} : memref<1x8x64x128xf32, #tpu.memory_space<vmem>>, vector<1x1x64x128xf32>,
    %get3A_259 = arith.constant 0 : index
    %get3A_260 = arith.constant 4 : index
    %get3A_261 = arith.constant 0 : index
    %get3A_262 = arith.constant 0 : index
    %get3A_263 = vector.load %arg2[%get3A_259, %get3A_260, %get3A_261, %get3A_262] : memref<1x8x64x128xf32, #tpu.memory_space<vmem>>, vector<1x1x64x128xf32>
    %get3A_264 = vector.shape_cast %get3A_263 : vector<1x1x64x128xf32> to vector<64x128xf32>
    %get3A_265 = arith.constant 0 : index
    %get3A_266 = arith.constant 3 : index
    %get3A_267 = arith.constant 0 : index
    %get3A_268 = arith.constant 0 : index
    %get3A_269 = vector.load %arg2[%get3A_265, %get3A_266, %get3A_267, %get3A_268] : memref<1x8x64x128xf32, #tpu.memory_space<vmem>>, vector<1x1x64x128xf32>
    %get3A_270 = vector.shape_cast %get3A_269 : vector<1x1x64x128xf32> to vector<64x128xf32>
    %slice3A_271 = vector.extract_strided_slice %get3A_264 {offsets = [0, 0], sizes = [64, 64], strides = [1, 1]} : vector<64x128xf32> to vector<64x64xf32>
    %slice3A_272 = vector.extract_strided_slice %get3A_270 {offsets = [0, 0], sizes = [64, 64], strides = [1, 1]} : vector<64x128xf32> to vector<64x64xf32>
    %concatenate3A_273 = tpu.concatenate %slice3A_272, %slice3A_271 in 0 : vector<64x64xf32>, vector<64x64xf32> -> vector<128x64xf32>
    %slice3A_274 = vector.extract_strided_slice %get3A_270 {offsets = [0, 64], sizes = [64, 64], strides = [1, 1]} : vector<64x128xf32> to vector<64x64xf32>
    %slice3A_275 = vector.extract_strided_slice %get3A_264 {offsets = [0, 64], sizes = [64, 64], strides = [1, 1]} : vector<64x128xf32> to vector<64x64xf32>
    %concatenate3A_276 = tpu.concatenate %slice3A_274, %slice3A_275 in 0 : vector<64x64xf32>, vector<64x64xf32> -> vector<128x64xf32>
    %mul3A_277 = arith.mulf %concatenate3A_273, %concatenate3A_273 : vector<128x64xf32>
    %reduce_sum3A_278 = arith.constant dense<0.000000e+00> : vector<128xf32>
    %reduce_sum3A_279 = vector.multi_reduction <add>, %mul3A_277, %reduce_sum3A_278 [1] : vector<128x64xf32> to vector<128xf32>
    %broadcast_in_dim3A_280 = vector.shape_cast %reduce_sum3A_279 : vector<128xf32> to vector<128x1xf32>
    %sqrt3A_281 = math.sqrt %broadcast_in_dim3A_280 : vector<128x1xf32>
    %add3A_282 = arith.constant 9.99999996E-13 : f32
    %add3A_283 = vector.broadcast %add3A_282 : f32 to vector<128x1xf32>
    %add3A_284 = arith.addf %sqrt3A_281, %add3A_283 : vector<128x1xf32>
    %div3A_285 = vector.broadcast %add3A_284 : vector<128x1xf32> to vector<128x64xf32>
    %div3A_286 = arith.divf %concatenate3A_273, %div3A_285 : vector<128x64xf32>
    %dot_general3A_287 = arith.constant dense<0.000000e+00> : vector<64x128xf32>
    %dot_general3A_288 = tpu.matmul %slice3A_271, %div3A_286, %dot_general3A_287 {dimension_numbers = #tpu.dot_dimension_numbers<[1], [1], [0], [0], [0, 0, 1, 0], [], []>, transpose_lhs_hint = false} : vector<64x64xf32>, vector<128x64xf32>, vector<64x128xf32> -> vector<64x128xf32>
    %mul3A_289 = arith.constant 1.250000e-01 : f32
    %mul3A_290 = vector.broadcast %mul3A_289 : f32 to vector<64x128xf32>
    %mul3A_291 = arith.mulf %dot_general3A_288, %mul3A_290 : vector<64x128xf32>
    %gt3A_292 = arith.constant 5.000000e-01 : f32
    %gt3A_293 = vector.broadcast %gt3A_292 : f32 to vector<64x128xf32>
    %gt3A_294 = arith.cmpf ogt, %convert_element_type3A_8, %gt3A_293 : vector<64x128xf32>
    %jit3A_295 = arith.constant -5.000000e+04 : f32
    %broadcast_in_dim3A_296 = vector.broadcast %jit3A_295 : f32 to vector<64x128xf32>
    %select_n3A_297 = arith.select %gt3A_294, %broadcast_in_dim3A_296, %mul3A_291 : vector<64x128xi1>, vector<64x128xf32>
    %reduce_max3A_298 = arith.constant dense<0xFF800000> : vector<64xf32>
    %reduce_max3A_299 = vector.multi_reduction <maximumf>, %select_n3A_297, %reduce_max3A_298 [1] : vector<64x128xf32> to vector<64xf32>
    %broadcast_in_dim3A_300 = vector.shape_cast %reduce_max3A_299 : vector<64xf32> to vector<64x1xf32>
    %sub3A_301 = vector.broadcast %broadcast_in_dim3A_300 : vector<64x1xf32> to vector<64x128xf32>
    %sub3A_302 = arith.subf %select_n3A_297, %sub3A_301 : vector<64x128xf32>
    %exp3A_303 = math.exp %sub3A_302 : vector<64x128xf32>
    %reduce_sum3A_304 = arith.constant dense<0.000000e+00> : vector<64xf32>
    %reduce_sum3A_305 = vector.multi_reduction <add>, %exp3A_303, %reduce_sum3A_304 [1] : vector<64x128xf32> to vector<64xf32>
    %broadcast_in_dim3A_306 = vector.shape_cast %reduce_sum3A_305 : vector<64xf32> to vector<64x1xf32>
    %log3A_307 = math.log %broadcast_in_dim3A_306 : vector<64x1xf32>
    %add3A_308 = arith.addf %broadcast_in_dim3A_300, %log3A_307 : vector<64x1xf32>
    %div3A_309 = vector.broadcast %broadcast_in_dim3A_306 : vector<64x1xf32> to vector<64x128xf32>
    %div3A_310 = arith.divf %exp3A_303, %div3A_309 : vector<64x128xf32>
    %dot_general3A_311 = arith.constant dense<0.000000e+00> : vector<64x64xf32>
    %dot_general3A_312 = tpu.matmul %div3A_310, %concatenate3A_276, %dot_general3A_311 {dimension_numbers = #tpu.dot_dimension_numbers<[1], [0], [0], [1], [0, 0, 1, 1], [], []>, transpose_lhs_hint = false} : vector<64x128xf32>, vector<128x64xf32>, vector<64x64xf32> -> vector<64x64xf32>
    %broadcast_in_dim3A_313 = vector.shape_cast %add3A_308 : vector<64x1xf32> to vector<64x1xf32>
    %broadcast_in_dim3A_314 = vector.broadcast %broadcast_in_dim3A_313 : vector<64x1xf32> to vector<64x64xf32>
    %concatenate3A_315 = tpu.concatenate %dot_general3A_312, %broadcast_in_dim3A_314 in 1 : vector<64x64xf32>, vector<64x64xf32> -> vector<64x128xf32>
    %swap3A_316 = arith.constant 0 : index
    %swap3A_317 = arith.constant 4 : index
    %swap3A_318 = arith.constant 0 : index
    %swap3A_319 = arith.constant 0 : index
    %swap3A_320 = vector.load %arg5[%swap3A_316, %swap3A_317, %swap3A_318, %swap3A_319] : memref<1x8x64x128xf32, #tpu.memory_space<vmem>>, vector<1x1x64x128xf32>
    %swap3A_321 = vector.shape_cast %swap3A_320 : vector<1x1x64x128xf32> to vector<64x128xf32>
    %swap3A_322 = vector.shape_cast %concatenate3A_315 : vector<64x128xf32> to vector<1x1x64x128xf32>
    tpu.vector_store %arg5[%swap3A_316, %swap3A_317, %swap3A_318, %swap3A_319], %swap3A_322 {strides = array<i32>} : memref<1x8x64x128xf32, #tpu.memory_space<vmem>>, vector<1x1x64x128xf32>,
    %get3A_323 = arith.constant 0 : index
    %get3A_324 = arith.constant 5 : index
    %get3A_325 = arith.constant 0 : index
    %get3A_326 = arith.constant 0 : index
    %get3A_327 = vector.load %arg2[%get3A_323, %get3A_324, %get3A_325, %get3A_326] : memref<1x8x64x128xf32, #tpu.memory_space<vmem>>, vector<1x1x64x128xf32>
    %get3A_328 = vector.shape_cast %get3A_327 : vector<1x1x64x128xf32> to vector<64x128xf32>
    %get3A_329 = arith.constant 0 : index
    %get3A_330 = arith.constant 4 : index
    %get3A_331 = arith.constant 0 : index
    %get3A_332 = arith.constant 0 : index
    %get3A_333 = vector.load %arg2[%get3A_329, %get3A_330, %get3A_331, %get3A_332] : memref<1x8x64x128xf32, #tpu.memory_space<vmem>>, vector<1x1x64x128xf32>
    %get3A_334 = vector.shape_cast %get3A_333 : vector<1x1x64x128xf32> to vector<64x128xf32>
    %slice3A_335 = vector.extract_strided_slice %get3A_328 {offsets = [0, 0], sizes = [64, 64], strides = [1, 1]} : vector<64x128xf32> to vector<64x64xf32>
    %slice3A_336 = vector.extract_strided_slice %get3A_334 {offsets = [0, 0], sizes = [64, 64], strides = [1, 1]} : vector<64x128xf32> to vector<64x64xf32>
    %concatenate3A_337 = tpu.concatenate %slice3A_336, %slice3A_335 in 0 : vector<64x64xf32>, vector<64x64xf32> -> vector<128x64xf32>
    %slice3A_338 = vector.extract_strided_slice %get3A_334 {offsets = [0, 64], sizes = [64, 64], strides = [1, 1]} : vector<64x128xf32> to vector<64x64xf32>
    %slice3A_339 = vector.extract_strided_slice %get3A_328 {offsets = [0, 64], sizes = [64, 64], strides = [1, 1]} : vector<64x128xf32> to vector<64x64xf32>
    %concatenate3A_340 = tpu.concatenate %slice3A_338, %slice3A_339 in 0 : vector<64x64xf32>, vector<64x64xf32> -> vector<128x64xf32>
    %mul3A_341 = arith.mulf %concatenate3A_337, %concatenate3A_337 : vector<128x64xf32>
    %reduce_sum3A_342 = arith.constant dense<0.000000e+00> : vector<128xf32>
    %reduce_sum3A_343 = vector.multi_reduction <add>, %mul3A_341, %reduce_sum3A_342 [1] : vector<128x64xf32> to vector<128xf32>
    %broadcast_in_dim3A_344 = vector.shape_cast %reduce_sum3A_343 : vector<128xf32> to vector<128x1xf32>
    %sqrt3A_345 = math.sqrt %broadcast_in_dim3A_344 : vector<128x1xf32>
    %add3A_346 = arith.constant 9.99999996E-13 : f32
    %add3A_347 = vector.broadcast %add3A_346 : f32 to vector<128x1xf32>
    %add3A_348 = arith.addf %sqrt3A_345, %add3A_347 : vector<128x1xf32>
    %div3A_349 = vector.broadcast %add3A_348 : vector<128x1xf32> to vector<128x64xf32>
    %div3A_350 = arith.divf %concatenate3A_337, %div3A_349 : vector<128x64xf32>
    %dot_general3A_351 = arith.constant dense<0.000000e+00> : vector<64x128xf32>
    %dot_general3A_352 = tpu.matmul %slice3A_335, %div3A_350, %dot_general3A_351 {dimension_numbers = #tpu.dot_dimension_numbers<[1], [1], [0], [0], [0, 0, 1, 0], [], []>, transpose_lhs_hint = false} : vector<64x64xf32>, vector<128x64xf32>, vector<64x128xf32> -> vector<64x128xf32>
    %mul3A_353 = arith.constant 1.250000e-01 : f32
    %mul3A_354 = vector.broadcast %mul3A_353 : f32 to vector<64x128xf32>
    %mul3A_355 = arith.mulf %dot_general3A_352, %mul3A_354 : vector<64x128xf32>
    %gt3A_356 = arith.constant 5.000000e-01 : f32
    %gt3A_357 = vector.broadcast %gt3A_356 : f32 to vector<64x128xf32>
    %gt3A_358 = arith.cmpf ogt, %convert_element_type3A_8, %gt3A_357 : vector<64x128xf32>
    %jit3A_359 = arith.constant -5.000000e+04 : f32
    %broadcast_in_dim3A_360 = vector.broadcast %jit3A_359 : f32 to vector<64x128xf32>
    %select_n3A_361 = arith.select %gt3A_358, %broadcast_in_dim3A_360, %mul3A_355 : vector<64x128xi1>, vector<64x128xf32>
    %reduce_max3A_362 = arith.constant dense<0xFF800000> : vector<64xf32>
    %reduce_max3A_363 = vector.multi_reduction <maximumf>, %select_n3A_361, %reduce_max3A_362 [1] : vector<64x128xf32> to vector<64xf32>
    %broadcast_in_dim3A_364 = vector.shape_cast %reduce_max3A_363 : vector<64xf32> to vector<64x1xf32>
    %sub3A_365 = vector.broadcast %broadcast_in_dim3A_364 : vector<64x1xf32> to vector<64x128xf32>
    %sub3A_366 = arith.subf %select_n3A_361, %sub3A_365 : vector<64x128xf32>
    %exp3A_367 = math.exp %sub3A_366 : vector<64x128xf32>
    %reduce_sum3A_368 = arith.constant dense<0.000000e+00> : vector<64xf32>
    %reduce_sum3A_369 = vector.multi_reduction <add>, %exp3A_367, %reduce_sum3A_368 [1] : vector<64x128xf32> to vector<64xf32>
    %broadcast_in_dim3A_370 = vector.shape_cast %reduce_sum3A_369 : vector<64xf32> to vector<64x1xf32>
    %log3A_371 = math.log %broadcast_in_dim3A_370 : vector<64x1xf32>
    %add3A_372 = arith.addf %broadcast_in_dim3A_364, %log3A_371 : vector<64x1xf32>
    %div3A_373 = vector.broadcast %broadcast_in_dim3A_370 : vector<64x1xf32> to vector<64x128xf32>
    %div3A_374 = arith.divf %exp3A_367, %div3A_373 : vector<64x128xf32>
    %dot_general3A_375 = arith.constant dense<0.000000e+00> : vector<64x64xf32>
    %dot_general3A_376 = tpu.matmul %div3A_374, %concatenate3A_340, %dot_general3A_375 {dimension_numbers = #tpu.dot_dimension_numbers<[1], [0], [0], [1], [0, 0, 1, 1], [], []>, transpose_lhs_hint = false} : vector<64x128xf32>, vector<128x64xf32>, vector<64x64xf32> -> vector<64x64xf32>
    %broadcast_in_dim3A_377 = vector.shape_cast %add3A_372 : vector<64x1xf32> to vector<64x1xf32>
    %broadcast_in_dim3A_378 = vector.broadcast %broadcast_in_dim3A_377 : vector<64x1xf32> to vector<64x64xf32>
    %concatenate3A_379 = tpu.concatenate %dot_general3A_376, %broadcast_in_dim3A_378 in 1 : vector<64x64xf32>, vector<64x64xf32> -> vector<64x128xf32>
    %swap3A_380 = arith.constant 0 : index
    %swap3A_381 = arith.constant 5 : index
    %swap3A_382 = arith.constant 0 : index
    %swap3A_383 = arith.constant 0 : index
    %swap3A_384 = vector.load %arg5[%swap3A_380, %swap3A_381, %swap3A_382, %swap3A_383] : memref<1x8x64x128xf32, #tpu.memory_space<vmem>>, vector<1x1x64x128xf32>
    %swap3A_385 = vector.shape_cast %swap3A_384 : vector<1x1x64x128xf32> to vector<64x128xf32>
    %swap3A_386 = vector.shape_cast %concatenate3A_379 : vector<64x128xf32> to vector<1x1x64x128xf32>
    tpu.vector_store %arg5[%swap3A_380, %swap3A_381, %swap3A_382, %swap3A_383], %swap3A_386 {strides = array<i32>} : memref<1x8x64x128xf32, #tpu.memory_space<vmem>>, vector<1x1x64x128xf32>,
    %get3A_387 = arith.constant 0 : index
    %get3A_388 = arith.constant 6 : index
    %get3A_389 = arith.constant 0 : index
    %get3A_390 = arith.constant 0 : index
    %get3A_391 = vector.load %arg2[%get3A_387, %get3A_388, %get3A_389, %get3A_390] : memref<1x8x64x128xf32, #tpu.memory_space<vmem>>, vector<1x1x64x128xf32>
    %get3A_392 = vector.shape_cast %get3A_391 : vector<1x1x64x128xf32> to vector<64x128xf32>
    %get3A_393 = arith.constant 0 : index
    %get3A_394 = arith.constant 5 : index
    %get3A_395 = arith.constant 0 : index
    %get3A_396 = arith.constant 0 : index
    %get3A_397 = vector.load %arg2[%get3A_393, %get3A_394, %get3A_395, %get3A_396] : memref<1x8x64x128xf32, #tpu.memory_space<vmem>>, vector<1x1x64x128xf32>
    %get3A_398 = vector.shape_cast %get3A_397 : vector<1x1x64x128xf32> to vector<64x128xf32>
    %slice3A_399 = vector.extract_strided_slice %get3A_392 {offsets = [0, 0], sizes = [64, 64], strides = [1, 1]} : vector<64x128xf32> to vector<64x64xf32>
    %slice3A_400 = vector.extract_strided_slice %get3A_398 {offsets = [0, 0], sizes = [64, 64], strides = [1, 1]} : vector<64x128xf32> to vector<64x64xf32>
    %concatenate3A_401 = tpu.concatenate %slice3A_400, %slice3A_399 in 0 : vector<64x64xf32>, vector<64x64xf32> -> vector<128x64xf32>
    %slice3A_402 = vector.extract_strided_slice %get3A_398 {offsets = [0, 64], sizes = [64, 64], strides = [1, 1]} : vector<64x128xf32> to vector<64x64xf32>
    %slice3A_403 = vector.extract_strided_slice %get3A_392 {offsets = [0, 64], sizes = [64, 64], strides = [1, 1]} : vector<64x128xf32> to vector<64x64xf32>
    %concatenate3A_404 = tpu.concatenate %slice3A_402, %slice3A_403 in 0 : vector<64x64xf32>, vector<64x64xf32> -> vector<128x64xf32>
    %mul3A_405 = arith.mulf %concatenate3A_401, %concatenate3A_401 : vector<128x64xf32>
    %reduce_sum3A_406 = arith.constant dense<0.000000e+00> : vector<128xf32>
    %reduce_sum3A_407 = vector.multi_reduction <add>, %mul3A_405, %reduce_sum3A_406 [1] : vector<128x64xf32> to vector<128xf32>
    %broadcast_in_dim3A_408 = vector.shape_cast %reduce_sum3A_407 : vector<128xf32> to vector<128x1xf32>
    %sqrt3A_409 = math.sqrt %broadcast_in_dim3A_408 : vector<128x1xf32>
    %add3A_410 = arith.constant 9.99999996E-13 : f32
    %add3A_411 = vector.broadcast %add3A_410 : f32 to vector<128x1xf32>
    %add3A_412 = arith.addf %sqrt3A_409, %add3A_411 : vector<128x1xf32>
    %div3A_413 = vector.broadcast %add3A_412 : vector<128x1xf32> to vector<128x64xf32>
    %div3A_414 = arith.divf %concatenate3A_401, %div3A_413 : vector<128x64xf32>
    %dot_general3A_415 = arith.constant dense<0.000000e+00> : vector<64x128xf32>
    %dot_general3A_416 = tpu.matmul %slice3A_399, %div3A_414, %dot_general3A_415 {dimension_numbers = #tpu.dot_dimension_numbers<[1], [1], [0], [0], [0, 0, 1, 0], [], []>, transpose_lhs_hint = false} : vector<64x64xf32>, vector<128x64xf32>, vector<64x128xf32> -> vector<64x128xf32>
    %mul3A_417 = arith.constant 1.250000e-01 : f32
    %mul3A_418 = vector.broadcast %mul3A_417 : f32 to vector<64x128xf32>
    %mul3A_419 = arith.mulf %dot_general3A_416, %mul3A_418 : vector<64x128xf32>
    %gt3A_420 = arith.constant 5.000000e-01 : f32
    %gt3A_421 = vector.broadcast %gt3A_420 : f32 to vector<64x128xf32>
    %gt3A_422 = arith.cmpf ogt, %convert_element_type3A_8, %gt3A_421 : vector<64x128xf32>
    %jit3A_423 = arith.constant -5.000000e+04 : f32
    %broadcast_in_dim3A_424 = vector.broadcast %jit3A_423 : f32 to vector<64x128xf32>
    %select_n3A_425 = arith.select %gt3A_422, %broadcast_in_dim3A_424, %mul3A_419 : vector<64x128xi1>, vector<64x128xf32>
    %reduce_max3A_426 = arith.constant dense<0xFF800000> : vector<64xf32>
    %reduce_max3A_427 = vector.multi_reduction <maximumf>, %select_n3A_425, %reduce_max3A_426 [1] : vector<64x128xf32> to vector<64xf32>
    %broadcast_in_dim3A_428 = vector.shape_cast %reduce_max3A_427 : vector<64xf32> to vector<64x1xf32>
    %sub3A_429 = vector.broadcast %broadcast_in_dim3A_428 : vector<64x1xf32> to vector<64x128xf32>
    %sub3A_430 = arith.subf %select_n3A_425, %sub3A_429 : vector<64x128xf32>
    %exp3A_431 = math.exp %sub3A_430 : vector<64x128xf32>
    %reduce_sum3A_432 = arith.constant dense<0.000000e+00> : vector<64xf32>
    %reduce_sum3A_433 = vector.multi_reduction <add>, %exp3A_431, %reduce_sum3A_432 [1] : vector<64x128xf32> to vector<64xf32>
    %broadcast_in_dim3A_434 = vector.shape_cast %reduce_sum3A_433 : vector<64xf32> to vector<64x1xf32>
    %log3A_435 = math.log %broadcast_in_dim3A_434 : vector<64x1xf32>
    %add3A_436 = arith.addf %broadcast_in_dim3A_428, %log3A_435 : vector<64x1xf32>
    %div3A_437 = vector.broadcast %broadcast_in_dim3A_434 : vector<64x1xf32> to vector<64x128xf32>
    %div3A_438 = arith.divf %exp3A_431, %div3A_437 : vector<64x128xf32>
    %dot_general3A_439 = arith.constant dense<0.000000e+00> : vector<64x64xf32>
    %dot_general3A_440 = tpu.matmul %div3A_438, %concatenate3A_404, %dot_general3A_439 {dimension_numbers = #tpu.dot_dimension_numbers<[1], [0], [0], [1], [0, 0, 1, 1], [], []>, transpose_lhs_hint = false} : vector<64x128xf32>, vector<128x64xf32>, vector<64x64xf32> -> vector<64x64xf32>
    %broadcast_in_dim3A_441 = vector.shape_cast %add3A_436 : vector<64x1xf32> to vector<64x1xf32>
    %broadcast_in_dim3A_442 = vector.broadcast %broadcast_in_dim3A_441 : vector<64x1xf32> to vector<64x64xf32>
    %concatenate3A_443 = tpu.concatenate %dot_general3A_440, %broadcast_in_dim3A_442 in 1 : vector<64x64xf32>, vector<64x64xf32> -> vector<64x128xf32>
    %swap3A_444 = arith.constant 0 : index
    %swap3A_445 = arith.constant 6 : index
    %swap3A_446 = arith.constant 0 : index
    %swap3A_447 = arith.constant 0 : index
    %swap3A_448 = vector.load %arg5[%swap3A_444, %swap3A_445, %swap3A_446, %swap3A_447] : memref<1x8x64x128xf32, #tpu.memory_space<vmem>>, vector<1x1x64x128xf32>
    %swap3A_449 = vector.shape_cast %swap3A_448 : vector<1x1x64x128xf32> to vector<64x128xf32>
    %swap3A_450 = vector.shape_cast %concatenate3A_443 : vector<64x128xf32> to vector<1x1x64x128xf32>
    tpu.vector_store %arg5[%swap3A_444, %swap3A_445, %swap3A_446, %swap3A_447], %swap3A_450 {strides = array<i32>} : memref<1x8x64x128xf32, #tpu.memory_space<vmem>>, vector<1x1x64x128xf32>,
    %get3A_451 = arith.constant 0 : index
    %get3A_452 = arith.constant 7 : index
    %get3A_453 = arith.constant 0 : index
    %get3A_454 = arith.constant 0 : index
    %get3A_455 = vector.load %arg2[%get3A_451, %get3A_452, %get3A_453, %get3A_454] : memref<1x8x64x128xf32, #tpu.memory_space<vmem>>, vector<1x1x64x128xf32>
    %get3A_456 = vector.shape_cast %get3A_455 : vector<1x1x64x128xf32> to vector<64x128xf32>
    %get3A_457 = arith.constant 0 : index
    %get3A_458 = arith.constant 6 : index
    %get3A_459 = arith.constant 0 : index
    %get3A_460 = arith.constant 0 : index
    %get3A_461 = vector.load %arg2[%get3A_457, %get3A_458, %get3A_459, %get3A_460] : memref<1x8x64x128xf32, #tpu.memory_space<vmem>>, vector<1x1x64x128xf32>
    %get3A_462 = vector.shape_cast %get3A_461 : vector<1x1x64x128xf32> to vector<64x128xf32>
    %slice3A_463 = vector.extract_strided_slice %get3A_456 {offsets = [0, 0], sizes = [64, 64], strides = [1, 1]} : vector<64x128xf32> to vector<64x64xf32>
    %slice3A_464 = vector.extract_strided_slice %get3A_462 {offsets = [0, 0], sizes = [64, 64], strides = [1, 1]} : vector<64x128xf32> to vector<64x64xf32>
    %concatenate3A_465 = tpu.concatenate %slice3A_464, %slice3A_463 in 0 : vector<64x64xf32>, vector<64x64xf32> -> vector<128x64xf32>
    %slice3A_466 = vector.extract_strided_slice %get3A_462 {offsets = [0, 64], sizes = [64, 64], strides = [1, 1]} : vector<64x128xf32> to vector<64x64xf32>
    %slice3A_467 = vector.extract_strided_slice %get3A_456 {offsets = [0, 64], sizes = [64, 64], strides = [1, 1]} : vector<64x128xf32> to vector<64x64xf32>
    %concatenate3A_468 = tpu.concatenate %slice3A_466, %slice3A_467 in 0 : vector<64x64xf32>, vector<64x64xf32> -> vector<128x64xf32>
    %mul3A_469 = arith.mulf %concatenate3A_465, %concatenate3A_465 : vector<128x64xf32>
    %reduce_sum3A_470 = arith.constant dense<0.000000e+00> : vector<128xf32>
    %reduce_sum3A_471 = vector.multi_reduction <add>, %mul3A_469, %reduce_sum3A_470 [1] : vector<128x64xf32> to vector<128xf32>
    %broadcast_in_dim3A_472 = vector.shape_cast %reduce_sum3A_471 : vector<128xf32> to vector<128x1xf32>
    %sqrt3A_473 = math.sqrt %broadcast_in_dim3A_472 : vector<128x1xf32>
    %add3A_474 = arith.constant 9.99999996E-13 : f32
    %add3A_475 = vector.broadcast %add3A_474 : f32 to vector<128x1xf32>
    %add3A_476 = arith.addf %sqrt3A_473, %add3A_475 : vector<128x1xf32>
    %div3A_477 = vector.broadcast %add3A_476 : vector<128x1xf32> to vector<128x64xf32>
    %div3A_478 = arith.divf %concatenate3A_465, %div3A_477 : vector<128x64xf32>
    %dot_general3A_479 = arith.constant dense<0.000000e+00> : vector<64x128xf32>
    %dot_general3A_480 = tpu.matmul %slice3A_463, %div3A_478, %dot_general3A_479 {dimension_numbers = #tpu.dot_dimension_numbers<[1], [1], [0], [0], [0, 0, 1, 0], [], []>, transpose_lhs_hint = false} : vector<64x64xf32>, vector<128x64xf32>, vector<64x128xf32> -> vector<64x128xf32>
    %mul3A_481 = arith.constant 1.250000e-01 : f32
    %mul3A_482 = vector.broadcast %mul3A_481 : f32 to vector<64x128xf32>
    %mul3A_483 = arith.mulf %dot_general3A_480, %mul3A_482 : vector<64x128xf32>
    %gt3A_484 = arith.constant 5.000000e-01 : f32
    %gt3A_485 = vector.broadcast %gt3A_484 : f32 to vector<64x128xf32>
    %gt3A_486 = arith.cmpf ogt, %convert_element_type3A_8, %gt3A_485 : vector<64x128xf32>
    %jit3A_487 = arith.constant -5.000000e+04 : f32
    %broadcast_in_dim3A_488 = vector.broadcast %jit3A_487 : f32 to vector<64x128xf32>
    %select_n3A_489 = arith.select %gt3A_486, %broadcast_in_dim3A_488, %mul3A_483 : vector<64x128xi1>, vector<64x128xf32>
    %reduce_max3A_490 = arith.constant dense<0xFF800000> : vector<64xf32>
    %reduce_max3A_491 = vector.multi_reduction <maximumf>, %select_n3A_489, %reduce_max3A_490 [1] : vector<64x128xf32> to vector<64xf32>
    %broadcast_in_dim3A_492 = vector.shape_cast %reduce_max3A_491 : vector<64xf32> to vector<64x1xf32>
    %sub3A_493 = vector.broadcast %broadcast_in_dim3A_492 : vector<64x1xf32> to vector<64x128xf32>
    %sub3A_494 = arith.subf %select_n3A_489, %sub3A_493 : vector<64x128xf32>
    %exp3A_495 = math.exp %sub3A_494 : vector<64x128xf32>
    %reduce_sum3A_496 = arith.constant dense<0.000000e+00> : vector<64xf32>
    %reduce_sum3A_497 = vector.multi_reduction <add>, %exp3A_495, %reduce_sum3A_496 [1] : vector<64x128xf32> to vector<64xf32>
    %broadcast_in_dim3A_498 = vector.shape_cast %reduce_sum3A_497 : vector<64xf32> to vector<64x1xf32>
    %log3A_499 = math.log %broadcast_in_dim3A_498 : vector<64x1xf32>
    %add3A_500 = arith.addf %broadcast_in_dim3A_492, %log3A_499 : vector<64x1xf32>
    %div3A_501 = vector.broadcast %broadcast_in_dim3A_498 : vector<64x1xf32> to vector<64x128xf32>
    %div3A_502 = arith.divf %exp3A_495, %div3A_501 : vector<64x128xf32>
    %dot_general3A_503 = arith.constant dense<0.000000e+00> : vector<64x64xf32>
    %dot_general3A_504 = tpu.matmul %div3A_502, %concatenate3A_468, %dot_general3A_503 {dimension_numbers = #tpu.dot_dimension_numbers<[1], [0], [0], [1], [0, 0, 1, 1], [], []>, transpose_lhs_hint = false} : vector<64x128xf32>, vector<128x64xf32>, vector<64x64xf32> -> vector<64x64xf32>
    %broadcast_in_dim3A_505 = vector.shape_cast %add3A_500 : vector<64x1xf32> to vector<64x1xf32>
    %broadcast_in_dim3A_506 = vector.broadcast %broadcast_in_dim3A_505 : vector<64x1xf32> to vector<64x64xf32>
    %concatenate3A_507 = tpu.concatenate %dot_general3A_504, %broadcast_in_dim3A_506 in 1 : vector<64x64xf32>, vector<64x64xf32> -> vector<64x128xf32>
    %swap3A_508 = arith.constant 0 : index
    %swap3A_509 = arith.constant 7 : index
    %swap3A_510 = arith.constant 0 : index
    %swap3A_511 = arith.constant 0 : index
    %swap3A_512 = vector.load %arg5[%swap3A_508, %swap3A_509, %swap3A_510, %swap3A_511] : memref<1x8x64x128xf32, #tpu.memory_space<vmem>>, vector<1x1x64x128xf32>
    %swap3A_513 = vector.shape_cast %swap3A_512 : vector<1x1x64x128xf32> to vector<64x128xf32>
    %swap3A_514 = vector.shape_cast %concatenate3A_507 : vector<64x128xf32> to vector<1x1x64x128xf32>
    tpu.vector_store %arg5[%swap3A_508, %swap3A_509, %swap3A_510, %swap3A_511], %swap3A_514 {strides = array<i32>} : memref<1x8x64x128xf32, #tpu.memory_space<vmem>>, vector<1x1x64x128xf32>,
    return
  }
  func.func @transform_0(%arg0: i32, %arg1: i32) -> (i32, i32, i32, i32) {
    %c0_i32 = arith.constant 0 : i32
    %c0_i32_0 = arith.constant 0 : i32
    %c0_i32_1 = arith.constant 0 : i32
    return %arg0, %arg1, %c0_i32, %c0_i32_0 : i32, i32, i32, i32
  }
  func.func @transform_1(%arg0: i32, %arg1: i32) -> (i32, i32, i32, i32) {
    %mul3A = arith.constant 8 : i32
    %mul3A_0 = arith.muli %arg1, %mul3A : i32
    %sub3A = arith.constant 1 : i32
    %sub3A_1 = arith.subi %mul3A_0, %sub3A : i32
    %jit3A = arith.constant 128 : i32
    %eq3A = arith.constant 0 : i32
    %eq3A_2 = arith.cmpi eq, %jit3A, %eq3A : i32
    %jit3A_3 = arith.constant 1 : i32
    %select_n3A = arith.select %eq3A_2, %jit3A_3, %jit3A : i32
    %rem3A = arith.remsi %sub3A_1, %select_n3A : i32
    %ne3A = arith.constant 0 : i32
    %ne3A_4 = arith.cmpi ne, %rem3A, %ne3A : i32
    %lt3A = arith.constant 0 : i32
    %lt3A_5 = arith.cmpi slt, %rem3A, %lt3A : i32
    %lt3A_6 = arith.constant 0 : i32
    %lt3A_7 = arith.cmpi slt, %select_n3A, %lt3A_6 : i32
    %ne3A_8 = arith.xori %lt3A_5, %lt3A_7 : i1
    %and3A = arith.andi %ne3A_8, %ne3A_4 : i1
    %add3A = arith.addi %rem3A, %select_n3A : i32
    %select_n3A_9 = arith.select %and3A, %add3A, %rem3A : i32
    %c0_i32 = arith.constant 0 : i32
    %c0_i32_10 = arith.constant 0 : i32
    %c0_i32_11 = arith.constant 0 : i32
    return %arg0, %select_n3A_9, %c0_i32, %c0_i32_10 : i32, i32, i32, i32
  }
  func.func @transform_2(%arg0: i32, %arg1: i32) -> (i32, i32, i32, i32) {
    %jit3A = arith.constant 4 : i32
    %div3A = arith.divsi %arg1, %jit3A : i32
    %sign3A = arith.constant 0 : i32
    %sign3A_0 = arith.cmpi sgt, %arg1, %sign3A : i32
    %sign3A_1 = arith.extui %sign3A_0 : i1 to i32
    %sign3A_2 = arith.constant 0 : i32
    %sign3A_3 = arith.cmpi slt, %arg1, %sign3A_2 : i32
    %sign3A_4 = arith.extui %sign3A_3 : i1 to i32
    %sign3A_5 = arith.subi %sign3A_1, %sign3A_4 : i32
    %sign3A_6 = arith.constant 0 : i32
    %sign3A_7 = arith.cmpi sgt, %jit3A, %sign3A_6 : i32
    %sign3A_8 = arith.extui %sign3A_7 : i1 to i32
    %sign3A_9 = arith.constant 0 : i32
    %sign3A_10 = arith.cmpi slt, %jit3A, %sign3A_9 : i32
    %sign3A_11 = arith.extui %sign3A_10 : i1 to i32
    %sign3A_12 = arith.subi %sign3A_8, %sign3A_11 : i32
    %ne3A = arith.cmpi ne, %sign3A_5, %sign3A_12 : i32
    %rem3A = arith.remsi %arg1, %jit3A : i32
    %ne3A_13 = arith.constant 0 : i32
    %ne3A_14 = arith.cmpi ne, %rem3A, %ne3A_13 : i32
    %and3A = arith.andi %ne3A, %ne3A_14 : i1
    %sub3A = arith.constant 1 : i32
    %sub3A_15 = arith.subi %div3A, %sub3A : i32
    %select_n3A = arith.select %and3A, %sub3A_15, %div3A : i32
    %c0_i32 = arith.constant 0 : i32
    %c0_i32_16 = arith.constant 0 : i32
    %c0_i32_17 = arith.constant 0 : i32
    return %arg0, %select_n3A, %c0_i32, %c0_i32_16 : i32, i32, i32, i32
  }
  func.func @transform_3(%arg0: i32, %arg1: i32) -> (i32, i32, i32, i32) {
    %c0_i32 = arith.constant 0 : i32
    %c0_i32_0 = arith.constant 0 : i32
    %c0_i32_1 = arith.constant 0 : i32
    return %arg0, %arg1, %c0_i32, %c0_i32_0 : i32, i32, i32, i32
  }
}

module attributes {stable_mosaic.version = 14 : i64} {
  func.func @_combine_body(%arg0: i32, %arg1: i32, %arg2: i32, %arg3: memref<2x4x512x128xf32, #tpu.memory_space<vmem>>, %arg4: memref<1x512x128xf32, #tpu.memory_space<vmem>>) attributes {dimension_semantics = [#tpu.dimension_semantics<arbitrary>, #tpu.dimension_semantics<arbitrary>, #tpu.dimension_semantics<arbitrary>], iteration_bounds = array<i64: 2, 8, 4>, scalar_prefetch = 0 : i64, scratch_operands = 0 : i64, tpu.core_type = #tpu.core_type<tc>, window_params = [{transform_indices = @transform_0, window_bounds = array<i64: 2, 4, 512, 128>}, {transform_indices = @transform_1, window_bounds = array<i64: 1, 512, 128>}]} {
    %get3A = arith.constant 0 : index
    %get3A_0 = arith.constant 0 : index
    %get3A_1 = arith.constant 0 : index
    %get3A_2 = arith.constant 64 : index
    %get3A_3 = vector.load %arg3[%get3A, %get3A_0, %get3A_1, %get3A_2] : memref<2x4x512x128xf32, #tpu.memory_space<vmem>>, vector<1x1x512x1xf32>
    %get3A_4 = vector.shape_cast %get3A_3 : vector<1x1x512x1xf32> to vector<512x1xf32>
    %get3A_5 = arith.constant 0 : index
    %get3A_6 = arith.constant 1 : index
    %get3A_7 = arith.constant 0 : index
    %get3A_8 = arith.constant 64 : index
    %get3A_9 = vector.load %arg3[%get3A_5, %get3A_6, %get3A_7, %get3A_8] : memref<2x4x512x128xf32, #tpu.memory_space<vmem>>, vector<1x1x512x1xf32>
    %get3A_10 = vector.shape_cast %get3A_9 : vector<1x1x512x1xf32> to vector<512x1xf32>
    %get3A_11 = arith.constant 0 : index
    %get3A_12 = arith.constant 2 : index
    %get3A_13 = arith.constant 0 : index
    %get3A_14 = arith.constant 64 : index
    %get3A_15 = vector.load %arg3[%get3A_11, %get3A_12, %get3A_13, %get3A_14] : memref<2x4x512x128xf32, #tpu.memory_space<vmem>>, vector<1x1x512x1xf32>
    %get3A_16 = vector.shape_cast %get3A_15 : vector<1x1x512x1xf32> to vector<512x1xf32>
    %get3A_17 = arith.constant 0 : index
    %get3A_18 = arith.constant 3 : index
    %get3A_19 = arith.constant 0 : index
    %get3A_20 = arith.constant 64 : index
    %get3A_21 = vector.load %arg3[%get3A_17, %get3A_18, %get3A_19, %get3A_20] : memref<2x4x512x128xf32, #tpu.memory_space<vmem>>, vector<1x1x512x1xf32>
    %get3A_22 = vector.shape_cast %get3A_21 : vector<1x1x512x1xf32> to vector<512x1xf32>
    %max3A = arith.maximumf %get3A_4, %get3A_10 : vector<512x1xf32>
    %max3A_23 = arith.maximumf %max3A, %get3A_16 : vector<512x1xf32>
    %max3A_24 = arith.maximumf %max3A_23, %get3A_22 : vector<512x1xf32>
    %sub3A = arith.subf %get3A_4, %max3A_24 : vector<512x1xf32>
    %exp3A = math.exp %sub3A : vector<512x1xf32>
    %sub3A_25 = arith.subf %get3A_10, %max3A_24 : vector<512x1xf32>
    %exp3A_26 = math.exp %sub3A_25 : vector<512x1xf32>
    %sub3A_27 = arith.subf %get3A_16, %max3A_24 : vector<512x1xf32>
    %exp3A_28 = math.exp %sub3A_27 : vector<512x1xf32>
    %sub3A_29 = arith.subf %get3A_22, %max3A_24 : vector<512x1xf32>
    %exp3A_30 = math.exp %sub3A_29 : vector<512x1xf32>
    %add3A = arith.addf %exp3A, %exp3A_26 : vector<512x1xf32>
    %add3A_31 = arith.addf %add3A, %exp3A_28 : vector<512x1xf32>
    %add3A_32 = arith.addf %add3A_31, %exp3A_30 : vector<512x1xf32>
    %broadcast_in_dim3A = arith.constant 0.000000e+00 : f32
    %broadcast_in_dim3A_33 = vector.broadcast %broadcast_in_dim3A : f32 to vector<512x64xf32>
    %get3A_34 = arith.constant 0 : index
    %get3A_35 = arith.constant 0 : index
    %get3A_36 = arith.constant 0 : index
    %get3A_37 = arith.constant 0 : index
    %get3A_38 = vector.load %arg3[%get3A_34, %get3A_35, %get3A_36, %get3A_37] : memref<2x4x512x128xf32, #tpu.memory_space<vmem>>, vector<1x1x512x64xf32>
    %get3A_39 = vector.shape_cast %get3A_38 : vector<1x1x512x64xf32> to vector<512x64xf32>
    %div3A = arith.divf %exp3A, %add3A_32 : vector<512x1xf32>
    %mul3A = vector.broadcast %div3A : vector<512x1xf32> to vector<512x64xf32>
    %mul3A_40 = arith.mulf %get3A_39, %mul3A : vector<512x64xf32>
    %add3A_41 = arith.addf %broadcast_in_dim3A_33, %mul3A_40 : vector<512x64xf32>
    %get3A_42 = arith.constant 0 : index
    %get3A_43 = arith.constant 1 : index
    %get3A_44 = arith.constant 0 : index
    %get3A_45 = arith.constant 0 : index
    %get3A_46 = vector.load %arg3[%get3A_42, %get3A_43, %get3A_44, %get3A_45] : memref<2x4x512x128xf32, #tpu.memory_space<vmem>>, vector<1x1x512x64xf32>
    %get3A_47 = vector.shape_cast %get3A_46 : vector<1x1x512x64xf32> to vector<512x64xf32>
    %div3A_48 = arith.divf %exp3A_26, %add3A_32 : vector<512x1xf32>
    %mul3A_49 = vector.broadcast %div3A_48 : vector<512x1xf32> to vector<512x64xf32>
    %mul3A_50 = arith.mulf %get3A_47, %mul3A_49 : vector<512x64xf32>
    %add3A_51 = arith.addf %add3A_41, %mul3A_50 : vector<512x64xf32>
    %get3A_52 = arith.constant 0 : index
    %get3A_53 = arith.constant 2 : index
    %get3A_54 = arith.constant 0 : index
    %get3A_55 = arith.constant 0 : index
    %get3A_56 = vector.load %arg3[%get3A_52, %get3A_53, %get3A_54, %get3A_55] : memref<2x4x512x128xf32, #tpu.memory_space<vmem>>, vector<1x1x512x64xf32>
    %get3A_57 = vector.shape_cast %get3A_56 : vector<1x1x512x64xf32> to vector<512x64xf32>
    %div3A_58 = arith.divf %exp3A_28, %add3A_32 : vector<512x1xf32>
    %mul3A_59 = vector.broadcast %div3A_58 : vector<512x1xf32> to vector<512x64xf32>
    %mul3A_60 = arith.mulf %get3A_57, %mul3A_59 : vector<512x64xf32>
    %add3A_61 = arith.addf %add3A_51, %mul3A_60 : vector<512x64xf32>
    %get3A_62 = arith.constant 0 : index
    %get3A_63 = arith.constant 3 : index
    %get3A_64 = arith.constant 0 : index
    %get3A_65 = arith.constant 0 : index
    %get3A_66 = vector.load %arg3[%get3A_62, %get3A_63, %get3A_64, %get3A_65] : memref<2x4x512x128xf32, #tpu.memory_space<vmem>>, vector<1x1x512x64xf32>
    %get3A_67 = vector.shape_cast %get3A_66 : vector<1x1x512x64xf32> to vector<512x64xf32>
    %div3A_68 = arith.divf %exp3A_30, %add3A_32 : vector<512x1xf32>
    %mul3A_69 = vector.broadcast %div3A_68 : vector<512x1xf32> to vector<512x64xf32>
    %mul3A_70 = arith.mulf %get3A_67, %mul3A_69 : vector<512x64xf32>
    %add3A_71 = arith.addf %add3A_61, %mul3A_70 : vector<512x64xf32>
    %get3A_72 = arith.constant 1 : index
    %get3A_73 = arith.constant 0 : index
    %get3A_74 = arith.constant 0 : index
    %get3A_75 = arith.constant 64 : index
    %get3A_76 = vector.load %arg3[%get3A_72, %get3A_73, %get3A_74, %get3A_75] : memref<2x4x512x128xf32, #tpu.memory_space<vmem>>, vector<1x1x512x1xf32>
    %get3A_77 = vector.shape_cast %get3A_76 : vector<1x1x512x1xf32> to vector<512x1xf32>
    %get3A_78 = arith.constant 1 : index
    %get3A_79 = arith.constant 1 : index
    %get3A_80 = arith.constant 0 : index
    %get3A_81 = arith.constant 64 : index
    %get3A_82 = vector.load %arg3[%get3A_78, %get3A_79, %get3A_80, %get3A_81] : memref<2x4x512x128xf32, #tpu.memory_space<vmem>>, vector<1x1x512x1xf32>
    %get3A_83 = vector.shape_cast %get3A_82 : vector<1x1x512x1xf32> to vector<512x1xf32>
    %get3A_84 = arith.constant 1 : index
    %get3A_85 = arith.constant 2 : index
    %get3A_86 = arith.constant 0 : index
    %get3A_87 = arith.constant 64 : index
    %get3A_88 = vector.load %arg3[%get3A_84, %get3A_85, %get3A_86, %get3A_87] : memref<2x4x512x128xf32, #tpu.memory_space<vmem>>, vector<1x1x512x1xf32>
    %get3A_89 = vector.shape_cast %get3A_88 : vector<1x1x512x1xf32> to vector<512x1xf32>
    %get3A_90 = arith.constant 1 : index
    %get3A_91 = arith.constant 3 : index
    %get3A_92 = arith.constant 0 : index
    %get3A_93 = arith.constant 64 : index
    %get3A_94 = vector.load %arg3[%get3A_90, %get3A_91, %get3A_92, %get3A_93] : memref<2x4x512x128xf32, #tpu.memory_space<vmem>>, vector<1x1x512x1xf32>
    %get3A_95 = vector.shape_cast %get3A_94 : vector<1x1x512x1xf32> to vector<512x1xf32>
    %max3A_96 = arith.maximumf %get3A_77, %get3A_83 : vector<512x1xf32>
    %max3A_97 = arith.maximumf %max3A_96, %get3A_89 : vector<512x1xf32>
    %max3A_98 = arith.maximumf %max3A_97, %get3A_95 : vector<512x1xf32>
    %sub3A_99 = arith.subf %get3A_77, %max3A_98 : vector<512x1xf32>
    %exp3A_100 = math.exp %sub3A_99 : vector<512x1xf32>
    %sub3A_101 = arith.subf %get3A_83, %max3A_98 : vector<512x1xf32>
    %exp3A_102 = math.exp %sub3A_101 : vector<512x1xf32>
    %sub3A_103 = arith.subf %get3A_89, %max3A_98 : vector<512x1xf32>
    %exp3A_104 = math.exp %sub3A_103 : vector<512x1xf32>
    %sub3A_105 = arith.subf %get3A_95, %max3A_98 : vector<512x1xf32>
    %exp3A_106 = math.exp %sub3A_105 : vector<512x1xf32>
    %add3A_107 = arith.addf %exp3A_100, %exp3A_102 : vector<512x1xf32>
    %add3A_108 = arith.addf %add3A_107, %exp3A_104 : vector<512x1xf32>
    %add3A_109 = arith.addf %add3A_108, %exp3A_106 : vector<512x1xf32>
    %broadcast_in_dim3A_110 = arith.constant 0.000000e+00 : f32
    %broadcast_in_dim3A_111 = vector.broadcast %broadcast_in_dim3A_110 : f32 to vector<512x64xf32>
    %get3A_112 = arith.constant 1 : index
    %get3A_113 = arith.constant 0 : index
    %get3A_114 = arith.constant 0 : index
    %get3A_115 = arith.constant 0 : index
    %get3A_116 = vector.load %arg3[%get3A_112, %get3A_113, %get3A_114, %get3A_115] : memref<2x4x512x128xf32, #tpu.memory_space<vmem>>, vector<1x1x512x64xf32>
    %get3A_117 = vector.shape_cast %get3A_116 : vector<1x1x512x64xf32> to vector<512x64xf32>
    %div3A_118 = arith.divf %exp3A_100, %add3A_109 : vector<512x1xf32>
    %mul3A_119 = vector.broadcast %div3A_118 : vector<512x1xf32> to vector<512x64xf32>
    %mul3A_120 = arith.mulf %get3A_117, %mul3A_119 : vector<512x64xf32>
    %add3A_121 = arith.addf %broadcast_in_dim3A_111, %mul3A_120 : vector<512x64xf32>
    %get3A_122 = arith.constant 1 : index
    %get3A_123 = arith.constant 1 : index
    %get3A_124 = arith.constant 0 : index
    %get3A_125 = arith.constant 0 : index
    %get3A_126 = vector.load %arg3[%get3A_122, %get3A_123, %get3A_124, %get3A_125] : memref<2x4x512x128xf32, #tpu.memory_space<vmem>>, vector<1x1x512x64xf32>
    %get3A_127 = vector.shape_cast %get3A_126 : vector<1x1x512x64xf32> to vector<512x64xf32>
    %div3A_128 = arith.divf %exp3A_102, %add3A_109 : vector<512x1xf32>
    %mul3A_129 = vector.broadcast %div3A_128 : vector<512x1xf32> to vector<512x64xf32>
    %mul3A_130 = arith.mulf %get3A_127, %mul3A_129 : vector<512x64xf32>
    %add3A_131 = arith.addf %add3A_121, %mul3A_130 : vector<512x64xf32>
    %get3A_132 = arith.constant 1 : index
    %get3A_133 = arith.constant 2 : index
    %get3A_134 = arith.constant 0 : index
    %get3A_135 = arith.constant 0 : index
    %get3A_136 = vector.load %arg3[%get3A_132, %get3A_133, %get3A_134, %get3A_135] : memref<2x4x512x128xf32, #tpu.memory_space<vmem>>, vector<1x1x512x64xf32>
    %get3A_137 = vector.shape_cast %get3A_136 : vector<1x1x512x64xf32> to vector<512x64xf32>
    %div3A_138 = arith.divf %exp3A_104, %add3A_109 : vector<512x1xf32>
    %mul3A_139 = vector.broadcast %div3A_138 : vector<512x1xf32> to vector<512x64xf32>
    %mul3A_140 = arith.mulf %get3A_137, %mul3A_139 : vector<512x64xf32>
    %add3A_141 = arith.addf %add3A_131, %mul3A_140 : vector<512x64xf32>
    %get3A_142 = arith.constant 1 : index
    %get3A_143 = arith.constant 3 : index
    %get3A_144 = arith.constant 0 : index
    %get3A_145 = arith.constant 0 : index
    %get3A_146 = vector.load %arg3[%get3A_142, %get3A_143, %get3A_144, %get3A_145] : memref<2x4x512x128xf32, #tpu.memory_space<vmem>>, vector<1x1x512x64xf32>
    %get3A_147 = vector.shape_cast %get3A_146 : vector<1x1x512x64xf32> to vector<512x64xf32>
    %div3A_148 = arith.divf %exp3A_106, %add3A_109 : vector<512x1xf32>
    %mul3A_149 = vector.broadcast %div3A_148 : vector<512x1xf32> to vector<512x64xf32>
    %mul3A_150 = arith.mulf %get3A_147, %mul3A_149 : vector<512x64xf32>
    %add3A_151 = arith.addf %add3A_141, %mul3A_150 : vector<512x64xf32>
    %concatenate3A = tpu.concatenate %add3A_71, %add3A_151 in 1 : vector<512x64xf32>, vector<512x64xf32> -> vector<512x128xf32>
    %swap3A = arith.constant 0 : index
    %swap3A_152 = arith.constant 0 : index
    %swap3A_153 = arith.constant 0 : index
    %swap3A_154 = vector.load %arg4[%swap3A, %swap3A_152, %swap3A_153] : memref<1x512x128xf32, #tpu.memory_space<vmem>>, vector<1x512x128xf32>
    %swap3A_155 = vector.shape_cast %swap3A_154 : vector<1x512x128xf32> to vector<512x128xf32>
    %swap3A_156 = vector.shape_cast %concatenate3A : vector<512x128xf32> to vector<1x512x128xf32>
    tpu.vector_store %arg4[%swap3A, %swap3A_152, %swap3A_153], %swap3A_156 {strides = array<i32>} : memref<1x512x128xf32, #tpu.memory_space<vmem>>, vector<1x512x128xf32>,
    return
  }
  func.func @transform_0(%arg0: i32, %arg1: i32, %arg2: i32) -> (i32, i32, i32, i32) {
    %mul3A = arith.constant 8 : i32
    %mul3A_0 = arith.muli %arg0, %mul3A : i32
    %add3A = arith.addi %mul3A_0, %arg1 : i32
    %c0_i32 = arith.constant 0 : i32
    %c0_i32_1 = arith.constant 0 : i32
    %c0_i32_2 = arith.constant 0 : i32
    return %add3A, %c0_i32, %arg2, %c0_i32_1 : i32, i32, i32, i32
  }
  func.func @transform_1(%arg0: i32, %arg1: i32, %arg2: i32) -> (i32, i32, i32) {
    %c0_i32 = arith.constant 0 : i32
    return %arg0, %arg2, %arg1 : i32, i32, i32
  }
}

module attributes {stable_mosaic.version = 14 : i64} {
  func.func @_wo_body(%arg0: i32, %arg1: memref<256x1024xf32, #tpu.memory_space<vmem>>, %arg2: memref<1024x1024xf32, #tpu.memory_space<vmem>>, %arg3: memref<1x1024xf32, #tpu.memory_space<vmem>>, %arg4: memref<256x1024xf32, #tpu.memory_space<vmem>>, %arg5: memref<1x1024xf32, #tpu.memory_space<vmem>>, %arg6: memref<1x1024xf32, #tpu.memory_space<vmem>>, %arg7: memref<256x1024xf32, #tpu.memory_space<vmem>>) attributes {dimension_semantics = [#tpu.dimension_semantics<arbitrary>], iteration_bounds = array<i64: 16>, scalar_prefetch = 0 : i64, scratch_operands = 0 : i64, tpu.core_type = #tpu.core_type<tc>, window_params = [{transform_indices = @transform_0, window_bounds = array<i64: 256, 1024>}, {pipeline_mode = #tpu.pipeline_mode<synchronous>, transform_indices = @transform_1, window_bounds = array<i64: 1024, 1024>}, {pipeline_mode = #tpu.pipeline_mode<synchronous>, transform_indices = @transform_2, window_bounds = array<i64: 1, 1024>}, {transform_indices = @transform_3, window_bounds = array<i64: 256, 1024>}, {pipeline_mode = #tpu.pipeline_mode<synchronous>, transform_indices = @transform_4, window_bounds = array<i64: 1, 1024>}, {pipeline_mode = #tpu.pipeline_mode<synchronous>, transform_indices = @transform_5, window_bounds = array<i64: 1, 1024>}, {transform_indices = @transform_6, window_bounds = array<i64: 256, 1024>}]} {
    %get3A = arith.constant 0 : index
    %get3A_0 = arith.constant 0 : index
    %get3A_1 = vector.load %arg1[%get3A, %get3A_0] : memref<256x1024xf32, #tpu.memory_space<vmem>>, vector<256x1024xf32>
    %get3A_2 = arith.constant 0 : index
    %get3A_3 = arith.constant 0 : index
    %get3A_4 = vector.load %arg2[%get3A_2, %get3A_3] : memref<1024x1024xf32, #tpu.memory_space<vmem>>, vector<1024x1024xf32>
    %dot_general3A = arith.constant dense<0.000000e+00> : vector<256x1024xf32>
    %dot_general3A_5 = tpu.matmul %get3A_1, %get3A_4, %dot_general3A {dimension_numbers = #tpu.dot_dimension_numbers<[1], [1], [0], [0], [0, 0, 1, 0], [], []>, transpose_lhs_hint = false} : vector<256x1024xf32>, vector<1024x1024xf32>, vector<256x1024xf32> -> vector<256x1024xf32>
    %get3A_6 = arith.constant 0 : index
    %get3A_7 = arith.constant 0 : index
    %get3A_8 = vector.load %arg3[%get3A_6, %get3A_7] : memref<1x1024xf32, #tpu.memory_space<vmem>>, vector<1x1024xf32>
    %add3A = vector.broadcast %get3A_8 : vector<1x1024xf32> to vector<256x1024xf32>
    %add3A_9 = arith.addf %dot_general3A_5, %add3A : vector<256x1024xf32>
    %get3A_10 = arith.constant 0 : index
    %get3A_11 = arith.constant 0 : index
    %get3A_12 = vector.load %arg4[%get3A_10, %get3A_11] : memref<256x1024xf32, #tpu.memory_space<vmem>>, vector<256x1024xf32>
    %add3A_13 = arith.addf %add3A_9, %get3A_12 : vector<256x1024xf32>
    %get3A_14 = arith.constant 0 : index
    %get3A_15 = arith.constant 0 : index
    %get3A_16 = vector.load %arg5[%get3A_14, %get3A_15] : memref<1x1024xf32, #tpu.memory_space<vmem>>, vector<1x1024xf32>
    %get3A_17 = arith.constant 0 : index
    %get3A_18 = arith.constant 0 : index
    %get3A_19 = vector.load %arg6[%get3A_17, %get3A_18] : memref<1x1024xf32, #tpu.memory_space<vmem>>, vector<1x1024xf32>
    %reduce_sum3A = arith.constant dense<0.000000e+00> : vector<256xf32>
    %reduce_sum3A_20 = vector.multi_reduction <add>, %add3A_13, %reduce_sum3A [1] : vector<256x1024xf32> to vector<256xf32>
    %broadcast_in_dim3A = vector.shape_cast %reduce_sum3A_20 : vector<256xf32> to vector<256x1xf32>
    %div3A = arith.constant 1.024000e+03 : f32
    %div3A_21 = vector.broadcast %div3A : f32 to vector<256x1xf32>
    %div3A_22 = arith.divf %broadcast_in_dim3A, %div3A_21 : vector<256x1xf32>
    %sub3A = vector.broadcast %div3A_22 : vector<256x1xf32> to vector<256x1024xf32>
    %sub3A_23 = arith.subf %add3A_13, %sub3A : vector<256x1024xf32>
    %integer_pow3A = arith.mulf %sub3A_23, %sub3A_23 : vector<256x1024xf32>
    %reduce_sum3A_24 = arith.constant dense<0.000000e+00> : vector<256xf32>
    %reduce_sum3A_25 = vector.multi_reduction <add>, %integer_pow3A, %reduce_sum3A_24 [1] : vector<256x1024xf32> to vector<256xf32>
    %broadcast_in_dim3A_26 = vector.shape_cast %reduce_sum3A_25 : vector<256xf32> to vector<256x1xf32>
    %div3A_27 = arith.constant 1.024000e+03 : f32
    %div3A_28 = vector.broadcast %div3A_27 : f32 to vector<256x1xf32>
    %div3A_29 = arith.divf %broadcast_in_dim3A_26, %div3A_28 : vector<256x1xf32>
    %sub3A_30 = vector.broadcast %div3A_22 : vector<256x1xf32> to vector<256x1024xf32>
    %sub3A_31 = arith.subf %add3A_13, %sub3A_30 : vector<256x1024xf32>
    %add3A_32 = arith.constant 9.99999974E-6 : f32
    %add3A_33 = vector.broadcast %add3A_32 : f32 to vector<256x1xf32>
    %add3A_34 = arith.addf %div3A_29, %add3A_33 : vector<256x1xf32>
    %sqrt3A = math.sqrt %add3A_34 : vector<256x1xf32>
    %div3A_35 = vector.broadcast %sqrt3A : vector<256x1xf32> to vector<256x1024xf32>
    %div3A_36 = arith.divf %sub3A_31, %div3A_35 : vector<256x1024xf32>
    %mul3A = vector.broadcast %get3A_16 : vector<1x1024xf32> to vector<256x1024xf32>
    %mul3A_37 = arith.mulf %div3A_36, %mul3A : vector<256x1024xf32>
    %add3A_38 = vector.broadcast %get3A_19 : vector<1x1024xf32> to vector<256x1024xf32>
    %add3A_39 = arith.addf %mul3A_37, %add3A_38 : vector<256x1024xf32>
    %swap3A = arith.constant 0 : index
    %swap3A_40 = arith.constant 0 : index
    %swap3A_41 = vector.load %arg7[%swap3A, %swap3A_40] : memref<256x1024xf32, #tpu.memory_space<vmem>>, vector<256x1024xf32>
    tpu.vector_store %arg7[%swap3A, %swap3A_40], %add3A_39 {strides = array<i32>} : memref<256x1024xf32, #tpu.memory_space<vmem>>, vector<256x1024xf32>,
    return
  }
  func.func @transform_0(%arg0: i32) -> (i32, i32) {
    %c0_i32 = arith.constant 0 : i32
    %c0_i32_0 = arith.constant 0 : i32
    return %arg0, %c0_i32 : i32, i32
  }
  func.func @transform_1(%arg0: i32) -> (i32, i32) {
    %c0_i32 = arith.constant 0 : i32
    %c0_i32_0 = arith.constant 0 : i32
    %c0_i32_1 = arith.constant 0 : i32
    return %c0_i32, %c0_i32_0 : i32, i32
  }
  func.func @transform_2(%arg0: i32) -> (i32, i32) {
    %c0_i32 = arith.constant 0 : i32
    %c0_i32_0 = arith.constant 0 : i32
    %c0_i32_1 = arith.constant 0 : i32
    return %c0_i32, %c0_i32_0 : i32, i32
  }
  func.func @transform_3(%arg0: i32) -> (i32, i32) {
    %c0_i32 = arith.constant 0 : i32
    %c0_i32_0 = arith.constant 0 : i32
    return %arg0, %c0_i32 : i32, i32
  }
  func.func @transform_4(%arg0: i32) -> (i32, i32) {
    %c0_i32 = arith.constant 0 : i32
    %c0_i32_0 = arith.constant 0 : i32
    %c0_i32_1 = arith.constant 0 : i32
    return %c0_i32, %c0_i32_0 : i32, i32
  }
  func.func @transform_5(%arg0: i32) -> (i32, i32) {
    %c0_i32 = arith.constant 0 : i32
    %c0_i32_0 = arith.constant 0 : i32
    %c0_i32_1 = arith.constant 0 : i32
    return %c0_i32, %c0_i32_0 : i32, i32
  }
  func.func @transform_6(%arg0: i32) -> (i32, i32) {
    %c0_i32 = arith.constant 0 : i32
    %c0_i32_0 = arith.constant 0 : i32
    return %arg0, %c0_i32 : i32, i32
  }
}

module attributes {stable_mosaic.version = 14 : i64} {
  func.func @_ffn1_body(%arg0: i32, %arg1: memref<256x1024xf32, #tpu.memory_space<vmem>>, %arg2: memref<2048x1024xf32, #tpu.memory_space<vmem>>, %arg3: memref<1x2048xf32, #tpu.memory_space<vmem>>, %arg4: memref<256x2048xf32, #tpu.memory_space<vmem>>) attributes {dimension_semantics = [#tpu.dimension_semantics<arbitrary>], iteration_bounds = array<i64: 16>, scalar_prefetch = 0 : i64, scratch_operands = 0 : i64, tpu.core_type = #tpu.core_type<tc>, window_params = [{transform_indices = @transform_0, window_bounds = array<i64: 256, 1024>}, {pipeline_mode = #tpu.pipeline_mode<synchronous>, transform_indices = @transform_1, window_bounds = array<i64: 2048, 1024>}, {pipeline_mode = #tpu.pipeline_mode<synchronous>, transform_indices = @transform_2, window_bounds = array<i64: 1, 2048>}, {transform_indices = @transform_3, window_bounds = array<i64: 256, 2048>}]} {
    %get3A = arith.constant 0 : index
    %get3A_0 = arith.constant 0 : index
    %get3A_1 = vector.load %arg1[%get3A, %get3A_0] : memref<256x1024xf32, #tpu.memory_space<vmem>>, vector<256x1024xf32>
    %get3A_2 = arith.constant 0 : index
    %get3A_3 = arith.constant 0 : index
    %get3A_4 = vector.load %arg2[%get3A_2, %get3A_3] : memref<2048x1024xf32, #tpu.memory_space<vmem>>, vector<2048x1024xf32>
    %dot_general3A = arith.constant dense<0.000000e+00> : vector<256x2048xf32>
    %dot_general3A_5 = tpu.matmul %get3A_1, %get3A_4, %dot_general3A {dimension_numbers = #tpu.dot_dimension_numbers<[1], [1], [0], [0], [0, 0, 1, 0], [], []>, transpose_lhs_hint = false} : vector<256x1024xf32>, vector<2048x1024xf32>, vector<256x2048xf32> -> vector<256x2048xf32>
    %get3A_6 = arith.constant 0 : index
    %get3A_7 = arith.constant 0 : index
    %get3A_8 = vector.load %arg3[%get3A_6, %get3A_7] : memref<1x2048xf32, #tpu.memory_space<vmem>>, vector<1x2048xf32>
    %add3A = vector.broadcast %get3A_8 : vector<1x2048xf32> to vector<256x2048xf32>
    %add3A_9 = arith.addf %dot_general3A_5, %add3A : vector<256x2048xf32>
    %mul3A = arith.constant 5.000000e-01 : f32
    %mul3A_10 = vector.broadcast %mul3A : f32 to vector<256x2048xf32>
    %mul3A_11 = arith.mulf %mul3A_10, %add3A_9 : vector<256x2048xf32>
    %mul3A_12 = arith.constant 0.707106769 : f32
    %mul3A_13 = vector.broadcast %mul3A_12 : f32 to vector<256x2048xf32>
    %mul3A_14 = arith.mulf %add3A_9, %mul3A_13 : vector<256x2048xf32>
    %erf3A = math.erf %mul3A_14 : vector<256x2048xf32>
    %add3A_15 = arith.constant 1.000000e+00 : f32
    %add3A_16 = vector.broadcast %add3A_15 : f32 to vector<256x2048xf32>
    %add3A_17 = arith.addf %add3A_16, %erf3A : vector<256x2048xf32>
    %mul3A_18 = arith.mulf %mul3A_11, %add3A_17 : vector<256x2048xf32>
    %swap3A = arith.constant 0 : index
    %swap3A_19 = arith.constant 0 : index
    %swap3A_20 = vector.load %arg4[%swap3A, %swap3A_19] : memref<256x2048xf32, #tpu.memory_space<vmem>>, vector<256x2048xf32>
    tpu.vector_store %arg4[%swap3A, %swap3A_19], %mul3A_18 {strides = array<i32>} : memref<256x2048xf32, #tpu.memory_space<vmem>>, vector<256x2048xf32>,
    return
  }
  func.func @transform_0(%arg0: i32) -> (i32, i32) {
    %c0_i32 = arith.constant 0 : i32
    %c0_i32_0 = arith.constant 0 : i32
    return %arg0, %c0_i32 : i32, i32
  }
  func.func @transform_1(%arg0: i32) -> (i32, i32) {
    %c0_i32 = arith.constant 0 : i32
    %c0_i32_0 = arith.constant 0 : i32
    %c0_i32_1 = arith.constant 0 : i32
    return %c0_i32, %c0_i32_0 : i32, i32
  }
  func.func @transform_2(%arg0: i32) -> (i32, i32) {
    %c0_i32 = arith.constant 0 : i32
    %c0_i32_0 = arith.constant 0 : i32
    %c0_i32_1 = arith.constant 0 : i32
    return %c0_i32, %c0_i32_0 : i32, i32
  }
  func.func @transform_3(%arg0: i32) -> (i32, i32) {
    %c0_i32 = arith.constant 0 : i32
    %c0_i32_0 = arith.constant 0 : i32
    return %arg0, %c0_i32 : i32, i32
  }
}

module attributes {stable_mosaic.version = 14 : i64} {
  func.func @_ffn2_body(%arg0: i32, %arg1: memref<256x2048xf32, #tpu.memory_space<vmem>>, %arg2: memref<1024x2048xf32, #tpu.memory_space<vmem>>, %arg3: memref<1x1024xf32, #tpu.memory_space<vmem>>, %arg4: memref<256x1024xf32, #tpu.memory_space<vmem>>, %arg5: memref<1x1024xf32, #tpu.memory_space<vmem>>, %arg6: memref<1x1024xf32, #tpu.memory_space<vmem>>, %arg7: memref<256x1024xf32, #tpu.memory_space<vmem>>) attributes {dimension_semantics = [#tpu.dimension_semantics<arbitrary>], iteration_bounds = array<i64: 16>, scalar_prefetch = 0 : i64, scratch_operands = 0 : i64, tpu.core_type = #tpu.core_type<tc>, window_params = [{transform_indices = @transform_0, window_bounds = array<i64: 256, 2048>}, {pipeline_mode = #tpu.pipeline_mode<synchronous>, transform_indices = @transform_1, window_bounds = array<i64: 1024, 2048>}, {pipeline_mode = #tpu.pipeline_mode<synchronous>, transform_indices = @transform_2, window_bounds = array<i64: 1, 1024>}, {transform_indices = @transform_3, window_bounds = array<i64: 256, 1024>}, {pipeline_mode = #tpu.pipeline_mode<synchronous>, transform_indices = @transform_4, window_bounds = array<i64: 1, 1024>}, {pipeline_mode = #tpu.pipeline_mode<synchronous>, transform_indices = @transform_5, window_bounds = array<i64: 1, 1024>}, {transform_indices = @transform_6, window_bounds = array<i64: 256, 1024>}]} {
    %get3A = arith.constant 0 : index
    %get3A_0 = arith.constant 0 : index
    %get3A_1 = vector.load %arg1[%get3A, %get3A_0] : memref<256x2048xf32, #tpu.memory_space<vmem>>, vector<256x2048xf32>
    %get3A_2 = arith.constant 0 : index
    %get3A_3 = arith.constant 0 : index
    %get3A_4 = vector.load %arg2[%get3A_2, %get3A_3] : memref<1024x2048xf32, #tpu.memory_space<vmem>>, vector<1024x2048xf32>
    %dot_general3A = arith.constant dense<0.000000e+00> : vector<256x1024xf32>
    %dot_general3A_5 = tpu.matmul %get3A_1, %get3A_4, %dot_general3A {dimension_numbers = #tpu.dot_dimension_numbers<[1], [1], [0], [0], [0, 0, 1, 0], [], []>, transpose_lhs_hint = false} : vector<256x2048xf32>, vector<1024x2048xf32>, vector<256x1024xf32> -> vector<256x1024xf32>
    %get3A_6 = arith.constant 0 : index
    %get3A_7 = arith.constant 0 : index
    %get3A_8 = vector.load %arg3[%get3A_6, %get3A_7] : memref<1x1024xf32, #tpu.memory_space<vmem>>, vector<1x1024xf32>
    %add3A = vector.broadcast %get3A_8 : vector<1x1024xf32> to vector<256x1024xf32>
    %add3A_9 = arith.addf %dot_general3A_5, %add3A : vector<256x1024xf32>
    %get3A_10 = arith.constant 0 : index
    %get3A_11 = arith.constant 0 : index
    %get3A_12 = vector.load %arg4[%get3A_10, %get3A_11] : memref<256x1024xf32, #tpu.memory_space<vmem>>, vector<256x1024xf32>
    %add3A_13 = arith.addf %add3A_9, %get3A_12 : vector<256x1024xf32>
    %get3A_14 = arith.constant 0 : index
    %get3A_15 = arith.constant 0 : index
    %get3A_16 = vector.load %arg5[%get3A_14, %get3A_15] : memref<1x1024xf32, #tpu.memory_space<vmem>>, vector<1x1024xf32>
    %get3A_17 = arith.constant 0 : index
    %get3A_18 = arith.constant 0 : index
    %get3A_19 = vector.load %arg6[%get3A_17, %get3A_18] : memref<1x1024xf32, #tpu.memory_space<vmem>>, vector<1x1024xf32>
    %reduce_sum3A = arith.constant dense<0.000000e+00> : vector<256xf32>
    %reduce_sum3A_20 = vector.multi_reduction <add>, %add3A_13, %reduce_sum3A [1] : vector<256x1024xf32> to vector<256xf32>
    %broadcast_in_dim3A = vector.shape_cast %reduce_sum3A_20 : vector<256xf32> to vector<256x1xf32>
    %div3A = arith.constant 1.024000e+03 : f32
    %div3A_21 = vector.broadcast %div3A : f32 to vector<256x1xf32>
    %div3A_22 = arith.divf %broadcast_in_dim3A, %div3A_21 : vector<256x1xf32>
    %sub3A = vector.broadcast %div3A_22 : vector<256x1xf32> to vector<256x1024xf32>
    %sub3A_23 = arith.subf %add3A_13, %sub3A : vector<256x1024xf32>
    %integer_pow3A = arith.mulf %sub3A_23, %sub3A_23 : vector<256x1024xf32>
    %reduce_sum3A_24 = arith.constant dense<0.000000e+00> : vector<256xf32>
    %reduce_sum3A_25 = vector.multi_reduction <add>, %integer_pow3A, %reduce_sum3A_24 [1] : vector<256x1024xf32> to vector<256xf32>
    %broadcast_in_dim3A_26 = vector.shape_cast %reduce_sum3A_25 : vector<256xf32> to vector<256x1xf32>
    %div3A_27 = arith.constant 1.024000e+03 : f32
    %div3A_28 = vector.broadcast %div3A_27 : f32 to vector<256x1xf32>
    %div3A_29 = arith.divf %broadcast_in_dim3A_26, %div3A_28 : vector<256x1xf32>
    %sub3A_30 = vector.broadcast %div3A_22 : vector<256x1xf32> to vector<256x1024xf32>
    %sub3A_31 = arith.subf %add3A_13, %sub3A_30 : vector<256x1024xf32>
    %add3A_32 = arith.constant 9.99999974E-6 : f32
    %add3A_33 = vector.broadcast %add3A_32 : f32 to vector<256x1xf32>
    %add3A_34 = arith.addf %div3A_29, %add3A_33 : vector<256x1xf32>
    %sqrt3A = math.sqrt %add3A_34 : vector<256x1xf32>
    %div3A_35 = vector.broadcast %sqrt3A : vector<256x1xf32> to vector<256x1024xf32>
    %div3A_36 = arith.divf %sub3A_31, %div3A_35 : vector<256x1024xf32>
    %mul3A = vector.broadcast %get3A_16 : vector<1x1024xf32> to vector<256x1024xf32>
    %mul3A_37 = arith.mulf %div3A_36, %mul3A : vector<256x1024xf32>
    %add3A_38 = vector.broadcast %get3A_19 : vector<1x1024xf32> to vector<256x1024xf32>
    %add3A_39 = arith.addf %mul3A_37, %add3A_38 : vector<256x1024xf32>
    %swap3A = arith.constant 0 : index
    %swap3A_40 = arith.constant 0 : index
    %swap3A_41 = vector.load %arg7[%swap3A, %swap3A_40] : memref<256x1024xf32, #tpu.memory_space<vmem>>, vector<256x1024xf32>
    tpu.vector_store %arg7[%swap3A, %swap3A_40], %add3A_39 {strides = array<i32>} : memref<256x1024xf32, #tpu.memory_space<vmem>>, vector<256x1024xf32>,
    return
  }
  func.func @transform_0(%arg0: i32) -> (i32, i32) {
    %c0_i32 = arith.constant 0 : i32
    %c0_i32_0 = arith.constant 0 : i32
    return %arg0, %c0_i32 : i32, i32
  }
  func.func @transform_1(%arg0: i32) -> (i32, i32) {
    %c0_i32 = arith.constant 0 : i32
    %c0_i32_0 = arith.constant 0 : i32
    %c0_i32_1 = arith.constant 0 : i32
    return %c0_i32, %c0_i32_0 : i32, i32
  }
  func.func @transform_2(%arg0: i32) -> (i32, i32) {
    %c0_i32 = arith.constant 0 : i32
    %c0_i32_0 = arith.constant 0 : i32
    %c0_i32_1 = arith.constant 0 : i32
    return %c0_i32, %c0_i32_0 : i32, i32
  }
  func.func @transform_3(%arg0: i32) -> (i32, i32) {
    %c0_i32 = arith.constant 0 : i32
    %c0_i32_0 = arith.constant 0 : i32
    return %arg0, %c0_i32 : i32, i32
  }
  func.func @transform_4(%arg0: i32) -> (i32, i32) {
    %c0_i32 = arith.constant 0 : i32
    %c0_i32_0 = arith.constant 0 : i32
    %c0_i32_1 = arith.constant 0 : i32
    return %c0_i32, %c0_i32_0 : i32, i32
  }
  func.func @transform_5(%arg0: i32) -> (i32, i32) {
    %c0_i32 = arith.constant 0 : i32
    %c0_i32_0 = arith.constant 0 : i32
    %c0_i32_1 = arith.constant 0 : i32
    return %c0_i32, %c0_i32_0 : i32, i32
  }
  func.func @transform_6(%arg0: i32) -> (i32, i32) {
    %c0_i32 = arith.constant 0 : i32
    %c0_i32_0 = arith.constant 0 : i32
    return %arg0, %c0_i32 : i32, i32
  }
}

module attributes {stable_mosaic.version = 14 : i64} {
  func.func @_head_body(%arg0: i32, %arg1: memref<256x1024xf32, #tpu.memory_space<vmem>>, %arg2: memref<1x1024xf32, #tpu.memory_space<vmem>>, %arg3: memref<1x1024xf32, #tpu.memory_space<vmem>>, %arg4: memref<7x1024xf32, #tpu.memory_space<vmem>>, %arg5: memref<1x7xf32, #tpu.memory_space<vmem>>, %arg6: memref<256x7xf32, #tpu.memory_space<vmem>>) attributes {dimension_semantics = [#tpu.dimension_semantics<arbitrary>], iteration_bounds = array<i64: 16>, scalar_prefetch = 0 : i64, scratch_operands = 0 : i64, tpu.core_type = #tpu.core_type<tc>, window_params = [{transform_indices = @transform_0, window_bounds = array<i64: 256, 1024>}, {pipeline_mode = #tpu.pipeline_mode<synchronous>, transform_indices = @transform_1, window_bounds = array<i64: 1, 1024>}, {pipeline_mode = #tpu.pipeline_mode<synchronous>, transform_indices = @transform_2, window_bounds = array<i64: 1, 1024>}, {pipeline_mode = #tpu.pipeline_mode<synchronous>, transform_indices = @transform_3, window_bounds = array<i64: 7, 1024>}, {pipeline_mode = #tpu.pipeline_mode<synchronous>, transform_indices = @transform_4, window_bounds = array<i64: 1, 7>}, {transform_indices = @transform_5, window_bounds = array<i64: 256, 7>}]} {
    %get3A = arith.constant 0 : index
    %get3A_0 = arith.constant 0 : index
    %get3A_1 = vector.load %arg1[%get3A, %get3A_0] : memref<256x1024xf32, #tpu.memory_space<vmem>>, vector<256x1024xf32>
    %get3A_2 = arith.constant 0 : index
    %get3A_3 = arith.constant 0 : index
    %get3A_4 = vector.load %arg2[%get3A_2, %get3A_3] : memref<1x1024xf32, #tpu.memory_space<vmem>>, vector<1x1024xf32>
    %get3A_5 = arith.constant 0 : index
    %get3A_6 = arith.constant 0 : index
    %get3A_7 = vector.load %arg3[%get3A_5, %get3A_6] : memref<1x1024xf32, #tpu.memory_space<vmem>>, vector<1x1024xf32>
    %reduce_sum3A = arith.constant dense<0.000000e+00> : vector<256xf32>
    %reduce_sum3A_8 = vector.multi_reduction <add>, %get3A_1, %reduce_sum3A [1] : vector<256x1024xf32> to vector<256xf32>
    %broadcast_in_dim3A = vector.shape_cast %reduce_sum3A_8 : vector<256xf32> to vector<256x1xf32>
    %div3A = arith.constant 1.024000e+03 : f32
    %div3A_9 = vector.broadcast %div3A : f32 to vector<256x1xf32>
    %div3A_10 = arith.divf %broadcast_in_dim3A, %div3A_9 : vector<256x1xf32>
    %sub3A = vector.broadcast %div3A_10 : vector<256x1xf32> to vector<256x1024xf32>
    %sub3A_11 = arith.subf %get3A_1, %sub3A : vector<256x1024xf32>
    %integer_pow3A = arith.mulf %sub3A_11, %sub3A_11 : vector<256x1024xf32>
    %reduce_sum3A_12 = arith.constant dense<0.000000e+00> : vector<256xf32>
    %reduce_sum3A_13 = vector.multi_reduction <add>, %integer_pow3A, %reduce_sum3A_12 [1] : vector<256x1024xf32> to vector<256xf32>
    %broadcast_in_dim3A_14 = vector.shape_cast %reduce_sum3A_13 : vector<256xf32> to vector<256x1xf32>
    %div3A_15 = arith.constant 1.024000e+03 : f32
    %div3A_16 = vector.broadcast %div3A_15 : f32 to vector<256x1xf32>
    %div3A_17 = arith.divf %broadcast_in_dim3A_14, %div3A_16 : vector<256x1xf32>
    %sub3A_18 = vector.broadcast %div3A_10 : vector<256x1xf32> to vector<256x1024xf32>
    %sub3A_19 = arith.subf %get3A_1, %sub3A_18 : vector<256x1024xf32>
    %add3A = arith.constant 9.99999974E-6 : f32
    %add3A_20 = vector.broadcast %add3A : f32 to vector<256x1xf32>
    %add3A_21 = arith.addf %div3A_17, %add3A_20 : vector<256x1xf32>
    %sqrt3A = math.sqrt %add3A_21 : vector<256x1xf32>
    %div3A_22 = vector.broadcast %sqrt3A : vector<256x1xf32> to vector<256x1024xf32>
    %div3A_23 = arith.divf %sub3A_19, %div3A_22 : vector<256x1024xf32>
    %mul3A = vector.broadcast %get3A_4 : vector<1x1024xf32> to vector<256x1024xf32>
    %mul3A_24 = arith.mulf %div3A_23, %mul3A : vector<256x1024xf32>
    %add3A_25 = vector.broadcast %get3A_7 : vector<1x1024xf32> to vector<256x1024xf32>
    %add3A_26 = arith.addf %mul3A_24, %add3A_25 : vector<256x1024xf32>
    %get3A_27 = arith.constant 0 : index
    %get3A_28 = arith.constant 0 : index
    %get3A_29 = vector.load %arg4[%get3A_27, %get3A_28] : memref<7x1024xf32, #tpu.memory_space<vmem>>, vector<7x1024xf32>
    %dot_general3A = arith.constant dense<0.000000e+00> : vector<256x7xf32>
    %dot_general3A_30 = tpu.matmul %add3A_26, %get3A_29, %dot_general3A {dimension_numbers = #tpu.dot_dimension_numbers<[1], [1], [0], [0], [0, 0, 1, 0], [], []>, transpose_lhs_hint = false} : vector<256x1024xf32>, vector<7x1024xf32>, vector<256x7xf32> -> vector<256x7xf32>
    %get3A_31 = arith.constant 0 : index
    %get3A_32 = arith.constant 0 : index
    %get3A_33 = vector.load %arg5[%get3A_31, %get3A_32] : memref<1x7xf32, #tpu.memory_space<vmem>>, vector<1x7xf32>
    %add3A_34 = vector.broadcast %get3A_33 : vector<1x7xf32> to vector<256x7xf32>
    %add3A_35 = arith.addf %dot_general3A_30, %add3A_34 : vector<256x7xf32>
    %swap3A = arith.constant 0 : index
    %swap3A_36 = arith.constant 0 : index
    %swap3A_37 = vector.load %arg6[%swap3A, %swap3A_36] : memref<256x7xf32, #tpu.memory_space<vmem>>, vector<256x7xf32>
    tpu.vector_store %arg6[%swap3A, %swap3A_36], %add3A_35 {strides = array<i32>} : memref<256x7xf32, #tpu.memory_space<vmem>>, vector<256x7xf32>,
    return
  }
  func.func @transform_0(%arg0: i32) -> (i32, i32) {
    %c0_i32 = arith.constant 0 : i32
    %c0_i32_0 = arith.constant 0 : i32
    return %arg0, %c0_i32 : i32, i32
  }
  func.func @transform_1(%arg0: i32) -> (i32, i32) {
    %c0_i32 = arith.constant 0 : i32
    %c0_i32_0 = arith.constant 0 : i32
    %c0_i32_1 = arith.constant 0 : i32
    return %c0_i32, %c0_i32_0 : i32, i32
  }
  func.func @transform_2(%arg0: i32) -> (i32, i32) {
    %c0_i32 = arith.constant 0 : i32
    %c0_i32_0 = arith.constant 0 : i32
    %c0_i32_1 = arith.constant 0 : i32
    return %c0_i32, %c0_i32_0 : i32, i32
  }
  func.func @transform_3(%arg0: i32) -> (i32, i32) {
    %c0_i32 = arith.constant 0 : i32
    %c0_i32_0 = arith.constant 0 : i32
    %c0_i32_1 = arith.constant 0 : i32
    return %c0_i32, %c0_i32_0 : i32, i32
  }
  func.func @transform_4(%arg0: i32) -> (i32, i32) {
    %c0_i32 = arith.constant 0 : i32
    %c0_i32_0 = arith.constant 0 : i32
    %c0_i32_1 = arith.constant 0 : i32
    return %c0_i32, %c0_i32_0 : i32, i32
  }
  func.func @transform_5(%arg0: i32) -> (i32, i32) {
    %c0_i32 = arith.constant 0 : i32
    %c0_i32_0 = arith.constant 0 : i32
    return %arg0, %c0_i32 : i32, i32
  }
}

module attributes {stable_mosaic.version = 14 : i64} {
  func.func @_cls_body(%arg0: i32, %arg1: memref<8x3584xf32, #tpu.memory_space<vmem>>, %arg2: memref<10x3584xf32, #tpu.memory_space<vmem>>, %arg3: memref<1x10xf32, #tpu.memory_space<vmem>>, %arg4: memref<8x10xf32, #tpu.memory_space<vmem>>) attributes {dimension_semantics = [#tpu.dimension_semantics<arbitrary>], iteration_bounds = array<i64: 1>, scalar_prefetch = 0 : i64, scratch_operands = 0 : i64, tpu.core_type = #tpu.core_type<tc>, window_params = [{pipeline_mode = #tpu.pipeline_mode<synchronous>, transform_indices = @transform_0, window_bounds = array<i64: 8, 3584>}, {pipeline_mode = #tpu.pipeline_mode<synchronous>, transform_indices = @transform_1, window_bounds = array<i64: 10, 3584>}, {pipeline_mode = #tpu.pipeline_mode<synchronous>, transform_indices = @transform_2, window_bounds = array<i64: 1, 10>}, {pipeline_mode = #tpu.pipeline_mode<synchronous>, transform_indices = @transform_3, window_bounds = array<i64: 8, 10>}]} {
    %get3A = arith.constant 0 : index
    %get3A_0 = arith.constant 0 : index
    %get3A_1 = vector.load %arg1[%get3A, %get3A_0] : memref<8x3584xf32, #tpu.memory_space<vmem>>, vector<8x3584xf32>
    %get3A_2 = arith.constant 0 : index
    %get3A_3 = arith.constant 0 : index
    %get3A_4 = vector.load %arg2[%get3A_2, %get3A_3] : memref<10x3584xf32, #tpu.memory_space<vmem>>, vector<10x3584xf32>
    %dot_general3A = arith.constant dense<0.000000e+00> : vector<8x10xf32>
    %dot_general3A_5 = tpu.matmul %get3A_1, %get3A_4, %dot_general3A {dimension_numbers = #tpu.dot_dimension_numbers<[1], [1], [0], [0], [0, 0, 1, 0], [], []>, transpose_lhs_hint = false} : vector<8x3584xf32>, vector<10x3584xf32>, vector<8x10xf32> -> vector<8x10xf32>
    %get3A_6 = arith.constant 0 : index
    %get3A_7 = arith.constant 0 : index
    %get3A_8 = vector.load %arg3[%get3A_6, %get3A_7] : memref<1x10xf32, #tpu.memory_space<vmem>>, vector<1x10xf32>
    %add3A = vector.broadcast %get3A_8 : vector<1x10xf32> to vector<8x10xf32>
    %add3A_9 = arith.addf %dot_general3A_5, %add3A : vector<8x10xf32>
    %reduce_max3A = arith.constant dense<0xFF800000> : vector<8xf32>
    %reduce_max3A_10 = vector.multi_reduction <maximumf>, %add3A_9, %reduce_max3A [1] : vector<8x10xf32> to vector<8xf32>
    %broadcast_in_dim3A = vector.shape_cast %reduce_max3A_10 : vector<8xf32> to vector<8x1xf32>
    %sub3A = vector.broadcast %broadcast_in_dim3A : vector<8x1xf32> to vector<8x10xf32>
    %sub3A_11 = arith.subf %add3A_9, %sub3A : vector<8x10xf32>
    %exp3A = math.exp %sub3A_11 : vector<8x10xf32>
    %reduce_sum3A = arith.constant dense<0.000000e+00> : vector<8xf32>
    %reduce_sum3A_12 = vector.multi_reduction <add>, %exp3A, %reduce_sum3A [1] : vector<8x10xf32> to vector<8xf32>
    %broadcast_in_dim3A_13 = vector.shape_cast %reduce_sum3A_12 : vector<8xf32> to vector<8x1xf32>
    %div3A = vector.broadcast %broadcast_in_dim3A_13 : vector<8x1xf32> to vector<8x10xf32>
    %div3A_14 = arith.divf %exp3A, %div3A : vector<8x10xf32>
    %swap3A = arith.constant 0 : index
    %swap3A_15 = arith.constant 0 : index
    %swap3A_16 = vector.load %arg4[%swap3A, %swap3A_15] : memref<8x10xf32, #tpu.memory_space<vmem>>, vector<8x10xf32>
    tpu.vector_store %arg4[%swap3A, %swap3A_15], %div3A_14 {strides = array<i32>} : memref<8x10xf32, #tpu.memory_space<vmem>>, vector<8x10xf32>,
    return
  }
  func.func @transform_0(%arg0: i32) -> (i32, i32) {
    %c0_i32 = arith.constant 0 : i32
    %c0_i32_0 = arith.constant 0 : i32
    %c0_i32_1 = arith.constant 0 : i32
    return %c0_i32, %c0_i32_0 : i32, i32
  }
  func.func @transform_1(%arg0: i32) -> (i32, i32) {
    %c0_i32 = arith.constant 0 : i32
    %c0_i32_0 = arith.constant 0 : i32
    %c0_i32_1 = arith.constant 0 : i32
    return %c0_i32, %c0_i32_0 : i32, i32
  }
  func.func @transform_2(%arg0: i32) -> (i32, i32) {
    %c0_i32 = arith.constant 0 : i32
    %c0_i32_0 = arith.constant 0 : i32
    %c0_i32_1 = arith.constant 0 : i32
    return %c0_i32, %c0_i32_0 : i32, i32
  }
  func.func @transform_3(%arg0: i32) -> (i32, i32) {
    %c0_i32 = arith.constant 0 : i32
    %c0_i32_0 = arith.constant 0 : i32
    %c0_i32_1 = arith.constant 0 : i32
    return %c0_i32, %c0_i32_0 : i32, i32
  }
}

</mosaic_0001>

<sc_bundles>
// kernel: kernel.29.cloned.1.call-start
scs
__scs_entry_jumppad:
0x0: {  	(pc) =	sbr.rel $0x88, $3  }
0x1: {  	(tag) =	ssettag $0x0;
	lr =	simm.s32 $0x1  }
0x2: {  	[smem:$0x3F89] =	sst lr;
	_ =	strace $0xD0000000  }
0x3: {  	_ = 	snop  }
0x4: {  	_ = 	snop  }
0x5: {  	_ = 	snop  }
0x6: {  	_ = 	snop  }
0x7: {  	_ = 	snop  }
__scs_overlays_trampoline_lowered:
0x8: {  	[smem:$0x3F98] =	sst s0  }
0x9: {  	[smem:$0x3F99] =	sst s1  }
0xa: {  	[smem:$0x3F9A] =	sst s2  }
0xb: {  	[smem:$0x3F9B] =	sst s3  }
0xc: {  	[smem:$0x3F9C] =	sst s4  }
0xd: {  	[smem:$0x3F9D] =	sst s5  }
0xe: {  	[smem:$0x3F9E] =	sst s6  }
0xf: {  	[smem:$0x3F9F] =	sst s7  }
0x10: {  	[smem:$0x3FA0] =	sst s8  }
0x11: {  	[smem:$0x3FA1] =	sst s9;
	s0 =	simm.s32 @!p0 $0x0  }
0x12: {  	s1 =	sld [smem:$0x3F87];
	s0 =	simm.s32 @p0 $0x1  }
0x13: {  	[smem:$0x3FA2] =	sst s0;
	s0 =	simm.s32 @!p1 $0x0  }
0x14: {  	s2 =	sld [smem:$0x3F86];
	s0 =	simm.s32 @p1 $0x1  }
0x15: {  	[smem:$0x3FA3] =	sst s0;
	s0 =	simm.s32 @!p2 $0x0  }
0x16: {  	s3 =	sld [smem:$0x3FDB];
	s0 =	simm.s32 @p2 $0x1  }
0x17: {  	s4 =	simm.s32 $0x1BF5;
	[smem:$0x3FA5] =	sst s0  }
0x18: {  	s0 =	sld [smem:$0x3F88];
	_ =	swait.ge [sflag:s4], $0x0  }
0x19: {  	s7 =	sld [smem:$0x3F89]  }
0x1a: {  	s8 =	sadd.s32 $0xFFFFE003, lr  }
0x1b: {  	s9 =	sadd.s32 $0xFFFFFEF7, lr;
	s5 =	simm.s32 $0xFFFFFFFF;
	p2 =	slt.u32 s8, $0xFFFFF086  }
0x1c: {  	p1 =	slt.u32 s9, $0xF7A;
	s5 =	simm.s32 @!p2 $0x0  }
0x1d: {  	s5 =	simm.s32 @p1 $0x1;
	p0 =	seq.s32 s7, s2  }
0x1e: {  	s7 =	smul.u32 @!p0 $0xF7A, s2;
	p2 =	seq.s32 @!p0 s5, $0x0  }
0x1f: {  	s9 =	smul.u32 $0xF7A, s1;
	s8 =	simm.s32 @!p0 $0x1BF5;
	p2 =	por !p2, p0  }
0x20: {  	[sflag:s8] =	ssyncset.s32 @!p0 $0xFFFFF086;
	s6 =	sadd.s32 @!p0 s3, s7;
	s7 =	simm.s32 @!p0 $0x108  }
0x21: {  	s3 =	sadd.s32 s3, s9;
	s6 =	sadd.s32 @!p0 $0x88, s6;
	s7 =	simm.s32 @p2 $0x1082  }
0x22: {  	[simem:s7], [sflag:s8] =	dma.local @!p0 [hbm:s6], $0xF7A  }
0x23: {  	s9 =	sor.u32 $0xD0000000, s2;
	s6 =	simm.s32 $0x108;
	_ =	swait.ge @!p0 [sflag:s8], $0x0  }
0x24: {  	s3 =	sadd.s32 $0x88, s3;
	s6 =	simm.s32 @!p1 $0x1082;
	[sflag:s4] =	ssyncset.s32 $0xFFFFF086  }
0x25: {  	[simem:s6], [sflag:s4] =	dma.local [hbm:s3], $0xF7A  }
0x26: {  	[smem:$0x3F89] =	sst s1;
	(tag) =	ssettag s2;
	_ =	strace s9  }
0x27: {  	s1 =	sld [smem:$0x3F99]  }
0x28: {  	s2 =	sld [smem:$0x3F9A]  }
0x29: {  	s4 =	sld [smem:$0x3F9C]  }
0x2a: {  	p0 =	seq.s32 s5, $0x0;
	s5 =	sld [smem:$0x3F9D]  }
0x2b: {  	s6 =	sld [smem:$0x3F9E]  }
0x2c: {  	s7 =	sld [smem:$0x3F9F]  }
0x2d: {  	s3 =	simm.s32 $0x108;
	s8 =	sld [smem:$0x3FA0]  }
0x2e: {  	s3 =	simm.s32 @!p0 $0x1082;
	s9 =	sld [smem:$0x3FA1]  }
0x2f: {  	lr =	sadd.s32 s0, s3;
	s0 =	sld [smem:$0x3F98]  }
0x30: {  	s3 =	sld [smem:$0x3F9B]  }
0x31: {  	[smem:$0x3FA4] =	sst s10  }
0x32: {  	s10 =	sld [smem:$0x3FA2];
	_ =	sdelay $0x3  }
0x33: {  	p0 =	seq.s32 s10, $0x1;
	s10 =	sld [smem:$0x3FA4];
	_ =	sdelay $0x3  }
0x34: {  	[smem:$0x3FA4] =	sst s10  }
0x35: {  	s10 =	sld [smem:$0x3FA3];
	_ =	sdelay $0x3  }
0x36: {  	p1 =	seq.s32 s10, $0x1;
	s10 =	sld [smem:$0x3FA4];
	_ =	sdelay $0x3  }
0x37: {  	[smem:$0x3FA4] =	sst s10  }
0x38: {  	s10 =	sld [smem:$0x3FA5]  }
0x39: {  	_ = 	snop;
	(pc) =	sbr.ind lr, $3  }
0x3a: {  	_ = 	snop  }
0x3b: {  	_ = 	snop  }
0x3c: {  	p2 =	seq.s32 s10, $0x1;
	s10 =	sld [smem:$0x3FA4]  }
0x3d: {  	_ =	shalt  }
0x3e: {  	_ =	shalt  }
0x3f: {  	_ =	shalt  }
0x40: {  	_ =	shalt  }
0x41: {  	_ =	shalt  }
0x42: {  	_ =	shalt  }
0x43: {  	_ =	shalt  }
0x44: {  	_ =	shalt  }
0x45: {  	_ =	shalt  }
0x46: {  	_ =	shalt  }
0x47: {  	_ =	shalt  }
0x48: {  	_ =	shalt  }
0x49: {  	_ =	shalt  }
0x4a: {  	_ =	shalt  }
0x4b: {  	_ =	shalt  }
0x4c: {  	_ =	shalt  }
0x4d: {  	_ =	shalt  }
0x4e: {  	_ =	shalt  }
0x4f: {  	_ =	shalt  }
0x50: {  	_ =	shalt  }
0x51: {  	_ =	shalt  }
0x52: {  	_ =	shalt  }
0x53: {  	_ =	shalt  }
0x54: {  	_ =	shalt  }
0x55: {  	_ =	shalt  }
0x56: {  	_ =	shalt  }
0x57: {  	_ =	shalt  }
0x58: {  	_ =	shalt  }
0x59: {  	_ =	shalt  }
0x5a: {  	_ =	shalt  }
0x5b: {  	_ =	shalt  }
0x5c: {  	_ =	shalt  }
0x5d: {  	_ =	shalt  }
0x5e: {  	_ =	shalt  }
0x5f: {  	_ =	shalt  }
0x60: {  	_ =	shalt  }
0x61: {  	_ =	shalt  }
0x62: {  	_ =	shalt  }
0x63: {  	_ =	shalt  }
0x64: {  	_ =	shalt  }
0x65: {  	_ =	shalt  }
0x66: {  	_ =	shalt  }
0x67: {  	_ =	shalt  }
0x68: {  	_ =	shalt  }
0x69: {  	_ =	shalt  }
0x6a: {  	_ =	shalt  }
0x6b: {  	_ =	shalt  }
0x6c: {  	_ =	shalt  }
0x6d: {  	_ =	shalt  }
0x6e: {  	_ =	shalt  }
0x6f: {  	_ =	shalt  }
0x70: {  	_ =	shalt  }
0x71: {  	_ =	shalt  }
0x72: {  	_ =	shalt  }
0x73: {  	_ =	shalt  }
0x74: {  	_ =	shalt  }
0x75: {  	_ =	shalt  }
0x76: {  	_ =	shalt  }
0x77: {  	_ =	shalt  }
0x78: {  	_ =	shalt  }
0x79: {  	_ =	shalt  }
0x7a: {  	_ =	shalt  }
0x7b: {  	_ =	shalt  }
0x7c: {  	_ =	shalt  }
0x7d: {  	_ =	shalt  }
0x7e: {  	_ =	shalt  }
0x7f: {  	_ =	shalt  }
0x80: {  	_ =	shalt  }
0x81: {  	_ =	shalt  }
0x82: {  	_ =	shalt  }
0x83: {  	_ =	shalt  }
0x84: {  	_ =	shalt  }
0x85: {  	_ =	shalt  }
0x86: {  	_ =	shalt  }
0x87: {  	_ =	shalt  }
.Lfunc_end0:
.L_simem_size_0:
called_computation_lowered:
.L_overlay_start_0:
0x88: {  	s2 =	sld [smem:$0x3FD9]  }
0x89: {  	s3 =	sld [smem:$0x3FFE];
	_ =	sdelay $0x1  }
0x8a: {  	s1 =	srdreg.scid  }
0x8b: {  	s0 =	sand.u32 $0x1, s1  }
0x8c: {  	s16 =	sshll.u32 s0, $0xA;
	s2 =	sadd.s32 s3, s2  }
0x8d: {  	s2 =	sadd.s32 s2, s16  }
0x8e: {  	[smem:$0x3FB0] =	sst s2  }
0x8f: {  	_ = 	snop  }
0x90: {  	(tm) =	ssettm $0x1  }
0x91: {  	s17 =	sld [smem:$0x3FFB];
	_ =	sdelay $0x3  }
0x92: {  	_ =	strace s17  }
0x93: {  	s2 =	sld [smem:$0x3FFC];
	_ =	sdelay $0x3  }
0x94: {  	_ =	strace s2  }
0x95: {  	s2 =	sld [smem:$0x3FFD];
	_ =	sdelay $0x3  }
0x96: {  	_ =	strace s2  }
0x97: {  	_ =	strace $0x8FFFFFFF  }
0x98: {  	s18 =	sld [smem:$0x3FDB];
	_ =	sdelay $0x1  }
0x99: {  	s19 =	simm.s32 $_scs_section_size  }
0x9a: {  	s4 =	simm.s32 $_size__tile_overlayer_lowered;
	s5 =	simm.s32 $_tile_overlayer_lowered  }
0x9b: {  	s22 =	simm.s32 $0x1BFF;
	s21 =	sshll.u32 s5, $0x1;
	s2 =	sadd.s32 s19, s18  }
0x9c: {  	s6 =	simm.s32 $0x0;
	s20 =	sshll.u32 s4, $0x1;
	s4 =	sadd.s32 s21, s2  }
0x9d: {  	[timem:s6], [sflag:s22] =	dma.local [hbm:s4], s20  }
0x9e: {  	_ =	swait.ge [sflag:s22], s20  }
0x9f: {  	s3 =	ssub.s32 $0x0, s20;
	[sflag:s22] =	ssyncset.done $0x0  }
0xa0: {  	[sflag:s22] =	ssyncadd.s32 s3;
	_ =	sdelay $0x1  }
0xa1: {  	s23 =	simm.s32 $0x1B8B  }
0xa2: {  	_ =	swait.ge [sflag:s23], $0x1  }
0xa3: {  	[sflag:s23] =	ssyncset.done $0x0  }
0xa4: {  	s25 =	simm.s32 $0x1B8E;
	s24 =	sld [smem:$0x3FFE];
	[sflag:s23] =	ssyncadd.s32 $0xFFFFFFFF  }
0xa5: {  	s26 =	simm.s32 $execute0_lowered;
	[smem:$0x3FD2] =	sst s25  }
0xa6: {  	s4 =	sshll.u32 s26, $0x1;
	_ =	strace $0x80000046;
	[dreg:$0x1] =	wrdreg $0xFFFFFFFF  }
0xa7: {  	s28 =	simm.s32 $_size_execute0_lowered;
	s2 =	sadd.s32 s2, s4;
	[dreg:$0x0] =	wrdreg $0x0  }
0xa8: {  	s4 =	sshll.u32 s28, $0x1;
	[dreg:$0x2] =	wrdreg s2  }
0xa9: {  	[dreg:$0x3] =	wrdreg s4  }
0xaa: {  	[dreg:$0x4] =	wrdreg $0xC0  }
0xab: {  	_ =	task [dreg:s6], $0x5FFFF  }
0xac: {  	[dreg:$0x1] =	wrdreg $0xFFFFFFFF  }
0xad: {  	[dreg:$0x0] =	wrdreg $0x60  }
0xae: {  	[dreg:$0x2] =	wrdreg s24  }
0xaf: {  	[dreg:$0x3] =	wrdreg $0x9  }
0xb0: {  	_ =	task.clear_ibuf [dreg:s6], $0x4FFFF;
	_ =	strace $0x90000046  }
0xb1: {  	s29 =	simm.s32 $0x9;
	_ =	strace $0x80000048  }
0xb2: {  	_ =	swait.ge [sflag:s29], $0x1  }
0xb3: {  	[sflag:s29] =	ssyncadd.s32 $0xFFFFFFFF  }
0xb4: {  	_ =	strace $0x90000048  }
0xb5: {  	_ =	sfence  }
0xb6: {  	s30 =	sld [smem:$0x0];
	_ =	sdelay $0x2  }
0xb7: {  	s31 =	sshll.u32 s1, $0xD;
	s1 =	sshrl.u32 s1, $0x2  }
0xb8: {  	s3 =	sand.u32 $0x4000, s31;
	s1 =	sadd.s32 s1, s30  }
0xb9: {  	s0 =	sor.u32 s3, s0;
	s1 =	sshll.u32 s1, $0x11  }
0xba: {  	s0 =	sor.u32 s1, s0  }
0xbb: {  	s0 =	sadd.s32 $0x8F2B, s0  }
0xbc: {  	[sflag:s0] =	ssyncadd.remote.s32 $0x1  }
0xbd: {  	_ =	sfence.sel $0xFFFF  }
0xbe: {  	[dreg:$0x0] =	wrdreg $0xFFFFFFFF;
	(pc) =	sbr.abs _section_cstart, $3  }
0xbf: {  	[dreg:$0x1] =	wrdreg $0xFFFFFFFF  }
0xc0: {  	_ =	task.clear_ibuf [dreg:s6], $0x2FFFF;
	_ =	strace $0x9FFFFFFF  }
0xc1: {  	(tm) =	ssettm $0x7FFFFFFF  }
tec
execute0_lowered:
.L_overlay_start_1:
0x0: {  	(tag) =	ssettag $0x1  }
0x1: {  	s3 =	rddreg [dreg:$0x0]  }
0x2: {  	s0 =	rddreg [dreg:$0x1];
	s2 =	simm.s32 $0x0;
	s1 =	stileid.u32  }
0x3: {  	s4 =	srdreg.scid;
	s10 =	simm.s32 $0x1;
	s11 =	simm.s32 $0x0  }
0x4: {  	[smem:$0x7FF] =	sst s2;
	s5 =	sshll.u32 s1, $0x10;
	s6 =	sshll.u32 s1, $0xB  }
0x5: {  	s4 =	sand.u32 $0x1, s4;
	_ =	strace $0x80000047;
	s7 =	sadd.s32 s5, s3  }
0x6: {  	s28 =	sadd.s32 s6, s3;
	s29 =	ssub.s32 $0x2, s4;
	s3 =	sadd.s32 $0x21B800, s3  }
0x7: {  	s9 =	sshll.u32 s4, $0x6;
	s30 =	sshll.u32 s4, $0xF;
	s8 =	sshrl.u32 s29, $0x1  }
0x8: {  	s5 =	sadd.s32 s9, s28;
	s31 =	sadd.s32 s30, s7;
	s7 =	simm.s32 $0x2  }
0x9: {  	s9 =	simm.s32 $0x80;
	s6 =	ssub.s32 s29, s8;
	s5 =	sadd.s32 $0x213800, s5  }
0xa: {  	s8 =	simm.s32 $0x4000;
	s4 =	smax.u32 s6, $0x1;
	s6 =	sadd.s32 $0x10B800, s31  }
.LBB2_1:
0xb: {  	[tilespmem:s2], [sflag:$0x2] =	stream.linear.gather [hbm4b:s6+s2], $0x4000, $0x38;
	[tilespmem:$0x4080] =	vst v63  }
0xc: {  	_ =	swait.ge [sflag:s7], $0x4000  }
0xd: {  	[sflag:s7] =	ssyncset.done $0x0  }
0xe: {  	s12 =	sadd.s32 $0x0, s5;
	[sflag:s7] =	ssyncadd.s32 $0xFFFFC000  }
0xf: {  	[tilespmem:s8], [sflag:$0x2] =	stream.linear.gather [hbm4b:s12+s2], $0x80, $0x38;
	[tilespmem:$0x4080] =	vst v63  }
0x10: {  	_ =	swait.ge [sflag:s7], $0x80  }
0x11: {  	[sflag:s7] =	ssyncset.done $0x0  }
0x12: {  	[sflag:s7] =	ssyncadd.s32 $0xFFFFFF80  }
0x13: {  	[hbm4b:s3+s9] =	stream.indirect.scatter [tilespmem:s2], [sflag:$0x1], $0x80, s8, s9, $0xb8;
	[tilespmem:$0x4080] =	vst v63  }
0x14: {  	_ =	swait.ge [sflag:s10], $0x4000  }
0x15: {  	[sflag:s10] =	ssyncset.done $0x0  }
0x16: {  	s13 =	sadd.s32 $0x10, s12;
	[sflag:s10] =	ssyncadd.s32 $0xFFFFC000  }
0x17: {  	[tilespmem:s8], [sflag:$0x2] =	stream.linear.gather [hbm4b:s13+s2], $0x80, $0x38;
	[tilespmem:$0x4080] =	vst v63  }
0x18: {  	_ =	swait.ge [sflag:s7], $0x80  }
0x19: {  	[sflag:s7] =	ssyncset.done $0x0  }
0x1a: {  	[sflag:s7] =	ssyncadd.s32 $0xFFFFFF80  }
0x1b: {  	[hbm4b:s3+s9] =	stream.indirect.scatter [tilespmem:s2], [sflag:$0x1], $0x80, s8, s9, $0xb8;
	[tilespmem:$0x4080] =	vst v63  }
0x1c: {  	_ =	swait.ge [sflag:s10], $0x4000  }
0x1d: {  	[sflag:s10] =	ssyncset.done $0x0  }
0x1e: {  	s31 =	sadd.s32 $0x20, s12;
	[sflag:s10] =	ssyncadd.s32 $0xFFFFC000  }
0x1f: {  	[tilespmem:s8], [sflag:$0x2] =	stream.linear.gather [hbm4b:s31+s2], $0x80, $0x38;
	[tilespmem:$0x4080] =	vst v63  }
0x20: {  	_ =	swait.ge [sflag:s7], $0x80  }
0x21: {  	[sflag:s7] =	ssyncset.done $0x0  }
0x22: {  	[sflag:s7] =	ssyncadd.s32 $0xFFFFFF80  }
0x23: {  	[hbm4b:s3+s9] =	stream.indirect.scatter [tilespmem:s2], [sflag:$0x1], $0x80, s8, s9, $0xb8;
	[tilespmem:$0x4080] =	vst v63  }
0x24: {  	_ =	swait.ge [sflag:s10], $0x4000  }
0x25: {  	[sflag:s10] =	ssyncset.done $0x0  }
0x26: {  	s12 =	sadd.s32 $0x30, s12;
	[sflag:s10] =	ssyncadd.s32 $0xFFFFC000  }
0x27: {  	[tilespmem:s8], [sflag:$0x2] =	stream.linear.gather [hbm4b:s12+s2], $0x80, $0x38;
	[tilespmem:$0x4080] =	vst v63  }
0x28: {  	_ =	swait.ge [sflag:s7], $0x80  }
0x29: {  	[sflag:s7] =	ssyncset.done $0x0  }
0x2a: {  	[sflag:s7] =	ssyncadd.s32 $0xFFFFFF80  }
0x2b: {  	[hbm4b:s3+s9] =	stream.indirect.scatter [tilespmem:s2], [sflag:$0x1], $0x80, s8, s9, $0xb8;
	[tilespmem:$0x4080] =	vst v63  }
0x2c: {  	_ =	swait.ge [sflag:s10], $0x4000  }
0x2d: {  	s13 =	smov.u32 s6;
	s12 =	simm.s32 $0x80;
	[sflag:s10] =	ssyncset.done $0x0  }
.LBB2_2:
0x2e: {  	p0 =	sne.s32 s12, $0x780;
	[sflag:s10] =	ssyncadd.s32 $0xFFFFC000;
	s13 =	sadd.s32 $0x800, s13  }
0x2f: {  	[tilespmem:s2], [sflag:$0x2] =	stream.linear.gather [hbm4b:s13+s2], $0x4000, $0x38;
	[tilespmem:$0x4080] =	vst v63  }
0x30: {  	s14 =	smov.u32 s12;
	s12 =	sadd.s32 $0x80, s12;
	_ =	swait.ge [sflag:s7], $0x4000  }
0x31: {  	[sflag:s7] =	ssyncset.done $0x0  }
0x32: {  	s14 =	sadd.s32 s14, s5;
	[sflag:s7] =	ssyncadd.s32 $0xFFFFC000  }
0x33: {  	[tilespmem:s8], [sflag:$0x2] =	stream.linear.gather [hbm4b:s14+s2], $0x80, $0x38;
	[tilespmem:$0x4080] =	vst v63  }
0x34: {  	_ =	swait.ge [sflag:s7], $0x80  }
0x35: {  	[sflag:s7] =	ssyncset.done $0x0  }
0x36: {  	[sflag:s7] =	ssyncadd.s32 $0xFFFFFF80  }
0x37: {  	[hbm4b:s3+s9] =	stream.indirect.scatter [tilespmem:s2], [sflag:$0x1], $0x80, s8, s9, $0xb8;
	[tilespmem:$0x4080] =	vst v63  }
0x38: {  	_ =	swait.ge [sflag:s10], $0x4000  }
0x39: {  	[sflag:s10] =	ssyncset.done $0x0  }
0x3a: {  	s15 =	sadd.s32 $0x10, s14;
	[sflag:s10] =	ssyncadd.s32 $0xFFFFC000  }
0x3b: {  	[tilespmem:s8], [sflag:$0x2] =	stream.linear.gather [hbm4b:s15+s2], $0x80, $0x38;
	[tilespmem:$0x4080] =	vst v63  }
0x3c: {  	_ =	swait.ge [sflag:s7], $0x80  }
0x3d: {  	[sflag:s7] =	ssyncset.done $0x0  }
0x3e: {  	[sflag:s7] =	ssyncadd.s32 $0xFFFFFF80  }
0x3f: {  	[hbm4b:s3+s9] =	stream.indirect.scatter [tilespmem:s2], [sflag:$0x1], $0x80, s8, s9, $0xb8;
	[tilespmem:$0x4080] =	vst v63  }
0x40: {  	_ =	swait.ge [sflag:s10], $0x4000  }
0x41: {  	[sflag:s10] =	ssyncset.done $0x0  }
0x42: {  	s15 =	sadd.s32 $0x20, s14;
	[sflag:s10] =	ssyncadd.s32 $0xFFFFC000  }
0x43: {  	[tilespmem:s8], [sflag:$0x2] =	stream.linear.gather [hbm4b:s15+s2], $0x80, $0x38;
	[tilespmem:$0x4080] =	vst v63  }
0x44: {  	_ =	swait.ge [sflag:s7], $0x80  }
0x45: {  	[sflag:s7] =	ssyncset.done $0x0  }
0x46: {  	[sflag:s7] =	ssyncadd.s32 $0xFFFFFF80  }
0x47: {  	[hbm4b:s3+s9] =	stream.indirect.scatter [tilespmem:s2], [sflag:$0x1], $0x80, s8, s9, $0xb8;
	[tilespmem:$0x4080] =	vst v63  }
0x48: {  	_ =	swait.ge [sflag:s10], $0x4000  }
0x49: {  	[sflag:s10] =	ssyncset.done $0x0  }
0x4a: {  	s14 =	sadd.s32 $0x30, s14;
	[sflag:s10] =	ssyncadd.s32 $0xFFFFC000  }
0x4b: {  	[tilespmem:s8], [sflag:$0x2] =	stream.linear.gather [hbm4b:s14+s2], $0x80, $0x38;
	[tilespmem:$0x4080] =	vst v63  }
0x4c: {  	_ =	swait.ge [sflag:s7], $0x80  }
.Ltmp0:
0x4d: {  	[sflag:s7] =	ssyncset.done $0x0;
	(pc) =	sbr.rel @p0 .LBB2_2-.Ltmp0, $4  }
0x4e: {  	[sflag:s7] =	ssyncadd.s32 $0xFFFFFF80  }
0x4f: {  	[hbm4b:s3+s9] =	stream.indirect.scatter [tilespmem:s2], [sflag:$0x1], $0x80, s8, s9, $0xb8;
	[tilespmem:$0x4080] =	vst v63  }
0x50: {  	_ =	swait.ge [sflag:s10], $0x4000  }
0x51: {  	[sflag:s10] =	ssyncset.done $0x0  }
0x52: {  	s11 =	sadd.s32 $0x1, s11  }
0x53: {  	p0 =	sne.s32 s11, s4  }
.Ltmp1:
0x54: {  	_ = 	snop;
	(pc) =	sbr.rel @p0 .LBB2_1-.Ltmp1, $2  }
0x55: {  	_ =	sdelay $0x2  }
0x56: {  	[sflag:s10] =	ssyncadd.s32 $0xFFFFC000  }
0x57: {  	_ =	sfence.sel $0x180000  }
0x58: {  	[bflag:$0x0] =	sbarrier.arrive $0xFFFF  }
0x59: {  	p0 =	sne.s32 s1, $0x0;
	_ =	strace $0x90000047  }
0x5a: {  	s0 =	sadd.s32 @!p0 $0x100000, s0;
	[bflag:$0x2] =	sbarrier.arrive $0xFFFF  }
0x5b: {  	[sflag:s0] =	ssyncadd.tile.s32 @!p0 $0x1;
	_ =	shalt  }
.Lfunc_end2:
_tile_overlayer_lowered:
.L_overlay_start_2:
0x5c: {  	(tag) =	ssettag $0x2  }
0x5d: {  	s0 =	rddreg [dreg:$0x0];
	s2 =	stileid.u32  }
0x5e: {  	s1 =	rddreg [dreg:$0x1];
	p0 =	sne.s32 s2, $0x0  }
0x5f: {  	s3 =	rddreg [dreg:$0x2];
	[bflag:$0x3] =	sbarrier.arrive $0xFFFF;
	s2 =	simm.s32 @!p0 $0x1C02  }
0x60: {  	[timem:s3], [sflag:s2] =	dma.local @!p0 [hbm:s0], s1  }
0x61: {  	s0 =	simm.s32 @!p0 $0x2  }
0x62: {  	_ =	swait.ge @!p0 [sflag:s0], s1  }
0x63: {  	s1 =	ssub.s32 @!p0 $0x0, s1;
	[sflag:s0] =	ssyncset.done @!p0 $0x0  }
0x64: {  	[sflag:s0] =	ssyncadd.s32 @!p0 s1  }
0x65: {  	[bflag:$0x3] =	sbarrier.arrive $0xFFFF  }
0x66: {  	_ =	shalt  }

// kernel: kernel.32.cloned.1.call-start
scs
__scs_entry_jumppad:
0x0: {  	(pc) =	sbr.rel $0x88, $3  }
0x1: {  	(tag) =	ssettag $0x0;
	lr =	simm.s32 $0x1  }
0x2: {  	[smem:$0x3F89] =	sst lr;
	_ =	strace $0xD0000000  }
0x3: {  	_ = 	snop  }
0x4: {  	_ = 	snop  }
0x5: {  	_ = 	snop  }
0x6: {  	_ = 	snop  }
0x7: {  	_ = 	snop  }
__scs_overlays_trampoline_lowered:
0x8: {  	[smem:$0x3F98] =	sst s0  }
0x9: {  	[smem:$0x3F99] =	sst s1  }
0xa: {  	[smem:$0x3F9A] =	sst s2  }
0xb: {  	[smem:$0x3F9B] =	sst s3  }
0xc: {  	[smem:$0x3F9C] =	sst s4  }
0xd: {  	[smem:$0x3F9D] =	sst s5  }
0xe: {  	[smem:$0x3F9E] =	sst s6  }
0xf: {  	[smem:$0x3F9F] =	sst s7  }
0x10: {  	[smem:$0x3FA0] =	sst s8  }
0x11: {  	[smem:$0x3FA1] =	sst s9;
	s0 =	simm.s32 @!p0 $0x0  }
0x12: {  	s1 =	sld [smem:$0x3F87];
	s0 =	simm.s32 @p0 $0x1  }
0x13: {  	[smem:$0x3FA2] =	sst s0;
	s0 =	simm.s32 @!p1 $0x0  }
0x14: {  	s2 =	sld [smem:$0x3F86];
	s0 =	simm.s32 @p1 $0x1  }
0x15: {  	[smem:$0x3FA3] =	sst s0;
	s0 =	simm.s32 @!p2 $0x0  }
0x16: {  	s3 =	sld [smem:$0x3FDB];
	s0 =	simm.s32 @p2 $0x1  }
0x17: {  	s4 =	simm.s32 $0x1BF5;
	[smem:$0x3FA5] =	sst s0  }
0x18: {  	s0 =	sld [smem:$0x3F88];
	_ =	swait.ge [sflag:s4], $0x0  }
0x19: {  	s7 =	sld [smem:$0x3F89]  }
0x1a: {  	s8 =	sadd.s32 $0xFFFFE003, lr  }
0x1b: {  	s9 =	sadd.s32 $0xFFFFFEF7, lr;
	s5 =	simm.s32 $0xFFFFFFFF;
	p2 =	slt.u32 s8, $0xFFFFF086  }
0x1c: {  	p1 =	slt.u32 s9, $0xF7A;
	s5 =	simm.s32 @!p2 $0x0  }
0x1d: {  	s5 =	simm.s32 @p1 $0x1;
	p0 =	seq.s32 s7, s2  }
0x1e: {  	s7 =	smul.u32 @!p0 $0xF7A, s2;
	p2 =	seq.s32 @!p0 s5, $0x0  }
0x1f: {  	s9 =	smul.u32 $0xF7A, s1;
	s8 =	simm.s32 @!p0 $0x1BF5;
	p2 =	por !p2, p0  }
0x20: {  	[sflag:s8] =	ssyncset.s32 @!p0 $0xFFFFF086;
	s6 =	sadd.s32 @!p0 s3, s7;
	s7 =	simm.s32 @!p0 $0x108  }
0x21: {  	s3 =	sadd.s32 s3, s9;
	s6 =	sadd.s32 @!p0 $0x88, s6;
	s7 =	simm.s32 @p2 $0x1082  }
0x22: {  	[simem:s7], [sflag:s8] =	dma.local @!p0 [hbm:s6], $0xF7A  }
0x23: {  	s9 =	sor.u32 $0xD0000000, s2;
	s6 =	simm.s32 $0x108;
	_ =	swait.ge @!p0 [sflag:s8], $0x0  }
0x24: {  	s3 =	sadd.s32 $0x88, s3;
	s6 =	simm.s32 @!p1 $0x1082;
	[sflag:s4] =	ssyncset.s32 $0xFFFFF086  }
0x25: {  	[simem:s6], [sflag:s4] =	dma.local [hbm:s3], $0xF7A  }
0x26: {  	[smem:$0x3F89] =	sst s1;
	(tag) =	ssettag s2;
	_ =	strace s9  }
0x27: {  	s1 =	sld [smem:$0x3F99]  }
0x28: {  	s2 =	sld [smem:$0x3F9A]  }
0x29: {  	s4 =	sld [smem:$0x3F9C]  }
0x2a: {  	p0 =	seq.s32 s5, $0x0;
	s5 =	sld [smem:$0x3F9D]  }
0x2b: {  	s6 =	sld [smem:$0x3F9E]  }
0x2c: {  	s7 =	sld [smem:$0x3F9F]  }
0x2d: {  	s3 =	simm.s32 $0x108;
	s8 =	sld [smem:$0x3FA0]  }
0x2e: {  	s3 =	simm.s32 @!p0 $0x1082;
	s9 =	sld [smem:$0x3FA1]  }
0x2f: {  	lr =	sadd.s32 s0, s3;
	s0 =	sld [smem:$0x3F98]  }
0x30: {  	s3 =	sld [smem:$0x3F9B]  }
0x31: {  	[smem:$0x3FA4] =	sst s10  }
0x32: {  	s10 =	sld [smem:$0x3FA2];
	_ =	sdelay $0x3  }
0x33: {  	p0 =	seq.s32 s10, $0x1;
	s10 =	sld [smem:$0x3FA4];
	_ =	sdelay $0x3  }
0x34: {  	[smem:$0x3FA4] =	sst s10  }
0x35: {  	s10 =	sld [smem:$0x3FA3];
	_ =	sdelay $0x3  }
0x36: {  	p1 =	seq.s32 s10, $0x1;
	s10 =	sld [smem:$0x3FA4];
	_ =	sdelay $0x3  }
0x37: {  	[smem:$0x3FA4] =	sst s10  }
0x38: {  	s10 =	sld [smem:$0x3FA5]  }
0x39: {  	_ = 	snop;
	(pc) =	sbr.ind lr, $3  }
0x3a: {  	_ = 	snop  }
0x3b: {  	_ = 	snop  }
0x3c: {  	p2 =	seq.s32 s10, $0x1;
	s10 =	sld [smem:$0x3FA4]  }
0x3d: {  	_ =	shalt  }
0x3e: {  	_ =	shalt  }
0x3f: {  	_ =	shalt  }
0x40: {  	_ =	shalt  }
0x41: {  	_ =	shalt  }
0x42: {  	_ =	shalt  }
0x43: {  	_ =	shalt  }
0x44: {  	_ =	shalt  }
0x45: {  	_ =	shalt  }
0x46: {  	_ =	shalt  }
0x47: {  	_ =	shalt  }
0x48: {  	_ =	shalt  }
0x49: {  	_ =	shalt  }
0x4a: {  	_ =	shalt  }
0x4b: {  	_ =	shalt  }
0x4c: {  	_ =	shalt  }
0x4d: {  	_ =	shalt  }
0x4e: {  	_ =	shalt  }
0x4f: {  	_ =	shalt  }
0x50: {  	_ =	shalt  }
0x51: {  	_ =	shalt  }
0x52: {  	_ =	shalt  }
0x53: {  	_ =	shalt  }
0x54: {  	_ =	shalt  }
0x55: {  	_ =	shalt  }
0x56: {  	_ =	shalt  }
0x57: {  	_ =	shalt  }
0x58: {  	_ =	shalt  }
0x59: {  	_ =	shalt  }
0x5a: {  	_ =	shalt  }
0x5b: {  	_ =	shalt  }
0x5c: {  	_ =	shalt  }
0x5d: {  	_ =	shalt  }
0x5e: {  	_ =	shalt  }
0x5f: {  	_ =	shalt  }
0x60: {  	_ =	shalt  }
0x61: {  	_ =	shalt  }
0x62: {  	_ =	shalt  }
0x63: {  	_ =	shalt  }
0x64: {  	_ =	shalt  }
0x65: {  	_ =	shalt  }
0x66: {  	_ =	shalt  }
0x67: {  	_ =	shalt  }
0x68: {  	_ =	shalt  }
0x69: {  	_ =	shalt  }
0x6a: {  	_ =	shalt  }
0x6b: {  	_ =	shalt  }
0x6c: {  	_ =	shalt  }
0x6d: {  	_ =	shalt  }
0x6e: {  	_ =	shalt  }
0x6f: {  	_ =	shalt  }
0x70: {  	_ =	shalt  }
0x71: {  	_ =	shalt  }
0x72: {  	_ =	shalt  }
0x73: {  	_ =	shalt  }
0x74: {  	_ =	shalt  }
0x75: {  	_ =	shalt  }
0x76: {  	_ =	shalt  }
0x77: {  	_ =	shalt  }
0x78: {  	_ =	shalt  }
0x79: {  	_ =	shalt  }
0x7a: {  	_ =	shalt  }
0x7b: {  	_ =	shalt  }
0x7c: {  	_ =	shalt  }
0x7d: {  	_ =	shalt  }
0x7e: {  	_ =	shalt  }
0x7f: {  	_ =	shalt  }
0x80: {  	_ =	shalt  }
0x81: {  	_ =	shalt  }
0x82: {  	_ =	shalt  }
0x83: {  	_ =	shalt  }
0x84: {  	_ =	shalt  }
0x85: {  	_ =	shalt  }
0x86: {  	_ =	shalt  }
0x87: {  	_ =	shalt  }
.Lfunc_end0:
.L_simem_size_0:
called_computation.1_lowered:
.L_overlay_start_0:
0x88: {  	s2 =	sld [smem:$0x3FD9]  }
0x89: {  	s3 =	sld [smem:$0x3FFE];
	_ =	sdelay $0x1  }
0x8a: {  	s1 =	srdreg.scid  }
0x8b: {  	s0 =	sand.u32 $0x1, s1  }
0x8c: {  	s16 =	sshll.u32 s0, $0xA;
	s2 =	sadd.s32 s3, s2  }
0x8d: {  	s2 =	sadd.s32 s2, s16  }
0x8e: {  	[smem:$0x3FB0] =	sst s2  }
0x8f: {  	_ = 	snop  }
0x90: {  	(tm) =	ssettm $0x1  }
0x91: {  	s17 =	sld [smem:$0x3FFB];
	_ =	sdelay $0x3  }
0x92: {  	_ =	strace s17  }
0x93: {  	s2 =	sld [smem:$0x3FFC];
	_ =	sdelay $0x3  }
0x94: {  	_ =	strace s2  }
0x95: {  	s2 =	sld [smem:$0x3FFD];
	_ =	sdelay $0x3  }
0x96: {  	_ =	strace s2  }
0x97: {  	_ =	strace $0x8FFFFFFF  }
0x98: {  	s18 =	sld [smem:$0x3FDB];
	_ =	sdelay $0x1  }
0x99: {  	s19 =	simm.s32 $_scs_section_size  }
0x9a: {  	s4 =	simm.s32 $_size__tile_overlayer_lowered;
	s5 =	simm.s32 $_tile_overlayer_lowered  }
0x9b: {  	s22 =	simm.s32 $0x1BFF;
	s21 =	sshll.u32 s5, $0x1;
	s2 =	sadd.s32 s19, s18  }
0x9c: {  	s6 =	simm.s32 $0x0;
	s20 =	sshll.u32 s4, $0x1;
	s4 =	sadd.s32 s21, s2  }
0x9d: {  	[timem:s6], [sflag:s22] =	dma.local [hbm:s4], s20  }
0x9e: {  	_ =	swait.ge [sflag:s22], s20  }
0x9f: {  	s3 =	ssub.s32 $0x0, s20;
	[sflag:s22] =	ssyncset.done $0x0  }
0xa0: {  	[sflag:s22] =	ssyncadd.s32 s3;
	_ =	sdelay $0x1  }
0xa1: {  	s23 =	simm.s32 $0x1B8B  }
0xa2: {  	_ =	swait.ge [sflag:s23], $0x1  }
0xa3: {  	[sflag:s23] =	ssyncset.done $0x0  }
0xa4: {  	s25 =	simm.s32 $0x1B8E;
	s24 =	sld [smem:$0x3FFE];
	[sflag:s23] =	ssyncadd.s32 $0xFFFFFFFF  }
0xa5: {  	s26 =	simm.s32 $execute0_lowered;
	[smem:$0x3FD2] =	sst s25  }
0xa6: {  	s4 =	sshll.u32 s26, $0x1;
	_ =	strace $0x80000049;
	[dreg:$0x1] =	wrdreg $0xFFFFFFFF  }
0xa7: {  	s28 =	simm.s32 $_size_execute0_lowered;
	s2 =	sadd.s32 s2, s4;
	[dreg:$0x0] =	wrdreg $0x0  }
0xa8: {  	s4 =	sshll.u32 s28, $0x1;
	[dreg:$0x2] =	wrdreg s2  }
0xa9: {  	[dreg:$0x3] =	wrdreg s4  }
0xaa: {  	[dreg:$0x4] =	wrdreg $0xC0  }
0xab: {  	_ =	task [dreg:s6], $0x5FFFF  }
0xac: {  	[dreg:$0x1] =	wrdreg $0xFFFFFFFF  }
0xad: {  	[dreg:$0x0] =	wrdreg $0x60  }
0xae: {  	[dreg:$0x2] =	wrdreg s24  }
0xaf: {  	[dreg:$0x3] =	wrdreg $0x9  }
0xb0: {  	_ =	task.clear_ibuf [dreg:s6], $0x4FFFF;
	_ =	strace $0x90000049  }
0xb1: {  	s29 =	simm.s32 $0x9;
	_ =	strace $0x8000004B  }
0xb2: {  	_ =	swait.ge [sflag:s29], $0x1  }
0xb3: {  	[sflag:s29] =	ssyncadd.s32 $0xFFFFFFFF  }
0xb4: {  	_ =	strace $0x9000004B  }
0xb5: {  	_ =	sfence  }
0xb6: {  	s30 =	sld [smem:$0x0];
	_ =	sdelay $0x2  }
0xb7: {  	s31 =	sshll.u32 s1, $0xD;
	s1 =	sshrl.u32 s1, $0x2  }
0xb8: {  	s3 =	sand.u32 $0x4000, s31;
	s1 =	sadd.s32 s1, s30  }
0xb9: {  	s0 =	sor.u32 s3, s0;
	s1 =	sshll.u32 s1, $0x11  }
0xba: {  	s0 =	sor.u32 s1, s0  }
0xbb: {  	s0 =	sadd.s32 $0x8F2B, s0  }
0xbc: {  	[sflag:s0] =	ssyncadd.remote.s32 $0x1  }
0xbd: {  	_ =	sfence.sel $0xFFFF  }
0xbe: {  	[dreg:$0x0] =	wrdreg $0xFFFFFFFF;
	(pc) =	sbr.abs _section_cstart, $3  }
0xbf: {  	[dreg:$0x1] =	wrdreg $0xFFFFFFFF  }
0xc0: {  	_ =	task.clear_ibuf [dreg:s6], $0x2FFFF;
	_ =	strace $0x9FFFFFFF  }
0xc1: {  	(tm) =	ssettm $0x7FFFFFFF  }
tec
execute0_lowered:
.L_overlay_start_1:
0x0: {  	(tag) =	ssettag $0x1  }
0x1: {  	s4 =	rddreg [dreg:$0x0]  }
0x2: {  	s0 =	rddreg [dreg:$0x1]  }
0x3: {  	s2 =	simm.s32 $0x0;
	s5 =	srdreg.scid;
	s1 =	stileid.u32  }
0x4: {  	s12 =	simm.s32 $0x0;
	[smem:$0x7FF] =	sst s2;
	s6 =	sand.u32 $0x1, s5  }
0x5: {  	s3 =	sadd.s32 $0x61B800, s4;
	s7 =	sshll.u32 s1, $0xB;
	s9 =	sshll.u32 s1, $0x12  }
0x6: {  	s5 =	sshll.u32 s5, $0x6;
	_ =	strace $0x8000004A;
	s8 =	ssub.s32 $0x2, s6  }
0x7: {  	s7 =	sadd.s32 s7, s4;
	s9 =	sadd.s32 s9, s4;
	s29 =	sshll.u32 s6, $0x6  }
0x8: {  	s5 =	sor.u32 $0x20, s5;
	s11 =	sshll.u32 s6, $0x11;
	s10 =	sshrl.u32 s8, $0x1  }
0x9: {  	s7 =	sadd.s32 $0x213800, s7;
	s30 =	sand.u32 $0x60, s5;
	s31 =	sadd.s32 s11, s9  }
0xa: {  	s9 =	simm.s32 $0x2;
	s11 =	simm.s32 $0x1;
	s28 =	ssub.s32 s8, s10  }
0xb: {  	s5 =	sadd.s32 s29, s7;
	s6 =	sadd.s32 s30, s7;
	s7 =	sadd.s32 $0x233800, s31  }
0xc: {  	s8 =	simm.s32 $0x4000;
	s10 =	simm.s32 $0x80;
	s4 =	smax.u32 s28, $0x1  }
.LBB2_1:
0xd: {  	s13 =	sadd.s32 $0x0, s5  }
0xe: {  	[tilespmem:s8], [sflag:$0x2] =	stream.linear.gather [hbm4b:s13+s2], $0x80, $0x38;
	[tilespmem:$0x4080] =	vst v63  }
0xf: {  	_ =	swait.ge [sflag:s9], $0x80  }
0x10: {  	[sflag:s9] =	ssyncset.done $0x0  }
0x11: {  	[sflag:s9] =	ssyncadd.s32 $0xFFFFFF80  }
0x12: {  	[tilespmem:s2], [sflag:$0x1] =	stream.indirect.gather [hbm4b:s3+s10], $0x80, s8, s10, $0xb8;
	[tilespmem:$0x4080] =	vst v63  }
0x13: {  	_ =	swait.ge [sflag:s11], $0x4000  }
0x14: {  	[sflag:s11] =	ssyncset.done $0x0  }
0x15: {  	s14 =	sadd.s32 $0xFFFE8000, s7;
	[sflag:s11] =	ssyncadd.s32 $0xFFFFC000  }
0x16: {  	[hbm4b:s14+s2] =	stream.linear.scatter [tilespmem:s2], [sflag:$0x2], $0x4000, $0x38;
	[tilespmem:$0x4080] =	vst v63  }
0x17: {  	_ =	swait.ge [sflag:s9], $0x4000  }
0x18: {  	[sflag:s9] =	ssyncset.done $0x0  }
0x19: {  	s28 =	sadd.s32 $0x10, s13;
	[sflag:s9] =	ssyncadd.s32 $0xFFFFC000  }
0x1a: {  	[tilespmem:s8], [sflag:$0x2] =	stream.linear.gather [hbm4b:s28+s2], $0x80, $0x38;
	[tilespmem:$0x4080] =	vst v63  }
0x1b: {  	_ =	swait.ge [sflag:s9], $0x80  }
0x1c: {  	[sflag:s9] =	ssyncset.done $0x0  }
0x1d: {  	[sflag:s9] =	ssyncadd.s32 $0xFFFFFF80  }
0x1e: {  	[tilespmem:s2], [sflag:$0x1] =	stream.indirect.gather [hbm4b:s3+s10], $0x80, s8, s10, $0xb8;
	[tilespmem:$0x4080] =	vst v63  }
0x1f: {  	_ =	swait.ge [sflag:s11], $0x4000  }
0x20: {  	[sflag:s11] =	ssyncset.done $0x0  }
0x21: {  	s29 =	sadd.s32 $0xFFFF0000, s7;
	[sflag:s11] =	ssyncadd.s32 $0xFFFFC000  }
0x22: {  	[hbm4b:s29+s2] =	stream.linear.scatter [tilespmem:s2], [sflag:$0x2], $0x4000, $0x38;
	[tilespmem:$0x4080] =	vst v63  }
0x23: {  	_ =	swait.ge [sflag:s9], $0x4000  }
0x24: {  	[sflag:s9] =	ssyncset.done $0x0  }
0x25: {  	s30 =	sadd.s32 $0x0, s6;
	[sflag:s9] =	ssyncadd.s32 $0xFFFFC000  }
0x26: {  	[tilespmem:s8], [sflag:$0x2] =	stream.linear.gather [hbm4b:s30+s2], $0x80, $0x38;
	[tilespmem:$0x4080] =	vst v63  }
0x27: {  	_ =	swait.ge [sflag:s9], $0x80  }
0x28: {  	[sflag:s9] =	ssyncset.done $0x0  }
0x29: {  	[sflag:s9] =	ssyncadd.s32 $0xFFFFFF80  }
0x2a: {  	[tilespmem:s2], [sflag:$0x1] =	stream.indirect.gather [hbm4b:s3+s10], $0x80, s8, s10, $0xb8;
	[tilespmem:$0x4080] =	vst v63  }
0x2b: {  	_ =	swait.ge [sflag:s11], $0x4000  }
0x2c: {  	[sflag:s11] =	ssyncset.done $0x0  }
0x2d: {  	s31 =	sadd.s32 $0xFFFF8000, s7;
	[sflag:s11] =	ssyncadd.s32 $0xFFFFC000  }
0x2e: {  	[hbm4b:s31+s2] =	stream.linear.scatter [tilespmem:s2], [sflag:$0x2], $0x4000, $0x38;
	[tilespmem:$0x4080] =	vst v63  }
0x2f: {  	_ =	swait.ge [sflag:s9], $0x4000  }
0x30: {  	[sflag:s9] =	ssyncset.done $0x0  }
0x31: {  	s13 =	sadd.s32 $0x30, s13;
	[sflag:s9] =	ssyncadd.s32 $0xFFFFC000  }
0x32: {  	[tilespmem:s8], [sflag:$0x2] =	stream.linear.gather [hbm4b:s13+s2], $0x80, $0x38;
	[tilespmem:$0x4080] =	vst v63  }
0x33: {  	_ =	swait.ge [sflag:s9], $0x80  }
0x34: {  	[sflag:s9] =	ssyncset.done $0x0  }
0x35: {  	[sflag:s9] =	ssyncadd.s32 $0xFFFFFF80  }
0x36: {  	[tilespmem:s2], [sflag:$0x1] =	stream.indirect.gather [hbm4b:s3+s10], $0x80, s8, s10, $0xb8;
	[tilespmem:$0x4080] =	vst v63  }
0x37: {  	_ =	swait.ge [sflag:s11], $0x4000  }
0x38: {  	[sflag:s11] =	ssyncset.done $0x0  }
0x39: {  	[sflag:s11] =	ssyncadd.s32 $0xFFFFC000  }
0x3a: {  	[hbm4b:s7+s2] =	stream.linear.scatter [tilespmem:s2], [sflag:$0x2], $0x4000, $0x38;
	[tilespmem:$0x4080] =	vst v63  }
0x3b: {  	s17 =	simm.s32 $0x100;
	_ =	swait.ge [sflag:s9], $0x4000  }
0x3c: {  	s14 =	simm.s32 $0x80;
	s13 =	sadd.s32 $0x800, s7;
	[sflag:s9] =	ssyncset.done $0x0  }
.LBB2_2:
0x3d: {  	s16 =	sadd.s32 s14, s5  }
0x3e: {  	[sflag:s9] =	ssyncadd.s32 $0xFFFFC000;
	s18 =	smov.u32 s17;
	s15 =	sadd.s32 $0x80, s17  }
0x3f: {  	[tilespmem:s8], [sflag:$0x2] =	stream.linear.gather [hbm4b:s16+s2], $0x80, $0x38;
	[tilespmem:$0x4080] =	vst v63  }
0x40: {  	p0 =	sne.s32 s17, $0x780;
	_ =	swait.ge [sflag:s9], $0x80  }
0x41: {  	[sflag:s9] =	ssyncset.done $0x0  }
0x42: {  	[sflag:s9] =	ssyncadd.s32 $0xFFFFFF80  }
0x43: {  	[tilespmem:s2], [sflag:$0x1] =	stream.indirect.gather [hbm4b:s3+s10], $0x80, s8, s10, $0xb8;
	[tilespmem:$0x4080] =	vst v63  }
0x44: {  	_ =	swait.ge [sflag:s11], $0x4000  }
0x45: {  	[sflag:s11] =	ssyncset.done $0x0  }
0x46: {  	s17 =	sadd.s32 $0xFFFE8000, s13;
	[sflag:s11] =	ssyncadd.s32 $0xFFFFC000  }
0x47: {  	[hbm4b:s17+s2] =	stream.linear.scatter [tilespmem:s2], [sflag:$0x2], $0x4000, $0x38;
	[tilespmem:$0x4080] =	vst v63  }
0x48: {  	_ =	swait.ge [sflag:s9], $0x4000  }
0x49: {  	[sflag:s9] =	ssyncset.done $0x0  }
0x4a: {  	s17 =	sadd.s32 $0x10, s16;
	[sflag:s9] =	ssyncadd.s32 $0xFFFFC000  }
0x4b: {  	[tilespmem:s8], [sflag:$0x2] =	stream.linear.gather [hbm4b:s17+s2], $0x80, $0x38;
	[tilespmem:$0x4080] =	vst v63  }
0x4c: {  	_ =	swait.ge [sflag:s9], $0x80  }
0x4d: {  	[sflag:s9] =	ssyncset.done $0x0  }
0x4e: {  	[sflag:s9] =	ssyncadd.s32 $0xFFFFFF80  }
0x4f: {  	[tilespmem:s2], [sflag:$0x1] =	stream.indirect.gather [hbm4b:s3+s10], $0x80, s8, s10, $0xb8;
	[tilespmem:$0x4080] =	vst v63  }
0x50: {  	_ =	swait.ge [sflag:s11], $0x4000  }
0x51: {  	[sflag:s11] =	ssyncset.done $0x0  }
0x52: {  	s17 =	sadd.s32 $0xFFFF0000, s13;
	[sflag:s11] =	ssyncadd.s32 $0xFFFFC000  }
0x53: {  	[hbm4b:s17+s2] =	stream.linear.scatter [tilespmem:s2], [sflag:$0x2], $0x4000, $0x38;
	[tilespmem:$0x4080] =	vst v63  }
0x54: {  	_ =	swait.ge [sflag:s9], $0x4000  }
0x55: {  	[sflag:s9] =	ssyncset.done $0x0  }
0x56: {  	s17 =	sadd.s32 s14, s6;
	s14 =	smov.u32 s18;
	[sflag:s9] =	ssyncadd.s32 $0xFFFFC000  }
0x57: {  	[tilespmem:s8], [sflag:$0x2] =	stream.linear.gather [hbm4b:s17+s2], $0x80, $0x38;
	[tilespmem:$0x4080] =	vst v63  }
0x58: {  	_ =	swait.ge [sflag:s9], $0x80  }
0x59: {  	[sflag:s9] =	ssyncset.done $0x0  }
0x5a: {  	[sflag:s9] =	ssyncadd.s32 $0xFFFFFF80  }
0x5b: {  	[tilespmem:s2], [sflag:$0x1] =	stream.indirect.gather [hbm4b:s3+s10], $0x80, s8, s10, $0xb8;
	[tilespmem:$0x4080] =	vst v63  }
0x5c: {  	_ =	swait.ge [sflag:s11], $0x4000  }
0x5d: {  	[sflag:s11] =	ssyncset.done $0x0  }
0x5e: {  	s17 =	sadd.s32 $0xFFFF8000, s13;
	[sflag:s11] =	ssyncadd.s32 $0xFFFFC000  }
0x5f: {  	[hbm4b:s17+s2] =	stream.linear.scatter [tilespmem:s2], [sflag:$0x2], $0x4000, $0x38;
	[tilespmem:$0x4080] =	vst v63  }
0x60: {  	_ =	swait.ge [sflag:s9], $0x4000  }
0x61: {  	[sflag:s9] =	ssyncset.done $0x0  }
0x62: {  	s16 =	sadd.s32 $0x30, s16;
	[sflag:s9] =	ssyncadd.s32 $0xFFFFC000  }
0x63: {  	[tilespmem:s8], [sflag:$0x2] =	stream.linear.gather [hbm4b:s16+s2], $0x80, $0x38;
	[tilespmem:$0x4080] =	vst v63  }
0x64: {  	_ =	swait.ge [sflag:s9], $0x80  }
0x65: {  	[sflag:s9] =	ssyncset.done $0x0  }
0x66: {  	[sflag:s9] =	ssyncadd.s32 $0xFFFFFF80  }
0x67: {  	[tilespmem:s2], [sflag:$0x1] =	stream.indirect.gather [hbm4b:s3+s10], $0x80, s8, s10, $0xb8;
	[tilespmem:$0x4080] =	vst v63  }
0x68: {  	_ =	swait.ge [sflag:s11], $0x4000  }
.Ltmp0:
0x69: {  	[sflag:s11] =	ssyncset.done $0x0;
	(pc) =	sbr.rel @p0 .LBB2_2-.Ltmp0, $4  }
0x6a: {  	[sflag:s11] =	ssyncadd.s32 $0xFFFFC000  }
0x6b: {  	[hbm4b:s13+s2] =	stream.linear.scatter [tilespmem:s2], [sflag:$0x2], $0x4000, $0x38;
	[tilespmem:$0x4080] =	vst v63  }
0x6c: {  	_ =	swait.ge [sflag:s9], $0x4000  }
0x6d: {  	s17 =	smov.u32 s15;
	s13 =	sadd.s32 $0x800, s13;
	[sflag:s9] =	ssyncset.done $0x0  }
0x6e: {  	s15 =	sadd.s32 s14, s5;
	[sflag:s9] =	ssyncadd.s32 $0xFFFFC000  }
0x6f: {  	[tilespmem:s8], [sflag:$0x2] =	stream.linear.gather [hbm4b:s15+s2], $0x80, $0x38;
	[tilespmem:$0x4080] =	vst v63  }
0x70: {  	_ =	swait.ge [sflag:s9], $0x80  }
0x71: {  	[sflag:s9] =	ssyncset.done $0x0  }
0x72: {  	[sflag:s9] =	ssyncadd.s32 $0xFFFFFF80  }
0x73: {  	[tilespmem:s2], [sflag:$0x1] =	stream.indirect.gather [hbm4b:s3+s10], $0x80, s8, s10, $0xb8;
	[tilespmem:$0x4080] =	vst v63  }
0x74: {  	_ =	swait.ge [sflag:s11], $0x4000  }
0x75: {  	[sflag:s11] =	ssyncset.done $0x0  }
0x76: {  	s16 =	sadd.s32 $0xFFFE8000, s13;
	[sflag:s11] =	ssyncadd.s32 $0xFFFFC000  }
0x77: {  	[hbm4b:s16+s2] =	stream.linear.scatter [tilespmem:s2], [sflag:$0x2], $0x4000, $0x38;
	[tilespmem:$0x4080] =	vst v63  }
0x78: {  	_ =	swait.ge [sflag:s9], $0x4000  }
0x79: {  	[sflag:s9] =	ssyncset.done $0x0  }
0x7a: {  	s26 =	sadd.s32 $0x10, s15;
	[sflag:s9] =	ssyncadd.s32 $0xFFFFC000  }
0x7b: {  	[tilespmem:s8], [sflag:$0x2] =	stream.linear.gather [hbm4b:s26+s2], $0x80, $0x38;
	[tilespmem:$0x4080] =	vst v63  }
0x7c: {  	_ =	swait.ge [sflag:s9], $0x80  }
0x7d: {  	[sflag:s9] =	ssyncset.done $0x0  }
0x7e: {  	[sflag:s9] =	ssyncadd.s32 $0xFFFFFF80  }
0x7f: {  	[tilespmem:s2], [sflag:$0x1] =	stream.indirect.gather [hbm4b:s3+s10], $0x80, s8, s10, $0xb8;
	[tilespmem:$0x4080] =	vst v63  }
0x80: {  	_ =	swait.ge [sflag:s11], $0x4000  }
0x81: {  	[sflag:s11] =	ssyncset.done $0x0  }
0x82: {  	s28 =	sadd.s32 $0xFFFF0000, s13;
	[sflag:s11] =	ssyncadd.s32 $0xFFFFC000  }
0x83: {  	[hbm4b:s28+s2] =	stream.linear.scatter [tilespmem:s2], [sflag:$0x2], $0x4000, $0x38;
	[tilespmem:$0x4080] =	vst v63  }
0x84: {  	_ =	swait.ge [sflag:s9], $0x4000  }
0x85: {  	[sflag:s9] =	ssyncset.done $0x0  }
0x86: {  	s29 =	sadd.s32 s14, s6;
	[sflag:s9] =	ssyncadd.s32 $0xFFFFC000  }
0x87: {  	[tilespmem:s8], [sflag:$0x2] =	stream.linear.gather [hbm4b:s29+s2], $0x80, $0x38;
	[tilespmem:$0x4080] =	vst v63  }
0x88: {  	_ =	swait.ge [sflag:s9], $0x80  }
0x89: {  	[sflag:s9] =	ssyncset.done $0x0  }
0x8a: {  	[sflag:s9] =	ssyncadd.s32 $0xFFFFFF80  }
0x8b: {  	[tilespmem:s2], [sflag:$0x1] =	stream.indirect.gather [hbm4b:s3+s10], $0x80, s8, s10, $0xb8;
	[tilespmem:$0x4080] =	vst v63  }
0x8c: {  	_ =	swait.ge [sflag:s11], $0x4000  }
0x8d: {  	[sflag:s11] =	ssyncset.done $0x0  }
0x8e: {  	s30 =	sadd.s32 $0xFFFF8000, s13;
	[sflag:s11] =	ssyncadd.s32 $0xFFFFC000  }
0x8f: {  	[hbm4b:s30+s2] =	stream.linear.scatter [tilespmem:s2], [sflag:$0x2], $0x4000, $0x38;
	[tilespmem:$0x4080] =	vst v63  }
0x90: {  	_ =	swait.ge [sflag:s9], $0x4000  }
0x91: {  	[sflag:s9] =	ssyncset.done $0x0  }
0x92: {  	s31 =	sadd.s32 $0x30, s15;
	[sflag:s9] =	ssyncadd.s32 $0xFFFFC000  }
0x93: {  	[tilespmem:s8], [sflag:$0x2] =	stream.linear.gather [hbm4b:s31+s2], $0x80, $0x38;
	[tilespmem:$0x4080] =	vst v63  }
0x94: {  	_ =	swait.ge [sflag:s9], $0x80  }
0x95: {  	[sflag:s9] =	ssyncset.done $0x0  }
0x96: {  	[sflag:s9] =	ssyncadd.s32 $0xFFFFFF80  }
0x97: {  	[tilespmem:s2], [sflag:$0x1] =	stream.indirect.gather [hbm4b:s3+s10], $0x80, s8, s10, $0xb8;
	[tilespmem:$0x4080] =	vst v63  }
0x98: {  	s12 =	sadd.s32 $0x1, s12;
	_ =	swait.ge [sflag:s11], $0x4000  }
0x99: {  	p0 =	sne.s32 s12, s4;
	[sflag:s11] =	ssyncset.done $0x0  }
.Ltmp1:
0x9a: {  	[sflag:s11] =	ssyncadd.s32 $0xFFFFC000;
	(pc) =	sbr.rel @p0 .LBB2_1-.Ltmp1, $4  }
0x9b: {  	[hbm4b:s13+s2] =	stream.linear.scatter [tilespmem:s2], [sflag:$0x2], $0x4000, $0x38;
	[tilespmem:$0x4080] =	vst v63  }
0x9c: {  	_ =	swait.ge [sflag:s9], $0x4000  }
0x9d: {  	[sflag:s9] =	ssyncset.done $0x0  }
0x9e: {  	[sflag:s9] =	ssyncadd.s32 $0xFFFFC000  }
0x9f: {  	_ =	sfence.sel $0x180000  }
0xa0: {  	[bflag:$0x0] =	sbarrier.arrive $0xFFFF  }
0xa1: {  	p0 =	sne.s32 s1, $0x0;
	_ =	strace $0x9000004A  }
0xa2: {  	s0 =	sadd.s32 @!p0 $0x100000, s0;
	[bflag:$0x2] =	sbarrier.arrive $0xFFFF  }
0xa3: {  	[sflag:s0] =	ssyncadd.tile.s32 @!p0 $0x1;
	_ =	shalt  }
.Lfunc_end2:
_tile_overlayer_lowered:
.L_overlay_start_2:
0xa4: {  	(tag) =	ssettag $0x2  }
0xa5: {  	s0 =	rddreg [dreg:$0x0];
	s2 =	stileid.u32  }
0xa6: {  	s1 =	rddreg [dreg:$0x1];
	p0 =	sne.s32 s2, $0x0  }
0xa7: {  	s3 =	rddreg [dreg:$0x2];
	[bflag:$0x3] =	sbarrier.arrive $0xFFFF;
	s2 =	simm.s32 @!p0 $0x1C02  }
0xa8: {  	[timem:s3], [sflag:s2] =	dma.local @!p0 [hbm:s0], s1  }
0xa9: {  	s0 =	simm.s32 @!p0 $0x2  }
0xaa: {  	_ =	swait.ge @!p0 [sflag:s0], s1  }
0xab: {  	s1 =	ssub.s32 @!p0 $0x0, s1;
	[sflag:s0] =	ssyncset.done @!p0 $0x0  }
0xac: {  	[sflag:s0] =	ssyncadd.s32 @!p0 s1  }
0xad: {  	[bflag:$0x3] =	sbarrier.arrive $0xFFFF  }
0xae: {  	_ =	shalt  }

// kernel: kernel.35.cloned.1.call-start
scs
__scs_entry_jumppad:
0x0: {  	(pc) =	sbr.rel $0x88, $3  }
0x1: {  	(tag) =	ssettag $0x0;
	lr =	simm.s32 $0x1  }
0x2: {  	[smem:$0x3F89] =	sst lr;
	_ =	strace $0xD0000000  }
0x3: {  	_ = 	snop  }
0x4: {  	_ = 	snop  }
0x5: {  	_ = 	snop  }
0x6: {  	_ = 	snop  }
0x7: {  	_ = 	snop  }
__scs_overlays_trampoline_lowered:
0x8: {  	[smem:$0x3F98] =	sst s0  }
0x9: {  	[smem:$0x3F99] =	sst s1  }
0xa: {  	[smem:$0x3F9A] =	sst s2  }
0xb: {  	[smem:$0x3F9B] =	sst s3  }
0xc: {  	[smem:$0x3F9C] =	sst s4  }
0xd: {  	[smem:$0x3F9D] =	sst s5  }
0xe: {  	[smem:$0x3F9E] =	sst s6  }
0xf: {  	[smem:$0x3F9F] =	sst s7  }
0x10: {  	[smem:$0x3FA0] =	sst s8  }
0x11: {  	[smem:$0x3FA1] =	sst s9;
	s0 =	simm.s32 @!p0 $0x0  }
0x12: {  	s1 =	sld [smem:$0x3F87];
	s0 =	simm.s32 @p0 $0x1  }
0x13: {  	[smem:$0x3FA2] =	sst s0;
	s0 =	simm.s32 @!p1 $0x0  }
0x14: {  	s2 =	sld [smem:$0x3F86];
	s0 =	simm.s32 @p1 $0x1  }
0x15: {  	[smem:$0x3FA3] =	sst s0;
	s0 =	simm.s32 @!p2 $0x0  }
0x16: {  	s3 =	sld [smem:$0x3FDB];
	s0 =	simm.s32 @p2 $0x1  }
0x17: {  	s4 =	simm.s32 $0x1BF5;
	[smem:$0x3FA5] =	sst s0  }
0x18: {  	s0 =	sld [smem:$0x3F88];
	_ =	swait.ge [sflag:s4], $0x0  }
0x19: {  	s7 =	sld [smem:$0x3F89]  }
0x1a: {  	s8 =	sadd.s32 $0xFFFFE003, lr  }
0x1b: {  	s9 =	sadd.s32 $0xFFFFFEF7, lr;
	s5 =	simm.s32 $0xFFFFFFFF;
	p2 =	slt.u32 s8, $0xFFFFF086  }
0x1c: {  	p1 =	slt.u32 s9, $0xF7A;
	s5 =	simm.s32 @!p2 $0x0  }
0x1d: {  	s5 =	simm.s32 @p1 $0x1;
	p0 =	seq.s32 s7, s2  }
0x1e: {  	s7 =	smul.u32 @!p0 $0xF7A, s2;
	p2 =	seq.s32 @!p0 s5, $0x0  }
0x1f: {  	s9 =	smul.u32 $0xF7A, s1;
	s8 =	simm.s32 @!p0 $0x1BF5;
	p2 =	por !p2, p0  }
0x20: {  	[sflag:s8] =	ssyncset.s32 @!p0 $0xFFFFF086;
	s6 =	sadd.s32 @!p0 s3, s7;
	s7 =	simm.s32 @!p0 $0x108  }
0x21: {  	s3 =	sadd.s32 s3, s9;
	s6 =	sadd.s32 @!p0 $0x88, s6;
	s7 =	simm.s32 @p2 $0x1082  }
0x22: {  	[simem:s7], [sflag:s8] =	dma.local @!p0 [hbm:s6], $0xF7A  }
0x23: {  	s9 =	sor.u32 $0xD0000000, s2;
	s6 =	simm.s32 $0x108;
	_ =	swait.ge @!p0 [sflag:s8], $0x0  }
0x24: {  	s3 =	sadd.s32 $0x88, s3;
	s6 =	simm.s32 @!p1 $0x1082;
	[sflag:s4] =	ssyncset.s32 $0xFFFFF086  }
0x25: {  	[simem:s6], [sflag:s4] =	dma.local [hbm:s3], $0xF7A  }
0x26: {  	[smem:$0x3F89] =	sst s1;
	(tag) =	ssettag s2;
	_ =	strace s9  }
0x27: {  	s1 =	sld [smem:$0x3F99]  }
0x28: {  	s2 =	sld [smem:$0x3F9A]  }
0x29: {  	s4 =	sld [smem:$0x3F9C]  }
0x2a: {  	p0 =	seq.s32 s5, $0x0;
	s5 =	sld [smem:$0x3F9D]  }
0x2b: {  	s6 =	sld [smem:$0x3F9E]  }
0x2c: {  	s7 =	sld [smem:$0x3F9F]  }
0x2d: {  	s3 =	simm.s32 $0x108;
	s8 =	sld [smem:$0x3FA0]  }
0x2e: {  	s3 =	simm.s32 @!p0 $0x1082;
	s9 =	sld [smem:$0x3FA1]  }
0x2f: {  	lr =	sadd.s32 s0, s3;
	s0 =	sld [smem:$0x3F98]  }
0x30: {  	s3 =	sld [smem:$0x3F9B]  }
0x31: {  	[smem:$0x3FA4] =	sst s10  }
0x32: {  	s10 =	sld [smem:$0x3FA2];
	_ =	sdelay $0x3  }
0x33: {  	p0 =	seq.s32 s10, $0x1;
	s10 =	sld [smem:$0x3FA4];
	_ =	sdelay $0x3  }
0x34: {  	[smem:$0x3FA4] =	sst s10  }
0x35: {  	s10 =	sld [smem:$0x3FA3];
	_ =	sdelay $0x3  }
0x36: {  	p1 =	seq.s32 s10, $0x1;
	s10 =	sld [smem:$0x3FA4];
	_ =	sdelay $0x3  }
0x37: {  	[smem:$0x3FA4] =	sst s10  }
0x38: {  	s10 =	sld [smem:$0x3FA5]  }
0x39: {  	_ = 	snop;
	(pc) =	sbr.ind lr, $3  }
0x3a: {  	_ = 	snop  }
0x3b: {  	_ = 	snop  }
0x3c: {  	p2 =	seq.s32 s10, $0x1;
	s10 =	sld [smem:$0x3FA4]  }
0x3d: {  	_ =	shalt  }
0x3e: {  	_ =	shalt  }
0x3f: {  	_ =	shalt  }
0x40: {  	_ =	shalt  }
0x41: {  	_ =	shalt  }
0x42: {  	_ =	shalt  }
0x43: {  	_ =	shalt  }
0x44: {  	_ =	shalt  }
0x45: {  	_ =	shalt  }
0x46: {  	_ =	shalt  }
0x47: {  	_ =	shalt  }
0x48: {  	_ =	shalt  }
0x49: {  	_ =	shalt  }
0x4a: {  	_ =	shalt  }
0x4b: {  	_ =	shalt  }
0x4c: {  	_ =	shalt  }
0x4d: {  	_ =	shalt  }
0x4e: {  	_ =	shalt  }
0x4f: {  	_ =	shalt  }
0x50: {  	_ =	shalt  }
0x51: {  	_ =	shalt  }
0x52: {  	_ =	shalt  }
0x53: {  	_ =	shalt  }
0x54: {  	_ =	shalt  }
0x55: {  	_ =	shalt  }
0x56: {  	_ =	shalt  }
0x57: {  	_ =	shalt  }
0x58: {  	_ =	shalt  }
0x59: {  	_ =	shalt  }
0x5a: {  	_ =	shalt  }
0x5b: {  	_ =	shalt  }
0x5c: {  	_ =	shalt  }
0x5d: {  	_ =	shalt  }
0x5e: {  	_ =	shalt  }
0x5f: {  	_ =	shalt  }
0x60: {  	_ =	shalt  }
0x61: {  	_ =	shalt  }
0x62: {  	_ =	shalt  }
0x63: {  	_ =	shalt  }
0x64: {  	_ =	shalt  }
0x65: {  	_ =	shalt  }
0x66: {  	_ =	shalt  }
0x67: {  	_ =	shalt  }
0x68: {  	_ =	shalt  }
0x69: {  	_ =	shalt  }
0x6a: {  	_ =	shalt  }
0x6b: {  	_ =	shalt  }
0x6c: {  	_ =	shalt  }
0x6d: {  	_ =	shalt  }
0x6e: {  	_ =	shalt  }
0x6f: {  	_ =	shalt  }
0x70: {  	_ =	shalt  }
0x71: {  	_ =	shalt  }
0x72: {  	_ =	shalt  }
0x73: {  	_ =	shalt  }
0x74: {  	_ =	shalt  }
0x75: {  	_ =	shalt  }
0x76: {  	_ =	shalt  }
0x77: {  	_ =	shalt  }
0x78: {  	_ =	shalt  }
0x79: {  	_ =	shalt  }
0x7a: {  	_ =	shalt  }
0x7b: {  	_ =	shalt  }
0x7c: {  	_ =	shalt  }
0x7d: {  	_ =	shalt  }
0x7e: {  	_ =	shalt  }
0x7f: {  	_ =	shalt  }
0x80: {  	_ =	shalt  }
0x81: {  	_ =	shalt  }
0x82: {  	_ =	shalt  }
0x83: {  	_ =	shalt  }
0x84: {  	_ =	shalt  }
0x85: {  	_ =	shalt  }
0x86: {  	_ =	shalt  }
0x87: {  	_ =	shalt  }
.Lfunc_end0:
.L_simem_size_0:
called_computation.2_lowered:
.L_overlay_start_0:
0x88: {  	s2 =	sld [smem:$0x3FD9]  }
0x89: {  	s3 =	sld [smem:$0x3FFE];
	_ =	sdelay $0x1  }
0x8a: {  	s1 =	srdreg.scid  }
0x8b: {  	s0 =	sand.u32 $0x1, s1  }
0x8c: {  	s16 =	sshll.u32 s0, $0xA;
	s2 =	sadd.s32 s3, s2  }
0x8d: {  	s2 =	sadd.s32 s2, s16  }
0x8e: {  	[smem:$0x3FB0] =	sst s2  }
0x8f: {  	_ = 	snop  }
0x90: {  	(tm) =	ssettm $0x1  }
0x91: {  	s17 =	sld [smem:$0x3FFB];
	_ =	sdelay $0x3  }
0x92: {  	_ =	strace s17  }
0x93: {  	s2 =	sld [smem:$0x3FFC];
	_ =	sdelay $0x3  }
0x94: {  	_ =	strace s2  }
0x95: {  	s2 =	sld [smem:$0x3FFD];
	_ =	sdelay $0x3  }
0x96: {  	_ =	strace s2  }
0x97: {  	_ =	strace $0x8FFFFFFF  }
0x98: {  	s18 =	sld [smem:$0x3FDB];
	_ =	sdelay $0x1  }
0x99: {  	s19 =	simm.s32 $_scs_section_size  }
0x9a: {  	s4 =	simm.s32 $_size__tile_overlayer_lowered;
	s5 =	simm.s32 $_tile_overlayer_lowered  }
0x9b: {  	s22 =	simm.s32 $0x1BFF;
	s21 =	sshll.u32 s5, $0x1;
	s2 =	sadd.s32 s19, s18  }
0x9c: {  	s6 =	simm.s32 $0x0;
	s20 =	sshll.u32 s4, $0x1;
	s4 =	sadd.s32 s21, s2  }
0x9d: {  	[timem:s6], [sflag:s22] =	dma.local [hbm:s4], s20  }
0x9e: {  	_ =	swait.ge [sflag:s22], s20  }
0x9f: {  	s3 =	ssub.s32 $0x0, s20;
	[sflag:s22] =	ssyncset.done $0x0  }
0xa0: {  	[sflag:s22] =	ssyncadd.s32 s3;
	_ =	sdelay $0x1  }
0xa1: {  	s23 =	simm.s32 $0x1B8B  }
0xa2: {  	_ =	swait.ge [sflag:s23], $0x1  }
0xa3: {  	[sflag:s23] =	ssyncset.done $0x0  }
0xa4: {  	s25 =	simm.s32 $0x1B8E;
	s24 =	sld [smem:$0x3FFE];
	[sflag:s23] =	ssyncadd.s32 $0xFFFFFFFF  }
0xa5: {  	s26 =	simm.s32 $execute0_lowered;
	[smem:$0x3FD2] =	sst s25  }
0xa6: {  	s4 =	sshll.u32 s26, $0x1;
	_ =	strace $0x8000004C;
	[dreg:$0x1] =	wrdreg $0xFFFFFFFF  }
0xa7: {  	s28 =	simm.s32 $_size_execute0_lowered;
	s2 =	sadd.s32 s2, s4;
	[dreg:$0x0] =	wrdreg $0x0  }
0xa8: {  	s4 =	sshll.u32 s28, $0x1;
	[dreg:$0x2] =	wrdreg s2  }
0xa9: {  	[dreg:$0x3] =	wrdreg s4  }
0xaa: {  	[dreg:$0x4] =	wrdreg $0xC0  }
0xab: {  	_ =	task [dreg:s6], $0x5FFFF  }
0xac: {  	[dreg:$0x1] =	wrdreg $0xFFFFFFFF  }
0xad: {  	[dreg:$0x0] =	wrdreg $0x60  }
0xae: {  	[dreg:$0x2] =	wrdreg s24  }
0xaf: {  	[dreg:$0x3] =	wrdreg $0x9  }
0xb0: {  	_ =	task.clear_ibuf [dreg:s6], $0x4FFFF;
	_ =	strace $0x9000004C  }
0xb1: {  	s29 =	simm.s32 $0x9;
	_ =	strace $0x8000004E  }
0xb2: {  	_ =	swait.ge [sflag:s29], $0x1  }
0xb3: {  	[sflag:s29] =	ssyncadd.s32 $0xFFFFFFFF  }
0xb4: {  	_ =	strace $0x9000004E  }
0xb5: {  	_ =	sfence  }
0xb6: {  	s30 =	sld [smem:$0x0];
	_ =	sdelay $0x2  }
0xb7: {  	s31 =	sshll.u32 s1, $0xD;
	s1 =	sshrl.u32 s1, $0x2  }
0xb8: {  	s3 =	sand.u32 $0x4000, s31;
	s1 =	sadd.s32 s1, s30  }
0xb9: {  	s0 =	sor.u32 s3, s0;
	s1 =	sshll.u32 s1, $0x11  }
0xba: {  	s0 =	sor.u32 s1, s0  }
0xbb: {  	s0 =	sadd.s32 $0x8F2B, s0  }
0xbc: {  	[sflag:s0] =	ssyncadd.remote.s32 $0x1  }
0xbd: {  	_ =	sfence.sel $0xFFFF  }
0xbe: {  	[dreg:$0x0] =	wrdreg $0xFFFFFFFF;
	(pc) =	sbr.abs _section_cstart, $3  }
0xbf: {  	[dreg:$0x1] =	wrdreg $0xFFFFFFFF  }
0xc0: {  	_ =	task.clear_ibuf [dreg:s6], $0x2FFFF;
	_ =	strace $0x9FFFFFFF  }
0xc1: {  	(tm) =	ssettm $0x7FFFFFFF  }
tec
execute0_lowered:
.L_overlay_start_1:
0x0: {  	(tag) =	ssettag $0x1  }
0x1: {  	s3 =	rddreg [dreg:$0x0]  }
0x2: {  	s0 =	rddreg [dreg:$0x1];
	s2 =	simm.s32 $0x0;
	s1 =	stileid.u32  }
0x3: {  	s4 =	srdreg.scid;
	s10 =	simm.s32 $0x1;
	s11 =	simm.s32 $0x0  }
0x4: {  	[smem:$0x7FF] =	sst s2;
	s5 =	sshll.u32 s1, $0x10;
	s6 =	sshll.u32 s1, $0xB  }
0x5: {  	s4 =	sand.u32 $0x1, s4;
	_ =	strace $0x8000004D;
	s7 =	sadd.s32 s5, s3  }
0x6: {  	s28 =	sadd.s32 s6, s3;
	s29 =	ssub.s32 $0x2, s4;
	s3 =	sadd.s32 $0x393800, s3  }
0x7: {  	s9 =	sshll.u32 s4, $0x6;
	s30 =	sshll.u32 s4, $0xF;
	s8 =	sshrl.u32 s29, $0x1  }
0x8: {  	s5 =	sadd.s32 s9, s28;
	s31 =	sadd.s32 s30, s7;
	s7 =	simm.s32 $0x2  }
0x9: {  	s9 =	simm.s32 $0x80;
	s6 =	ssub.s32 s29, s8;
	s5 =	sadd.s32 $0x10BC00, s5  }
0xa: {  	s8 =	simm.s32 $0x4000;
	s4 =	smax.u32 s6, $0x1;
	s6 =	sadd.s32 $0x213800, s31  }
.LBB2_1:
0xb: {  	[tilespmem:s2], [sflag:$0x2] =	stream.linear.gather [hbm4b:s6+s2], $0x4000, $0x38;
	[tilespmem:$0x4080] =	vst v63  }
0xc: {  	_ =	swait.ge [sflag:s7], $0x4000  }
0xd: {  	[sflag:s7] =	ssyncset.done $0x0  }
0xe: {  	s12 =	sadd.s32 $0x0, s5;
	[sflag:s7] =	ssyncadd.s32 $0xFFFFC000  }
0xf: {  	[tilespmem:s8], [sflag:$0x2] =	stream.linear.gather [hbm4b:s12+s2], $0x80, $0x38;
	[tilespmem:$0x4080] =	vst v63  }
0x10: {  	_ =	swait.ge [sflag:s7], $0x80  }
0x11: {  	[sflag:s7] =	ssyncset.done $0x0  }
0x12: {  	[sflag:s7] =	ssyncadd.s32 $0xFFFFFF80  }
0x13: {  	[hbm4b:s3+s9] =	stream.indirect.scatter [tilespmem:s2], [sflag:$0x1], $0x80, s8, s9, $0xb8;
	[tilespmem:$0x4080] =	vst v63  }
0x14: {  	_ =	swait.ge [sflag:s10], $0x4000  }
0x15: {  	[sflag:s10] =	ssyncset.done $0x0  }
0x16: {  	s13 =	sadd.s32 $0x10, s12;
	[sflag:s10] =	ssyncadd.s32 $0xFFFFC000  }
0x17: {  	[tilespmem:s8], [sflag:$0x2] =	stream.linear.gather [hbm4b:s13+s2], $0x80, $0x38;
	[tilespmem:$0x4080] =	vst v63  }
0x18: {  	_ =	swait.ge [sflag:s7], $0x80  }
0x19: {  	[sflag:s7] =	ssyncset.done $0x0  }
0x1a: {  	[sflag:s7] =	ssyncadd.s32 $0xFFFFFF80  }
0x1b: {  	[hbm4b:s3+s9] =	stream.indirect.scatter [tilespmem:s2], [sflag:$0x1], $0x80, s8, s9, $0xb8;
	[tilespmem:$0x4080] =	vst v63  }
0x1c: {  	_ =	swait.ge [sflag:s10], $0x4000  }
0x1d: {  	[sflag:s10] =	ssyncset.done $0x0  }
0x1e: {  	s31 =	sadd.s32 $0x20, s12;
	[sflag:s10] =	ssyncadd.s32 $0xFFFFC000  }
0x1f: {  	[tilespmem:s8], [sflag:$0x2] =	stream.linear.gather [hbm4b:s31+s2], $0x80, $0x38;
	[tilespmem:$0x4080] =	vst v63  }
0x20: {  	_ =	swait.ge [sflag:s7], $0x80  }
0x21: {  	[sflag:s7] =	ssyncset.done $0x0  }
0x22: {  	[sflag:s7] =	ssyncadd.s32 $0xFFFFFF80  }
0x23: {  	[hbm4b:s3+s9] =	stream.indirect.scatter [tilespmem:s2], [sflag:$0x1], $0x80, s8, s9, $0xb8;
	[tilespmem:$0x4080] =	vst v63  }
0x24: {  	_ =	swait.ge [sflag:s10], $0x4000  }
0x25: {  	[sflag:s10] =	ssyncset.done $0x0  }
0x26: {  	s12 =	sadd.s32 $0x30, s12;
	[sflag:s10] =	ssyncadd.s32 $0xFFFFC000  }
0x27: {  	[tilespmem:s8], [sflag:$0x2] =	stream.linear.gather [hbm4b:s12+s2], $0x80, $0x38;
	[tilespmem:$0x4080] =	vst v63  }
0x28: {  	_ =	swait.ge [sflag:s7], $0x80  }
0x29: {  	[sflag:s7] =	ssyncset.done $0x0  }
0x2a: {  	[sflag:s7] =	ssyncadd.s32 $0xFFFFFF80  }
0x2b: {  	[hbm4b:s3+s9] =	stream.indirect.scatter [tilespmem:s2], [sflag:$0x1], $0x80, s8, s9, $0xb8;
	[tilespmem:$0x4080] =	vst v63  }
0x2c: {  	_ =	swait.ge [sflag:s10], $0x4000  }
0x2d: {  	s13 =	smov.u32 s6;
	s12 =	simm.s32 $0x80;
	[sflag:s10] =	ssyncset.done $0x0  }
.LBB2_2:
0x2e: {  	p0 =	sne.s32 s12, $0x780;
	[sflag:s10] =	ssyncadd.s32 $0xFFFFC000;
	s13 =	sadd.s32 $0x800, s13  }
0x2f: {  	[tilespmem:s2], [sflag:$0x2] =	stream.linear.gather [hbm4b:s13+s2], $0x4000, $0x38;
	[tilespmem:$0x4080] =	vst v63  }
0x30: {  	s14 =	smov.u32 s12;
	s12 =	sadd.s32 $0x80, s12;
	_ =	swait.ge [sflag:s7], $0x4000  }
0x31: {  	[sflag:s7] =	ssyncset.done $0x0  }
0x32: {  	s14 =	sadd.s32 s14, s5;
	[sflag:s7] =	ssyncadd.s32 $0xFFFFC000  }
0x33: {  	[tilespmem:s8], [sflag:$0x2] =	stream.linear.gather [hbm4b:s14+s2], $0x80, $0x38;
	[tilespmem:$0x4080] =	vst v63  }
0x34: {  	_ =	swait.ge [sflag:s7], $0x80  }
0x35: {  	[sflag:s7] =	ssyncset.done $0x0  }
0x36: {  	[sflag:s7] =	ssyncadd.s32 $0xFFFFFF80  }
0x37: {  	[hbm4b:s3+s9] =	stream.indirect.scatter [tilespmem:s2], [sflag:$0x1], $0x80, s8, s9, $0xb8;
	[tilespmem:$0x4080] =	vst v63  }
0x38: {  	_ =	swait.ge [sflag:s10], $0x4000  }
0x39: {  	[sflag:s10] =	ssyncset.done $0x0  }
0x3a: {  	s15 =	sadd.s32 $0x10, s14;
	[sflag:s10] =	ssyncadd.s32 $0xFFFFC000  }
0x3b: {  	[tilespmem:s8], [sflag:$0x2] =	stream.linear.gather [hbm4b:s15+s2], $0x80, $0x38;
	[tilespmem:$0x4080] =	vst v63  }
0x3c: {  	_ =	swait.ge [sflag:s7], $0x80  }
0x3d: {  	[sflag:s7] =	ssyncset.done $0x0  }
0x3e: {  	[sflag:s7] =	ssyncadd.s32 $0xFFFFFF80  }
0x3f: {  	[hbm4b:s3+s9] =	stream.indirect.scatter [tilespmem:s2], [sflag:$0x1], $0x80, s8, s9, $0xb8;
	[tilespmem:$0x4080] =	vst v63  }
0x40: {  	_ =	swait.ge [sflag:s10], $0x4000  }
0x41: {  	[sflag:s10] =	ssyncset.done $0x0  }
0x42: {  	s15 =	sadd.s32 $0x20, s14;
	[sflag:s10] =	ssyncadd.s32 $0xFFFFC000  }
0x43: {  	[tilespmem:s8], [sflag:$0x2] =	stream.linear.gather [hbm4b:s15+s2], $0x80, $0x38;
	[tilespmem:$0x4080] =	vst v63  }
0x44: {  	_ =	swait.ge [sflag:s7], $0x80  }
0x45: {  	[sflag:s7] =	ssyncset.done $0x0  }
0x46: {  	[sflag:s7] =	ssyncadd.s32 $0xFFFFFF80  }
0x47: {  	[hbm4b:s3+s9] =	stream.indirect.scatter [tilespmem:s2], [sflag:$0x1], $0x80, s8, s9, $0xb8;
	[tilespmem:$0x4080] =	vst v63  }
0x48: {  	_ =	swait.ge [sflag:s10], $0x4000  }
0x49: {  	[sflag:s10] =	ssyncset.done $0x0  }
0x4a: {  	s14 =	sadd.s32 $0x30, s14;
	[sflag:s10] =	ssyncadd.s32 $0xFFFFC000  }
0x4b: {  	[tilespmem:s8], [sflag:$0x2] =	stream.linear.gather [hbm4b:s14+s2], $0x80, $0x38;
	[tilespmem:$0x4080] =	vst v63  }
0x4c: {  	_ =	swait.ge [sflag:s7], $0x80  }
.Ltmp0:
0x4d: {  	[sflag:s7] =	ssyncset.done $0x0;
	(pc) =	sbr.rel @p0 .LBB2_2-.Ltmp0, $4  }
0x4e: {  	[sflag:s7] =	ssyncadd.s32 $0xFFFFFF80  }
0x4f: {  	[hbm4b:s3+s9] =	stream.indirect.scatter [tilespmem:s2], [sflag:$0x1], $0x80, s8, s9, $0xb8;
	[tilespmem:$0x4080] =	vst v63  }
0x50: {  	_ =	swait.ge [sflag:s10], $0x4000  }
0x51: {  	[sflag:s10] =	ssyncset.done $0x0  }
0x52: {  	s11 =	sadd.s32 $0x1, s11  }
0x53: {  	p0 =	sne.s32 s11, s4  }
.Ltmp1:
0x54: {  	_ = 	snop;
	(pc) =	sbr.rel @p0 .LBB2_1-.Ltmp1, $2  }
0x55: {  	_ =	sdelay $0x2  }
0x56: {  	[sflag:s10] =	ssyncadd.s32 $0xFFFFC000  }
0x57: {  	_ =	sfence.sel $0x180000  }
0x58: {  	[bflag:$0x0] =	sbarrier.arrive $0xFFFF  }
0x59: {  	p0 =	sne.s32 s1, $0x0;
	_ =	strace $0x9000004D  }
0x5a: {  	s0 =	sadd.s32 @!p0 $0x100000, s0;
	[bflag:$0x2] =	sbarrier.arrive $0xFFFF  }
0x5b: {  	[sflag:s0] =	ssyncadd.tile.s32 @!p0 $0x1;
	_ =	shalt  }
.Lfunc_end2:
_tile_overlayer_lowered:
.L_overlay_start_2:
0x5c: {  	(tag) =	ssettag $0x2  }
0x5d: {  	s0 =	rddreg [dreg:$0x0];
	s2 =	stileid.u32  }
0x5e: {  	s1 =	rddreg [dreg:$0x1];
	p0 =	sne.s32 s2, $0x0  }
0x5f: {  	s3 =	rddreg [dreg:$0x2];
	[bflag:$0x3] =	sbarrier.arrive $0xFFFF;
	s2 =	simm.s32 @!p0 $0x1C02  }
0x60: {  	[timem:s3], [sflag:s2] =	dma.local @!p0 [hbm:s0], s1  }
0x61: {  	s0 =	simm.s32 @!p0 $0x2  }
0x62: {  	_ =	swait.ge @!p0 [sflag:s0], s1  }
0x63: {  	s1 =	ssub.s32 @!p0 $0x0, s1;
	[sflag:s0] =	ssyncset.done @!p0 $0x0  }
0x64: {  	[sflag:s0] =	ssyncadd.s32 @!p0 s1  }
0x65: {  	[bflag:$0x3] =	sbarrier.arrive $0xFFFF  }
0x66: {  	_ =	shalt  }

// kernel: kernel.38.cloned.1.call-start
scs
__scs_entry_jumppad:
0x0: {  	(pc) =	sbr.rel $0x88, $3  }
0x1: {  	(tag) =	ssettag $0x0;
	lr =	simm.s32 $0x1  }
0x2: {  	[smem:$0x3F89] =	sst lr;
	_ =	strace $0xD0000000  }
0x3: {  	_ = 	snop  }
0x4: {  	_ = 	snop  }
0x5: {  	_ = 	snop  }
0x6: {  	_ = 	snop  }
0x7: {  	_ = 	snop  }
__scs_overlays_trampoline_lowered:
0x8: {  	[smem:$0x3F98] =	sst s0  }
0x9: {  	[smem:$0x3F99] =	sst s1  }
0xa: {  	[smem:$0x3F9A] =	sst s2  }
0xb: {  	[smem:$0x3F9B] =	sst s3  }
0xc: {  	[smem:$0x3F9C] =	sst s4  }
0xd: {  	[smem:$0x3F9D] =	sst s5  }
0xe: {  	[smem:$0x3F9E] =	sst s6  }
0xf: {  	[smem:$0x3F9F] =	sst s7  }
0x10: {  	[smem:$0x3FA0] =	sst s8  }
0x11: {  	[smem:$0x3FA1] =	sst s9;
	s0 =	simm.s32 @!p0 $0x0  }
0x12: {  	s1 =	sld [smem:$0x3F87];
	s0 =	simm.s32 @p0 $0x1  }
0x13: {  	[smem:$0x3FA2] =	sst s0;
	s0 =	simm.s32 @!p1 $0x0  }
0x14: {  	s2 =	sld [smem:$0x3F86];
	s0 =	simm.s32 @p1 $0x1  }
0x15: {  	[smem:$0x3FA3] =	sst s0;
	s0 =	simm.s32 @!p2 $0x0  }
0x16: {  	s3 =	sld [smem:$0x3FDB];
	s0 =	simm.s32 @p2 $0x1  }
0x17: {  	s4 =	simm.s32 $0x1BF5;
	[smem:$0x3FA5] =	sst s0  }
0x18: {  	s0 =	sld [smem:$0x3F88];
	_ =	swait.ge [sflag:s4], $0x0  }
0x19: {  	s7 =	sld [smem:$0x3F89]  }
0x1a: {  	s8 =	sadd.s32 $0xFFFFE003, lr  }
0x1b: {  	s9 =	sadd.s32 $0xFFFFFEF7, lr;
	s5 =	simm.s32 $0xFFFFFFFF;
	p2 =	slt.u32 s8, $0xFFFFF086  }
0x1c: {  	p1 =	slt.u32 s9, $0xF7A;
	s5 =	simm.s32 @!p2 $0x0  }
0x1d: {  	s5 =	simm.s32 @p1 $0x1;
	p0 =	seq.s32 s7, s2  }
0x1e: {  	s7 =	smul.u32 @!p0 $0xF7A, s2;
	p2 =	seq.s32 @!p0 s5, $0x0  }
0x1f: {  	s9 =	smul.u32 $0xF7A, s1;
	s8 =	simm.s32 @!p0 $0x1BF5;
	p2 =	por !p2, p0  }
0x20: {  	[sflag:s8] =	ssyncset.s32 @!p0 $0xFFFFF086;
	s6 =	sadd.s32 @!p0 s3, s7;
	s7 =	simm.s32 @!p0 $0x108  }
0x21: {  	s3 =	sadd.s32 s3, s9;
	s6 =	sadd.s32 @!p0 $0x88, s6;
	s7 =	simm.s32 @p2 $0x1082  }
0x22: {  	[simem:s7], [sflag:s8] =	dma.local @!p0 [hbm:s6], $0xF7A  }
0x23: {  	s9 =	sor.u32 $0xD0000000, s2;
	s6 =	simm.s32 $0x108;
	_ =	swait.ge @!p0 [sflag:s8], $0x0  }
0x24: {  	s3 =	sadd.s32 $0x88, s3;
	s6 =	simm.s32 @!p1 $0x1082;
	[sflag:s4] =	ssyncset.s32 $0xFFFFF086  }
0x25: {  	[simem:s6], [sflag:s4] =	dma.local [hbm:s3], $0xF7A  }
0x26: {  	[smem:$0x3F89] =	sst s1;
	(tag) =	ssettag s2;
	_ =	strace s9  }
0x27: {  	s1 =	sld [smem:$0x3F99]  }
0x28: {  	s2 =	sld [smem:$0x3F9A]  }
0x29: {  	s4 =	sld [smem:$0x3F9C]  }
0x2a: {  	p0 =	seq.s32 s5, $0x0;
	s5 =	sld [smem:$0x3F9D]  }
0x2b: {  	s6 =	sld [smem:$0x3F9E]  }
0x2c: {  	s7 =	sld [smem:$0x3F9F]  }
0x2d: {  	s3 =	simm.s32 $0x108;
	s8 =	sld [smem:$0x3FA0]  }
0x2e: {  	s3 =	simm.s32 @!p0 $0x1082;
	s9 =	sld [smem:$0x3FA1]  }
0x2f: {  	lr =	sadd.s32 s0, s3;
	s0 =	sld [smem:$0x3F98]  }
0x30: {  	s3 =	sld [smem:$0x3F9B]  }
0x31: {  	[smem:$0x3FA4] =	sst s10  }
0x32: {  	s10 =	sld [smem:$0x3FA2];
	_ =	sdelay $0x3  }
0x33: {  	p0 =	seq.s32 s10, $0x1;
	s10 =	sld [smem:$0x3FA4];
	_ =	sdelay $0x3  }
0x34: {  	[smem:$0x3FA4] =	sst s10  }
0x35: {  	s10 =	sld [smem:$0x3FA3];
	_ =	sdelay $0x3  }
0x36: {  	p1 =	seq.s32 s10, $0x1;
	s10 =	sld [smem:$0x3FA4];
	_ =	sdelay $0x3  }
0x37: {  	[smem:$0x3FA4] =	sst s10  }
0x38: {  	s10 =	sld [smem:$0x3FA5]  }
0x39: {  	_ = 	snop;
	(pc) =	sbr.ind lr, $3  }
0x3a: {  	_ = 	snop  }
0x3b: {  	_ = 	snop  }
0x3c: {  	p2 =	seq.s32 s10, $0x1;
	s10 =	sld [smem:$0x3FA4]  }
0x3d: {  	_ =	shalt  }
0x3e: {  	_ =	shalt  }
0x3f: {  	_ =	shalt  }
0x40: {  	_ =	shalt  }
0x41: {  	_ =	shalt  }
0x42: {  	_ =	shalt  }
0x43: {  	_ =	shalt  }
0x44: {  	_ =	shalt  }
0x45: {  	_ =	shalt  }
0x46: {  	_ =	shalt  }
0x47: {  	_ =	shalt  }
0x48: {  	_ =	shalt  }
0x49: {  	_ =	shalt  }
0x4a: {  	_ =	shalt  }
0x4b: {  	_ =	shalt  }
0x4c: {  	_ =	shalt  }
0x4d: {  	_ =	shalt  }
0x4e: {  	_ =	shalt  }
0x4f: {  	_ =	shalt  }
0x50: {  	_ =	shalt  }
0x51: {  	_ =	shalt  }
0x52: {  	_ =	shalt  }
0x53: {  	_ =	shalt  }
0x54: {  	_ =	shalt  }
0x55: {  	_ =	shalt  }
0x56: {  	_ =	shalt  }
0x57: {  	_ =	shalt  }
0x58: {  	_ =	shalt  }
0x59: {  	_ =	shalt  }
0x5a: {  	_ =	shalt  }
0x5b: {  	_ =	shalt  }
0x5c: {  	_ =	shalt  }
0x5d: {  	_ =	shalt  }
0x5e: {  	_ =	shalt  }
0x5f: {  	_ =	shalt  }
0x60: {  	_ =	shalt  }
0x61: {  	_ =	shalt  }
0x62: {  	_ =	shalt  }
0x63: {  	_ =	shalt  }
0x64: {  	_ =	shalt  }
0x65: {  	_ =	shalt  }
0x66: {  	_ =	shalt  }
0x67: {  	_ =	shalt  }
0x68: {  	_ =	shalt  }
0x69: {  	_ =	shalt  }
0x6a: {  	_ =	shalt  }
0x6b: {  	_ =	shalt  }
0x6c: {  	_ =	shalt  }
0x6d: {  	_ =	shalt  }
0x6e: {  	_ =	shalt  }
0x6f: {  	_ =	shalt  }
0x70: {  	_ =	shalt  }
0x71: {  	_ =	shalt  }
0x72: {  	_ =	shalt  }
0x73: {  	_ =	shalt  }
0x74: {  	_ =	shalt  }
0x75: {  	_ =	shalt  }
0x76: {  	_ =	shalt  }
0x77: {  	_ =	shalt  }
0x78: {  	_ =	shalt  }
0x79: {  	_ =	shalt  }
0x7a: {  	_ =	shalt  }
0x7b: {  	_ =	shalt  }
0x7c: {  	_ =	shalt  }
0x7d: {  	_ =	shalt  }
0x7e: {  	_ =	shalt  }
0x7f: {  	_ =	shalt  }
0x80: {  	_ =	shalt  }
0x81: {  	_ =	shalt  }
0x82: {  	_ =	shalt  }
0x83: {  	_ =	shalt  }
0x84: {  	_ =	shalt  }
0x85: {  	_ =	shalt  }
0x86: {  	_ =	shalt  }
0x87: {  	_ =	shalt  }
.Lfunc_end0:
.L_simem_size_0:
called_computation.3_lowered:
.L_overlay_start_0:
0x88: {  	s2 =	sld [smem:$0x3FD9]  }
0x89: {  	s3 =	sld [smem:$0x3FFE];
	_ =	sdelay $0x1  }
0x8a: {  	s1 =	srdreg.scid  }
0x8b: {  	s0 =	sand.u32 $0x1, s1  }
0x8c: {  	s16 =	sshll.u32 s0, $0xA;
	s2 =	sadd.s32 s3, s2  }
0x8d: {  	s2 =	sadd.s32 s2, s16  }
0x8e: {  	[smem:$0x3FB0] =	sst s2  }
0x8f: {  	_ = 	snop  }
0x90: {  	(tm) =	ssettm $0x1  }
0x91: {  	s17 =	sld [smem:$0x3FFB];
	_ =	sdelay $0x3  }
0x92: {  	_ =	strace s17  }
0x93: {  	s2 =	sld [smem:$0x3FFC];
	_ =	sdelay $0x3  }
0x94: {  	_ =	strace s2  }
0x95: {  	s2 =	sld [smem:$0x3FFD];
	_ =	sdelay $0x3  }
0x96: {  	_ =	strace s2  }
0x97: {  	_ =	strace $0x8FFFFFFF  }
0x98: {  	s18 =	sld [smem:$0x3FDB];
	_ =	sdelay $0x1  }
0x99: {  	s19 =	simm.s32 $_scs_section_size  }
0x9a: {  	s4 =	simm.s32 $_size__tile_overlayer_lowered;
	s5 =	simm.s32 $_tile_overlayer_lowered  }
0x9b: {  	s22 =	simm.s32 $0x1BFF;
	s21 =	sshll.u32 s5, $0x1;
	s2 =	sadd.s32 s19, s18  }
0x9c: {  	s6 =	simm.s32 $0x0;
	s20 =	sshll.u32 s4, $0x1;
	s4 =	sadd.s32 s21, s2  }
0x9d: {  	[timem:s6], [sflag:s22] =	dma.local [hbm:s4], s20  }
0x9e: {  	_ =	swait.ge [sflag:s22], s20  }
0x9f: {  	s3 =	ssub.s32 $0x0, s20;
	[sflag:s22] =	ssyncset.done $0x0  }
0xa0: {  	[sflag:s22] =	ssyncadd.s32 s3;
	_ =	sdelay $0x1  }
0xa1: {  	s23 =	simm.s32 $0x1B8B  }
0xa2: {  	_ =	swait.ge [sflag:s23], $0x1  }
0xa3: {  	[sflag:s23] =	ssyncset.done $0x0  }
0xa4: {  	s25 =	simm.s32 $0x1B8E;
	s24 =	sld [smem:$0x3FFE];
	[sflag:s23] =	ssyncadd.s32 $0xFFFFFFFF  }
0xa5: {  	s26 =	simm.s32 $execute0_lowered;
	[smem:$0x3FD2] =	sst s25  }
0xa6: {  	s4 =	sshll.u32 s26, $0x1;
	_ =	strace $0x8000004F;
	[dreg:$0x1] =	wrdreg $0xFFFFFFFF  }
0xa7: {  	s28 =	simm.s32 $_size_execute0_lowered;
	s2 =	sadd.s32 s2, s4;
	[dreg:$0x0] =	wrdreg $0x0  }
0xa8: {  	s4 =	sshll.u32 s28, $0x1;
	[dreg:$0x2] =	wrdreg s2  }
0xa9: {  	[dreg:$0x3] =	wrdreg s4  }
0xaa: {  	[dreg:$0x4] =	wrdreg $0xC0  }
0xab: {  	_ =	task [dreg:s6], $0x5FFFF  }
0xac: {  	[dreg:$0x1] =	wrdreg $0xFFFFFFFF  }
0xad: {  	[dreg:$0x0] =	wrdreg $0x60  }
0xae: {  	[dreg:$0x2] =	wrdreg s24  }
0xaf: {  	[dreg:$0x3] =	wrdreg $0x9  }
0xb0: {  	_ =	task.clear_ibuf [dreg:s6], $0x4FFFF;
	_ =	strace $0x9000004F  }
0xb1: {  	s29 =	simm.s32 $0x9;
	_ =	strace $0x80000051  }
0xb2: {  	_ =	swait.ge [sflag:s29], $0x1  }
0xb3: {  	[sflag:s29] =	ssyncadd.s32 $0xFFFFFFFF  }
0xb4: {  	_ =	strace $0x90000051  }
0xb5: {  	_ =	sfence  }
0xb6: {  	s30 =	sld [smem:$0x0];
	_ =	sdelay $0x2  }
0xb7: {  	s31 =	sshll.u32 s1, $0xD;
	s1 =	sshrl.u32 s1, $0x2  }
0xb8: {  	s3 =	sand.u32 $0x4000, s31;
	s1 =	sadd.s32 s1, s30  }
0xb9: {  	s0 =	sor.u32 s3, s0;
	s1 =	sshll.u32 s1, $0x11  }
0xba: {  	s0 =	sor.u32 s1, s0  }
0xbb: {  	s0 =	sadd.s32 $0x8F2B, s0  }
0xbc: {  	[sflag:s0] =	ssyncadd.remote.s32 $0x1  }
0xbd: {  	_ =	sfence.sel $0xFFFF  }
0xbe: {  	[dreg:$0x0] =	wrdreg $0xFFFFFFFF;
	(pc) =	sbr.abs _section_cstart, $3  }
0xbf: {  	[dreg:$0x1] =	wrdreg $0xFFFFFFFF  }
0xc0: {  	_ =	task.clear_ibuf [dreg:s6], $0x2FFFF;
	_ =	strace $0x9FFFFFFF  }
0xc1: {  	(tm) =	ssettm $0x7FFFFFFF  }
tec
execute0_lowered:
.L_overlay_start_1:
0x0: {  	(tag) =	ssettag $0x1  }
0x1: {  	s4 =	rddreg [dreg:$0x0]  }
0x2: {  	s0 =	rddreg [dreg:$0x1]  }
0x3: {  	s2 =	simm.s32 $0x0;
	s5 =	srdreg.scid;
	s1 =	stileid.u32  }
0x4: {  	s12 =	simm.s32 $0x0;
	[smem:$0x7FF] =	sst s2;
	s6 =	sand.u32 $0x1, s5  }
0x5: {  	s3 =	sadd.s32 $0xA5B800, s4;
	s7 =	sshll.u32 s1, $0xB;
	s9 =	sshll.u32 s1, $0x12  }
0x6: {  	s5 =	sshll.u32 s5, $0x6;
	_ =	strace $0x80000050;
	s8 =	ssub.s32 $0x2, s6  }
0x7: {  	s7 =	sadd.s32 s7, s4;
	s9 =	sadd.s32 s9, s4;
	s29 =	sshll.u32 s6, $0x6  }
0x8: {  	s5 =	sor.u32 $0x20, s5;
	s11 =	sshll.u32 s6, $0x11;
	s10 =	sshrl.u32 s8, $0x1  }
0x9: {  	s7 =	sadd.s32 $0x10BC00, s7;
	s30 =	sand.u32 $0x60, s5;
	s31 =	sadd.s32 s11, s9  }
0xa: {  	s9 =	simm.s32 $0x2;
	s11 =	simm.s32 $0x1;
	s28 =	ssub.s32 s8, s10  }
0xb: {  	s5 =	sadd.s32 s29, s7;
	s6 =	sadd.s32 s30, s7;
	s7 =	sadd.s32 $0x3AB800, s31  }
0xc: {  	s8 =	simm.s32 $0x4000;
	s10 =	simm.s32 $0x80;
	s4 =	smax.u32 s28, $0x1  }
.LBB2_1:
0xd: {  	s13 =	sadd.s32 $0x0, s5  }
0xe: {  	[tilespmem:s8], [sflag:$0x2] =	stream.linear.gather [hbm4b:s13+s2], $0x80, $0x38;
	[tilespmem:$0x4080] =	vst v63  }
0xf: {  	_ =	swait.ge [sflag:s9], $0x80  }
0x10: {  	[sflag:s9] =	ssyncset.done $0x0  }
0x11: {  	[sflag:s9] =	ssyncadd.s32 $0xFFFFFF80  }
0x12: {  	[tilespmem:s2], [sflag:$0x1] =	stream.indirect.gather [hbm4b:s3+s10], $0x80, s8, s10, $0xb8;
	[tilespmem:$0x4080] =	vst v63  }
0x13: {  	_ =	swait.ge [sflag:s11], $0x4000  }
0x14: {  	[sflag:s11] =	ssyncset.done $0x0  }
0x15: {  	s14 =	sadd.s32 $0xFFFE8000, s7;
	[sflag:s11] =	ssyncadd.s32 $0xFFFFC000  }
0x16: {  	[hbm4b:s14+s2] =	stream.linear.scatter [tilespmem:s2], [sflag:$0x2], $0x4000, $0x38;
	[tilespmem:$0x4080] =	vst v63  }
0x17: {  	_ =	swait.ge [sflag:s9], $0x4000  }
0x18: {  	[sflag:s9] =	ssyncset.done $0x0  }
0x19: {  	s28 =	sadd.s32 $0x10, s13;
	[sflag:s9] =	ssyncadd.s32 $0xFFFFC000  }
0x1a: {  	[tilespmem:s8], [sflag:$0x2] =	stream.linear.gather [hbm4b:s28+s2], $0x80, $0x38;
	[tilespmem:$0x4080] =	vst v63  }
0x1b: {  	_ =	swait.ge [sflag:s9], $0x80  }
0x1c: {  	[sflag:s9] =	ssyncset.done $0x0  }
0x1d: {  	[sflag:s9] =	ssyncadd.s32 $0xFFFFFF80  }
0x1e: {  	[tilespmem:s2], [sflag:$0x1] =	stream.indirect.gather [hbm4b:s3+s10], $0x80, s8, s10, $0xb8;
	[tilespmem:$0x4080] =	vst v63  }
0x1f: {  	_ =	swait.ge [sflag:s11], $0x4000  }
0x20: {  	[sflag:s11] =	ssyncset.done $0x0  }
0x21: {  	s29 =	sadd.s32 $0xFFFF0000, s7;
	[sflag:s11] =	ssyncadd.s32 $0xFFFFC000  }
0x22: {  	[hbm4b:s29+s2] =	stream.linear.scatter [tilespmem:s2], [sflag:$0x2], $0x4000, $0x38;
	[tilespmem:$0x4080] =	vst v63  }
0x23: {  	_ =	swait.ge [sflag:s9], $0x4000  }
0x24: {  	[sflag:s9] =	ssyncset.done $0x0  }
0x25: {  	s30 =	sadd.s32 $0x0, s6;
	[sflag:s9] =	ssyncadd.s32 $0xFFFFC000  }
0x26: {  	[tilespmem:s8], [sflag:$0x2] =	stream.linear.gather [hbm4b:s30+s2], $0x80, $0x38;
	[tilespmem:$0x4080] =	vst v63  }
0x27: {  	_ =	swait.ge [sflag:s9], $0x80  }
0x28: {  	[sflag:s9] =	ssyncset.done $0x0  }
0x29: {  	[sflag:s9] =	ssyncadd.s32 $0xFFFFFF80  }
0x2a: {  	[tilespmem:s2], [sflag:$0x1] =	stream.indirect.gather [hbm4b:s3+s10], $0x80, s8, s10, $0xb8;
	[tilespmem:$0x4080] =	vst v63  }
0x2b: {  	_ =	swait.ge [sflag:s11], $0x4000  }
0x2c: {  	[sflag:s11] =	ssyncset.done $0x0  }
0x2d: {  	s31 =	sadd.s32 $0xFFFF8000, s7;
	[sflag:s11] =	ssyncadd.s32 $0xFFFFC000  }
0x2e: {  	[hbm4b:s31+s2] =	stream.linear.scatter [tilespmem:s2], [sflag:$0x2], $0x4000, $0x38;
	[tilespmem:$0x4080] =	vst v63  }
0x2f: {  	_ =	swait.ge [sflag:s9], $0x4000  }
0x30: {  	[sflag:s9] =	ssyncset.done $0x0  }
0x31: {  	s13 =	sadd.s32 $0x30, s13;
	[sflag:s9] =	ssyncadd.s32 $0xFFFFC000  }
0x32: {  	[tilespmem:s8], [sflag:$0x2] =	stream.linear.gather [hbm4b:s13+s2], $0x80, $0x38;
	[tilespmem:$0x4080] =	vst v63  }
0x33: {  	_ =	swait.ge [sflag:s9], $0x80  }
0x34: {  	[sflag:s9] =	ssyncset.done $0x0  }
0x35: {  	[sflag:s9] =	ssyncadd.s32 $0xFFFFFF80  }
0x36: {  	[tilespmem:s2], [sflag:$0x1] =	stream.indirect.gather [hbm4b:s3+s10], $0x80, s8, s10, $0xb8;
	[tilespmem:$0x4080] =	vst v63  }
0x37: {  	_ =	swait.ge [sflag:s11], $0x4000  }
0x38: {  	[sflag:s11] =	ssyncset.done $0x0  }
0x39: {  	[sflag:s11] =	ssyncadd.s32 $0xFFFFC000  }
0x3a: {  	[hbm4b:s7+s2] =	stream.linear.scatter [tilespmem:s2], [sflag:$0x2], $0x4000, $0x38;
	[tilespmem:$0x4080] =	vst v63  }
0x3b: {  	s17 =	simm.s32 $0x100;
	_ =	swait.ge [sflag:s9], $0x4000  }
0x3c: {  	s14 =	simm.s32 $0x80;
	s13 =	sadd.s32 $0x800, s7;
	[sflag:s9] =	ssyncset.done $0x0  }
.LBB2_2:
0x3d: {  	s16 =	sadd.s32 s14, s5  }
0x3e: {  	[sflag:s9] =	ssyncadd.s32 $0xFFFFC000;
	s18 =	smov.u32 s17;
	s15 =	sadd.s32 $0x80, s17  }
0x3f: {  	[tilespmem:s8], [sflag:$0x2] =	stream.linear.gather [hbm4b:s16+s2], $0x80, $0x38;
	[tilespmem:$0x4080] =	vst v63  }
0x40: {  	p0 =	sne.s32 s17, $0x780;
	_ =	swait.ge [sflag:s9], $0x80  }
0x41: {  	[sflag:s9] =	ssyncset.done $0x0  }
0x42: {  	[sflag:s9] =	ssyncadd.s32 $0xFFFFFF80  }
0x43: {  	[tilespmem:s2], [sflag:$0x1] =	stream.indirect.gather [hbm4b:s3+s10], $0x80, s8, s10, $0xb8;
	[tilespmem:$0x4080] =	vst v63  }
0x44: {  	_ =	swait.ge [sflag:s11], $0x4000  }
0x45: {  	[sflag:s11] =	ssyncset.done $0x0  }
0x46: {  	s17 =	sadd.s32 $0xFFFE8000, s13;
	[sflag:s11] =	ssyncadd.s32 $0xFFFFC000  }
0x47: {  	[hbm4b:s17+s2] =	stream.linear.scatter [tilespmem:s2], [sflag:$0x2], $0x4000, $0x38;
	[tilespmem:$0x4080] =	vst v63  }
0x48: {  	_ =	swait.ge [sflag:s9], $0x4000  }
0x49: {  	[sflag:s9] =	ssyncset.done $0x0  }
0x4a: {  	s17 =	sadd.s32 $0x10, s16;
	[sflag:s9] =	ssyncadd.s32 $0xFFFFC000  }
0x4b: {  	[tilespmem:s8], [sflag:$0x2] =	stream.linear.gather [hbm4b:s17+s2], $0x80, $0x38;
	[tilespmem:$0x4080] =	vst v63  }
0x4c: {  	_ =	swait.ge [sflag:s9], $0x80  }
0x4d: {  	[sflag:s9] =	ssyncset.done $0x0  }
0x4e: {  	[sflag:s9] =	ssyncadd.s32 $0xFFFFFF80  }
0x4f: {  	[tilespmem:s2], [sflag:$0x1] =	stream.indirect.gather [hbm4b:s3+s10], $0x80, s8, s10, $0xb8;
	[tilespmem:$0x4080] =	vst v63  }
0x50: {  	_ =	swait.ge [sflag:s11], $0x4000  }
0x51: {  	[sflag:s11] =	ssyncset.done $0x0  }
0x52: {  	s17 =	sadd.s32 $0xFFFF0000, s13;
	[sflag:s11] =	ssyncadd.s32 $0xFFFFC000  }
0x53: {  	[hbm4b:s17+s2] =	stream.linear.scatter [tilespmem:s2], [sflag:$0x2], $0x4000, $0x38;
	[tilespmem:$0x4080] =	vst v63  }
0x54: {  	_ =	swait.ge [sflag:s9], $0x4000  }
0x55: {  	[sflag:s9] =	ssyncset.done $0x0  }
0x56: {  	s17 =	sadd.s32 s14, s6;
	s14 =	smov.u32 s18;
	[sflag:s9] =	ssyncadd.s32 $0xFFFFC000  }
0x57: {  	[tilespmem:s8], [sflag:$0x2] =	stream.linear.gather [hbm4b:s17+s2], $0x80, $0x38;
	[tilespmem:$0x4080] =	vst v63  }
0x58: {  	_ =	swait.ge [sflag:s9], $0x80  }
0x59: {  	[sflag:s9] =	ssyncset.done $0x0  }
0x5a: {  	[sflag:s9] =	ssyncadd.s32 $0xFFFFFF80  }
0x5b: {  	[tilespmem:s2], [sflag:$0x1] =	stream.indirect.gather [hbm4b:s3+s10], $0x80, s8, s10, $0xb8;
	[tilespmem:$0x4080] =	vst v63  }
0x5c: {  	_ =	swait.ge [sflag:s11], $0x4000  }
0x5d: {  	[sflag:s11] =	ssyncset.done $0x0  }
0x5e: {  	s17 =	sadd.s32 $0xFFFF8000, s13;
	[sflag:s11] =	ssyncadd.s32 $0xFFFFC000  }
0x5f: {  	[hbm4b:s17+s2] =	stream.linear.scatter [tilespmem:s2], [sflag:$0x2], $0x4000, $0x38;
	[tilespmem:$0x4080] =	vst v63  }
0x60: {  	_ =	swait.ge [sflag:s9], $0x4000  }
0x61: {  	[sflag:s9] =	ssyncset.done $0x0  }
0x62: {  	s16 =	sadd.s32 $0x30, s16;
	[sflag:s9] =	ssyncadd.s32 $0xFFFFC000  }
0x63: {  	[tilespmem:s8], [sflag:$0x2] =	stream.linear.gather [hbm4b:s16+s2], $0x80, $0x38;
	[tilespmem:$0x4080] =	vst v63  }
0x64: {  	_ =	swait.ge [sflag:s9], $0x80  }
0x65: {  	[sflag:s9] =	ssyncset.done $0x0  }
0x66: {  	[sflag:s9] =	ssyncadd.s32 $0xFFFFFF80  }
0x67: {  	[tilespmem:s2], [sflag:$0x1] =	stream.indirect.gather [hbm4b:s3+s10], $0x80, s8, s10, $0xb8;
	[tilespmem:$0x4080] =	vst v63  }
0x68: {  	_ =	swait.ge [sflag:s11], $0x4000  }
.Ltmp0:
0x69: {  	[sflag:s11] =	ssyncset.done $0x0;
	(pc) =	sbr.rel @p0 .LBB2_2-.Ltmp0, $4  }
0x6a: {  	[sflag:s11] =	ssyncadd.s32 $0xFFFFC000  }
0x6b: {  	[hbm4b:s13+s2] =	stream.linear.scatter [tilespmem:s2], [sflag:$0x2], $0x4000, $0x38;
	[tilespmem:$0x4080] =	vst v63  }
0x6c: {  	_ =	swait.ge [sflag:s9], $0x4000  }
0x6d: {  	s17 =	smov.u32 s15;
	s13 =	sadd.s32 $0x800, s13;
	[sflag:s9] =	ssyncset.done $0x0  }
0x6e: {  	s15 =	sadd.s32 s14, s5;
	[sflag:s9] =	ssyncadd.s32 $0xFFFFC000  }
0x6f: {  	[tilespmem:s8], [sflag:$0x2] =	stream.linear.gather [hbm4b:s15+s2], $0x80, $0x38;
	[tilespmem:$0x4080] =	vst v63  }
0x70: {  	_ =	swait.ge [sflag:s9], $0x80  }
0x71: {  	[sflag:s9] =	ssyncset.done $0x0  }
0x72: {  	[sflag:s9] =	ssyncadd.s32 $0xFFFFFF80  }
0x73: {  	[tilespmem:s2], [sflag:$0x1] =	stream.indirect.gather [hbm4b:s3+s10], $0x80, s8, s10, $0xb8;
	[tilespmem:$0x4080] =	vst v63  }
0x74: {  	_ =	swait.ge [sflag:s11], $0x4000  }
0x75: {  	[sflag:s11] =	ssyncset.done $0x0  }
0x76: {  	s16 =	sadd.s32 $0xFFFE8000, s13;
	[sflag:s11] =	ssyncadd.s32 $0xFFFFC000  }
0x77: {  	[hbm4b:s16+s2] =	stream.linear.scatter [tilespmem:s2], [sflag:$0x2], $0x4000, $0x38;
	[tilespmem:$0x4080] =	vst v63  }
0x78: {  	_ =	swait.ge [sflag:s9], $0x4000  }
0x79: {  	[sflag:s9] =	ssyncset.done $0x0  }
0x7a: {  	s26 =	sadd.s32 $0x10, s15;
	[sflag:s9] =	ssyncadd.s32 $0xFFFFC000  }
0x7b: {  	[tilespmem:s8], [sflag:$0x2] =	stream.linear.gather [hbm4b:s26+s2], $0x80, $0x38;
	[tilespmem:$0x4080] =	vst v63  }
0x7c: {  	_ =	swait.ge [sflag:s9], $0x80  }
0x7d: {  	[sflag:s9] =	ssyncset.done $0x0  }
0x7e: {  	[sflag:s9] =	ssyncadd.s32 $0xFFFFFF80  }
0x7f: {  	[tilespmem:s2], [sflag:$0x1] =	stream.indirect.gather [hbm4b:s3+s10], $0x80, s8, s10, $0xb8;
	[tilespmem:$0x4080] =	vst v63  }
0x80: {  	_ =	swait.ge [sflag:s11], $0x4000  }
0x81: {  	[sflag:s11] =	ssyncset.done $0x0  }
0x82: {  	s28 =	sadd.s32 $0xFFFF0000, s13;
	[sflag:s11] =	ssyncadd.s32 $0xFFFFC000  }
0x83: {  	[hbm4b:s28+s2] =	stream.linear.scatter [tilespmem:s2], [sflag:$0x2], $0x4000, $0x38;
	[tilespmem:$0x4080] =	vst v63  }
0x84: {  	_ =	swait.ge [sflag:s9], $0x4000  }
0x85: {  	[sflag:s9] =	ssyncset.done $0x0  }
0x86: {  	s29 =	sadd.s32 s14, s6;
	[sflag:s9] =	ssyncadd.s32 $0xFFFFC000  }
0x87: {  	[tilespmem:s8], [sflag:$0x2] =	stream.linear.gather [hbm4b:s29+s2], $0x80, $0x38;
	[tilespmem:$0x4080] =	vst v63  }
0x88: {  	_ =	swait.ge [sflag:s9], $0x80  }
0x89: {  	[sflag:s9] =	ssyncset.done $0x0  }
0x8a: {  	[sflag:s9] =	ssyncadd.s32 $0xFFFFFF80  }
0x8b: {  	[tilespmem:s2], [sflag:$0x1] =	stream.indirect.gather [hbm4b:s3+s10], $0x80, s8, s10, $0xb8;
	[tilespmem:$0x4080] =	vst v63  }
0x8c: {  	_ =	swait.ge [sflag:s11], $0x4000  }
0x8d: {  	[sflag:s11] =	ssyncset.done $0x0  }
0x8e: {  	s30 =	sadd.s32 $0xFFFF8000, s13;
	[sflag:s11] =	ssyncadd.s32 $0xFFFFC000  }
0x8f: {  	[hbm4b:s30+s2] =	stream.linear.scatter [tilespmem:s2], [sflag:$0x2], $0x4000, $0x38;
	[tilespmem:$0x4080] =	vst v63  }
0x90: {  	_ =	swait.ge [sflag:s9], $0x4000  }
0x91: {  	[sflag:s9] =	ssyncset.done $0x0  }
0x92: {  	s31 =	sadd.s32 $0x30, s15;
	[sflag:s9] =	ssyncadd.s32 $0xFFFFC000  }
0x93: {  	[tilespmem:s8], [sflag:$0x2] =	stream.linear.gather [hbm4b:s31+s2], $0x80, $0x38;
	[tilespmem:$0x4080] =	vst v63  }
0x94: {  	_ =	swait.ge [sflag:s9], $0x80  }
0x95: {  	[sflag:s9] =	ssyncset.done $0x0  }
0x96: {  	[sflag:s9] =	ssyncadd.s32 $0xFFFFFF80  }
0x97: {  	[tilespmem:s2], [sflag:$0x1] =	stream.indirect.gather [hbm4b:s3+s10], $0x80, s8, s10, $0xb8;
	[tilespmem:$0x4080] =	vst v63  }
0x98: {  	s12 =	sadd.s32 $0x1, s12;
	_ =	swait.ge [sflag:s11], $0x4000  }
0x99: {  	p0 =	sne.s32 s12, s4;
	[sflag:s11] =	ssyncset.done $0x0  }
.Ltmp1:
0x9a: {  	[sflag:s11] =	ssyncadd.s32 $0xFFFFC000;
	(pc) =	sbr.rel @p0 .LBB2_1-.Ltmp1, $4  }
0x9b: {  	[hbm4b:s13+s2] =	stream.linear.scatter [tilespmem:s2], [sflag:$0x2], $0x4000, $0x38;
	[tilespmem:$0x4080] =	vst v63  }
0x9c: {  	_ =	swait.ge [sflag:s9], $0x4000  }
0x9d: {  	[sflag:s9] =	ssyncset.done $0x0  }
0x9e: {  	[sflag:s9] =	ssyncadd.s32 $0xFFFFC000  }
0x9f: {  	_ =	sfence.sel $0x180000  }
0xa0: {  	[bflag:$0x0] =	sbarrier.arrive $0xFFFF  }
0xa1: {  	p0 =	sne.s32 s1, $0x0;
	_ =	strace $0x90000050  }
0xa2: {  	s0 =	sadd.s32 @!p0 $0x100000, s0;
	[bflag:$0x2] =	sbarrier.arrive $0xFFFF  }
0xa3: {  	[sflag:s0] =	ssyncadd.tile.s32 @!p0 $0x1;
	_ =	shalt  }
.Lfunc_end2:
_tile_overlayer_lowered:
.L_overlay_start_2:
0xa4: {  	(tag) =	ssettag $0x2  }
0xa5: {  	s0 =	rddreg [dreg:$0x0];
	s2 =	stileid.u32  }
0xa6: {  	s1 =	rddreg [dreg:$0x1];
	p0 =	sne.s32 s2, $0x0  }
0xa7: {  	s3 =	rddreg [dreg:$0x2];
	[bflag:$0x3] =	sbarrier.arrive $0xFFFF;
	s2 =	simm.s32 @!p0 $0x1C02  }
0xa8: {  	[timem:s3], [sflag:s2] =	dma.local @!p0 [hbm:s0], s1  }
0xa9: {  	s0 =	simm.s32 @!p0 $0x2  }
0xaa: {  	_ =	swait.ge @!p0 [sflag:s0], s1  }
0xab: {  	s1 =	ssub.s32 @!p0 $0x0, s1;
	[sflag:s0] =	ssyncset.done @!p0 $0x0  }
0xac: {  	[sflag:s0] =	ssyncadd.s32 @!p0 s1  }
0xad: {  	[bflag:$0x3] =	sbarrier.arrive $0xFFFF  }
0xae: {  	_ =	shalt  }

</sc_bundles>
